<compile_context>
chip_gen: v7x
topology: tpu7x:2x2x1
jax: 0.10.2.dev20260603
libtpu: 0.0.44.dev20260713+nightly
codegen_flags: <defaults>
</compile_context>

<pallas_src>
import jax
import jax.numpy as jnp
from jax import lax
from jax.experimental import pallas as pl
from jax.experimental.pallas import tpu as pltpu
from jax.experimental.pallas import tpu_sc as plsc

N_GOALS = 16
BATCH = 4096
FEAT = 128
HID = 128
BLOCK = 256
N_BLOCKS = BATCH // BLOCK

_SORT_TILES = 16
_SORT_CHUNK = BATCH // _SORT_TILES
_SORT_SUB = _SORT_CHUNK // 128

_SCAT_TILES = 32
_SCAT_CHUNK = BATCH // _SCAT_TILES


_N_TILES = 32
_CHUNK = BATCH // _N_TILES
_N_GROUPS = _CHUNK // 16

_MESH = dict(core_axis_name="c", subcore_axis_name="s")


def _wid():
    return lax.axis_index("s") * 2 + lax.axis_index("c")


def _dispatch_body(goal_hbm, feat_hbm, xs_hbm, pos_hbm, seg_hbm,
                   goal_v, run_v, tmp0_v, tmp1_v, tmp2_v, tmp3_v, seg_v,
                   pos_v, rows_v, sem):
    wid = _wid()
    base = wid * _CHUNK
    pltpu.sync_copy(goal_hbm, goal_v)
    ones = jnp.ones((16,), jnp.int32)

    tmps = (tmp0_v, tmp1_v, tmp2_v, tmp3_v)
    tot = jnp.zeros((N_GOALS,), jnp.int32)
    bef = jnp.zeros((N_GOALS,), jnp.int32)
    for r in range(_N_TILES // 4):
        for j in range(4):
            c = r * 4 + j
            tmps[j][...] = jnp.zeros((N_GOALS,), jnp.int32)
            for k in range(_N_GROUPS):
                plsc.addupdate_scatter(
                    tmps[j], [goal_v[pl.ds(c * _CHUNK + k * 16, 16)]], ones)
        for j in range(4):
            c = r * 4 + j
            row = tmps[j][...]
            tot = tot + row
            bef = bef + jnp.where(
                jnp.full((N_GOALS,), c, jnp.int32) < wid, row, 0)
    seg = plsc.cumsum(tot) - tot
    seg_v[...] = seg
    run_v[...] = seg + bef

    @pl.when(wid == 0)
    def _():
        pltpu.sync_copy(seg_v, seg_hbm)

    for k in range(_N_GROUPS):
        g16 = goal_v[pl.ds(base + k * 16, 16)]
        rank16, _ = plsc.scan_count(g16)
        pos16 = plsc.load_gather(run_v, [g16]) + rank16 - 1
        pos_v[0, pl.ds(k * 16, 16)] = pos16
        plsc.addupdate_scatter(run_v, [g16], ones)

    pltpu.sync_copy(feat_hbm.at[pl.ds(base, _CHUNK)], rows_v)
    pltpu.sync_copy(rows_v, xs_hbm.at[pos_v.at[0]])
    pltpu.sync_copy(pos_v.at[0], pos_hbm.at[pl.ds(base, _CHUNK)])


def _dispatch_call(goal_flat, features):
    fn = pl.kernel(
        _dispatch_body,
        out_type=(
            jax.ShapeDtypeStruct((BATCH, FEAT), jnp.float32),
            jax.ShapeDtypeStruct((BATCH,), jnp.int32),
            jax.ShapeDtypeStruct((N_GOALS,), jnp.int32),
        ),
        mesh=plsc.VectorSubcoreMesh(**_MESH),
        scratch_types=[
            pltpu.VMEM((BATCH,), jnp.int32),
            pltpu.VMEM((N_GOALS,), jnp.int32),
            pltpu.VMEM((N_GOALS,), jnp.int32),
            pltpu.VMEM((N_GOALS,), jnp.int32),
            pltpu.VMEM((N_GOALS,), jnp.int32),
            pltpu.VMEM((N_GOALS,), jnp.int32),
            pltpu.VMEM((N_GOALS,), jnp.int32),
            pltpu.VMEM((1, _CHUNK), jnp.int32),
            pltpu.VMEM((_CHUNK, FEAT), jnp.float32),
            pltpu.SemaphoreType.DMA,
        ],
        compiler_params=pltpu.CompilerParams(needs_layout_passes=False, skip_device_barrier=True),
    )
    return fn(goal_flat, features)


def _sort_call(goal_flat, features):
    return _dispatch_call(goal_flat, features)


def _mm(a, b_ref_slot):
    return jax.lax.dot_general(a, b_ref_slot, (((1,), (0,)), ((), ())),
                               preferred_element_type=jnp.float32)


def _tc_body(seg_ref, xs_ref, wp1_ref, bp1_ref, wp2_ref, bp2_ref,
             wv1_ref, bv1_ref, wv2_ref, bv2_ref, opi_ref, ovf_ref):
    b = pl.program_id(0)
    row0 = b * BLOCK
    xb = xs_ref[...].astype(jnp.bfloat16)
    opi_ref[...] = jnp.zeros((BLOCK, HID), jnp.float32)
    ovf_ref[...] = jnp.zeros((BLOCK, HID), jnp.float32)
    rows = row0 + jax.lax.broadcasted_iota(jnp.int32, (BLOCK, 1), 0)

    def body(g, carry):
        s = seg_ref[g]
        nxt = seg_ref[jnp.minimum(g + 1, N_GOALS - 1)]
        e = jnp.where(g == N_GOALS - 1, BATCH, nxt)

        @pl.when((s < row0 + BLOCK) & (e > row0))
        def _go():
            m = (rows >= s) & (rows < e)
            h = jnp.maximum(_mm(xb, wp1_ref[g])
                            + bp1_ref[g], 0.0).astype(jnp.bfloat16)
            h = jnp.maximum(_mm(h, wp2_ref[g])
                            + bp2_ref[g], 0.0)
            opi_ref[...] = jnp.where(m, h, opi_ref[...])
            h = jnp.maximum(_mm(xb, wv1_ref[g])
                            + bv1_ref[g], 0.0).astype(jnp.bfloat16)
            h = jnp.maximum(_mm(h, wv2_ref[g])
                            + bv2_ref[g], 0.0)
            ovf_ref[...] = jnp.where(m, h, ovf_ref[...])

        return carry

    lax.fori_loop(0, N_GOALS, body, 0)


def _tc_call(seg, xs, Wp1, bp1, Wp2, bp2, Wv1, bv1, Wv2, bv2):
    full_w = pl.BlockSpec((N_GOALS, FEAT, HID), lambda b: (0, 0, 0))
    full_b = pl.BlockSpec((N_GOALS, 1, HID), lambda b: (0, 0, 0))
    grid_spec = pl.GridSpec(
        grid=(N_BLOCKS,),
        in_specs=[
            pl.BlockSpec(memory_space=pltpu.SMEM),
            pl.BlockSpec((BLOCK, FEAT), lambda b: (b, 0)),
            full_w, full_b, full_w, full_b,
            full_w, full_b, full_w, full_b,
        ],
        out_specs=[
            pl.BlockSpec((BLOCK, HID), lambda b: (b, 0)),
            pl.BlockSpec((BLOCK, HID), lambda b: (b, 0)),
        ],
    )
    return pl.pallas_call(
        _tc_body,
        grid_spec=grid_spec,
        out_shape=[
            jax.ShapeDtypeStruct((BATCH, HID), jnp.float32),
            jax.ShapeDtypeStruct((BATCH, HID), jnp.float32),
        ],
        compiler_params=pltpu.CompilerParams(
            dimension_semantics=("arbitrary",),
            skip_device_barrier=True,
        ),
    )(seg, xs,
      Wp1.astype(jnp.bfloat16), bp1.reshape(N_GOALS, 1, HID),
      Wp2.astype(jnp.bfloat16), bp2.reshape(N_GOALS, 1, HID),
      Wv1.astype(jnp.bfloat16), bv1.reshape(N_GOALS, 1, HID),
      Wv2.astype(jnp.bfloat16), bv2.reshape(N_GOALS, 1, HID))


def _scat_body(ypi_hbm, yvf_hbm, pos_hbm, opi_hbm, ovf_hbm,
               idx_v, rpi_v, rvf_v, sem):
    cid = lax.axis_index("c")
    sid = lax.axis_index("s")
    wid = sid * 2 + cid
    base = wid * _SCAT_CHUNK
    pltpu.sync_copy(pos_hbm.at[pl.ds(base, _SCAT_CHUNK)], idx_v)
    pltpu.sync_copy(ypi_hbm.at[idx_v], rpi_v)
    pltpu.sync_copy(yvf_hbm.at[idx_v], rvf_v)
    pltpu.sync_copy(rpi_v, opi_hbm.at[pl.ds(base, _SCAT_CHUNK)])
    pltpu.sync_copy(rvf_v, ovf_hbm.at[pl.ds(base, _SCAT_CHUNK)])


def _scat_call(ypi, yvf, pos):
    fn = pl.kernel(
        _scat_body,
        out_type=(
            jax.ShapeDtypeStruct((BATCH, HID), jnp.float32),
            jax.ShapeDtypeStruct((BATCH, HID), jnp.float32),
        ),
        mesh=plsc.VectorSubcoreMesh(core_axis_name="c", subcore_axis_name="s"),
        scratch_types=[
            pltpu.VMEM((_SCAT_CHUNK,), jnp.int32),
            pltpu.VMEM((_SCAT_CHUNK, HID), jnp.float32),
            pltpu.VMEM((_SCAT_CHUNK, HID), jnp.float32),
            pltpu.SemaphoreType.DMA,
        ],
        compiler_params=pltpu.CompilerParams(needs_layout_passes=False, skip_device_barrier=True),
    )
    return fn(ypi, yvf, pos)


@jax.jit
def _run(features, goal_flat, Wp1, bp1, Wp2, bp2, Wv1, bv1, Wv2, bv2):
    xs, pos, seg = _sort_call(goal_flat, features)
    ypi, yvf = _tc_call(seg, xs, Wp1, bp1, Wp2, bp2, Wv1, bv1, Wv2, bv2)
    return _scat_call(ypi, yvf, pos)


def kernel(features, goal, Wp1, bp1, Wp2, bp2, Wv1, bv1, Wv2, bv2):
    goal_flat = goal.reshape(BATCH).astype(jnp.int32)
    out_pi, out_vf = _run(features, goal_flat, Wp1, bp1, Wp2, bp2,
                          Wv1, bv1, Wv2, bv2)
    return (out_pi, out_vf)

# --- scband reference (transcript-rebuilt; emitter-appended) ---
"""Pipeline reference for scband-goal-mlp-extractor-40398462386700 (READ-ONLY COPY).

The authoritative reference and input builder live on the scoring server;
editing this copy changes nothing except your own understanding.
"""

import jax, jax.numpy as jnp
import numpy as np

N_GOALS = 16
FEATURE_DIM = 128
HIDDEN = [128, 128]
BATCH = 4096


def setup_inputs(seed: int = 0) -> dict:
    key = jax.random.key(seed)
    ks = jax.random.split(key, 20)
    features = jax.random.normal(ks[0], (BATCH, FEATURE_DIM), dtype=jnp.float32)
    goal = jax.random.randint(ks[1], (BATCH, 1), 0, N_GOALS, dtype=jnp.int64)
    s1 = 1.0 / np.sqrt(FEATURE_DIM)
    s2 = 1.0 / np.sqrt(HIDDEN[0])
    inp = {
        'features': features,
        'goal': goal,
        'Wp1': jax.random.uniform(ks[2], (N_GOALS, FEATURE_DIM, HIDDEN[0]), jnp.float32, -s1, s1),
        'bp1': jax.random.uniform(ks[3], (N_GOALS, HIDDEN[0]), jnp.float32, -s1, s1),
        'Wp2': jax.random.uniform(ks[4], (N_GOALS, HIDDEN[0], HIDDEN[1]), jnp.float32, -s2, s2),
        'bp2': jax.random.uniform(ks[5], (N_GOALS, HIDDEN[1]), jnp.float32, -s2, s2),
        'Wv1': jax.random.uniform(ks[6], (N_GOALS, FEATURE_DIM, HIDDEN[0]), jnp.float32, -s1, s1),
        'bv1': jax.random.uniform(ks[7], (N_GOALS, HIDDEN[0]), jnp.float32, -s1, s1),
        'Wv2': jax.random.uniform(ks[8], (N_GOALS, HIDDEN[0], HIDDEN[1]), jnp.float32, -s2, s2),
        'bv2': jax.random.uniform(ks[9], (N_GOALS, HIDDEN[1]), jnp.float32, -s2, s2),
    }
    return inp


def _goal_mlp(x, goal_flat, W1, b1, W2, b2):
    # Faithful translation of the per-goal masked dispatch:
    # output[mask] = net_g(features[mask]) for each goal g
    out = jnp.zeros((x.shape[0], W2.shape[2]), dtype=x.dtype)
    for g in range(N_GOALS):
        h = jax.nn.relu(x @ W1[g] + b1[g])
        h = jax.nn.relu(h @ W2[g] + b2[g])
        mask = (goal_flat == g)[:, None]
        out = jnp.where(mask, h, out)
    return out


def reference(features, goal, Wp1, bp1, Wp2, bp2, Wv1, bv1, Wv2, bv2):
    goal_flat = goal.squeeze()
    latent_pi = _goal_mlp(features, goal_flat, Wp1, bp1, Wp2, bp2)
    latent_vf = _goal_mlp(features, goal_flat, Wv1, bv1, Wv2, bv2)
    return (latent_pi, latent_vf)

if __name__ == "__main__":
    import jax
    _d = setup_inputs()
    print(jax.jit(kernel)(*tuple(_d.values())))

</pallas_src>

<mosaic_0001>
#map = affine_map<(d0, d1) -> (0)>
#map1 = affine_map<(d0, d1) -> (0, 0)>
module attributes {stable_mosaic.version = 14 : i64} {
  func.func @_dispatch_body(%arg0: i32, %arg1: i32, %arg2: memref<4096xi32, #tpu.memory_space<hbm>>, %arg3: memref<4096x128xf32, #tpu.memory_space<hbm>>, %arg4: memref<4096x128xf32, #tpu.memory_space<hbm>>, %arg5: memref<4096xi32, #tpu.memory_space<hbm>>, %arg6: memref<16xi32, #tpu.memory_space<hbm>>, %arg7: memref<4096xi32, #tpu.memory_space<vmem>>, %arg8: memref<16xi32, #tpu.memory_space<vmem>>, %arg9: memref<16xi32, #tpu.memory_space<vmem>>, %arg10: memref<16xi32, #tpu.memory_space<vmem>>, %arg11: memref<16xi32, #tpu.memory_space<vmem>>, %arg12: memref<16xi32, #tpu.memory_space<vmem>>, %arg13: memref<16xi32, #tpu.memory_space<vmem>>, %arg14: memref<1x128xi32, #tpu.memory_space<vmem>>, %arg15: memref<128x128xf32, #tpu.memory_space<vmem>>, %arg16: memref<!tpu.dma_semaphore, #tpu.memory_space<semaphore_mem>>) attributes {dimension_semantics = [#tpu.dimension_semantics<core_parallel>, #tpu.dimension_semantics<subcore_parallel>], iteration_bounds = array<i64: 2, 16>, scalar_prefetch = 0 : i64, scratch_operands = 10 : i64, tpu.core_type = #tpu.core_type<sc_vector_subcore>, window_params = [{transform_indices = #map}, {transform_indices = #map1}, {transform_indices = #map1}, {transform_indices = #map}, {transform_indices = #map}]} {
    %mul3A = arith.constant 2 : i32
    %mul3A_0 = arith.muli %arg1, %mul3A : i32
    %add3A = arith.addi %mul3A_0, %arg0 : i32
    %mul3A_1 = arith.constant 128 : i32
    %mul3A_2 = arith.muli %add3A, %mul3A_1 : i32
    "tpu.region"() ({
      %run_scoped3A_1139 = tpu.sem_alloc : memref<!tpu.dma_semaphore, #tpu.memory_space<semaphore_mem>>
      tpu.enqueue_dma source(%arg2 : memref<4096xi32, #tpu.memory_space<hbm>>) target(%arg7 : memref<4096xi32, #tpu.memory_space<vmem>>) target_semaphore(%run_scoped3A_1139 : memref<!tpu.dma_semaphore, #tpu.memory_space<semaphore_mem>>)
      tpu.wait_dma2 semaphore(%run_scoped3A_1139 : memref<!tpu.dma_semaphore, #tpu.memory_space<semaphore_mem>>) src(%arg2 : memref<4096xi32, #tpu.memory_space<hbm>>) dst(%arg7 : memref<4096xi32, #tpu.memory_space<vmem>>)
      tpu.yield
    }) : () -> ()
    %broadcast_in_dim3A = arith.constant 1 : i32
    %broadcast_in_dim3A_3 = vector.broadcast %broadcast_in_dim3A : i32 to vector<16xi32>
    %broadcast_in_dim3A_4 = arith.constant 0 : i32
    %broadcast_in_dim3A_5 = vector.broadcast %broadcast_in_dim3A_4 : i32 to vector<16xi32>
    %broadcast_in_dim3A_6 = arith.constant 0 : i32
    %broadcast_in_dim3A_7 = vector.broadcast %broadcast_in_dim3A_6 : i32 to vector<16xi32>
    %broadcast_in_dim3A_8 = arith.constant 0 : i32
    %broadcast_in_dim3A_9 = vector.broadcast %broadcast_in_dim3A_8 : i32 to vector<16xi32>
    %swap3A = arith.constant 0 : index
    %swap3A_10 = tpu.vector_load %arg9[%swap3A] {strides = array<i32>} : memref<16xi32, #tpu.memory_space<vmem>>, vector<16xi32>,
    tpu.vector_store %arg9[%swap3A], %broadcast_in_dim3A_9 {strides = array<i32>} : memref<16xi32, #tpu.memory_space<vmem>>, vector<16xi32>,
    %get3A = arith.constant 0 : index
    %get3A_11 = tpu.vector_load %arg7[%get3A] {strides = array<i32>} : memref<4096xi32, #tpu.memory_space<vmem>>, vector<16xi32>,
    tpu.vector_store_idx %arg9[%get3A_11], %broadcast_in_dim3A_3 {add = true} : memref<16xi32, #tpu.memory_space<vmem>>[vector<16xi32>], vector<16xi32>,
    %get3A_12 = arith.constant 16 : index
    %get3A_13 = tpu.vector_load %arg7[%get3A_12] {strides = array<i32>} : memref<4096xi32, #tpu.memory_space<vmem>>, vector<16xi32>,
    tpu.vector_store_idx %arg9[%get3A_13], %broadcast_in_dim3A_3 {add = true} : memref<16xi32, #tpu.memory_space<vmem>>[vector<16xi32>], vector<16xi32>,
    %get3A_14 = arith.constant 32 : index
    %get3A_15 = tpu.vector_load %arg7[%get3A_14] {strides = array<i32>} : memref<4096xi32, #tpu.memory_space<vmem>>, vector<16xi32>,
    tpu.vector_store_idx %arg9[%get3A_15], %broadcast_in_dim3A_3 {add = true} : memref<16xi32, #tpu.memory_space<vmem>>[vector<16xi32>], vector<16xi32>,
    %get3A_16 = arith.constant 48 : index
    %get3A_17 = tpu.vector_load %arg7[%get3A_16] {strides = array<i32>} : memref<4096xi32, #tpu.memory_space<vmem>>, vector<16xi32>,
    tpu.vector_store_idx %arg9[%get3A_17], %broadcast_in_dim3A_3 {add = true} : memref<16xi32, #tpu.memory_space<vmem>>[vector<16xi32>], vector<16xi32>,
    %get3A_18 = arith.constant 64 : index
    %get3A_19 = tpu.vector_load %arg7[%get3A_18] {strides = array<i32>} : memref<4096xi32, #tpu.memory_space<vmem>>, vector<16xi32>,
    tpu.vector_store_idx %arg9[%get3A_19], %broadcast_in_dim3A_3 {add = true} : memref<16xi32, #tpu.memory_space<vmem>>[vector<16xi32>], vector<16xi32>,
    %get3A_20 = arith.constant 80 : index
    %get3A_21 = tpu.vector_load %arg7[%get3A_20] {strides = array<i32>} : memref<4096xi32, #tpu.memory_space<vmem>>, vector<16xi32>,
    tpu.vector_store_idx %arg9[%get3A_21], %broadcast_in_dim3A_3 {add = true} : memref<16xi32, #tpu.memory_space<vmem>>[vector<16xi32>], vector<16xi32>,
    %get3A_22 = arith.constant 96 : index
    %get3A_23 = tpu.vector_load %arg7[%get3A_22] {strides = array<i32>} : memref<4096xi32, #tpu.memory_space<vmem>>, vector<16xi32>,
    tpu.vector_store_idx %arg9[%get3A_23], %broadcast_in_dim3A_3 {add = true} : memref<16xi32, #tpu.memory_space<vmem>>[vector<16xi32>], vector<16xi32>,
    %get3A_24 = arith.constant 112 : index
    %get3A_25 = tpu.vector_load %arg7[%get3A_24] {strides = array<i32>} : memref<4096xi32, #tpu.memory_space<vmem>>, vector<16xi32>,
    tpu.vector_store_idx %arg9[%get3A_25], %broadcast_in_dim3A_3 {add = true} : memref<16xi32, #tpu.memory_space<vmem>>[vector<16xi32>], vector<16xi32>,
    %broadcast_in_dim3A_26 = arith.constant 0 : i32
    %broadcast_in_dim3A_27 = vector.broadcast %broadcast_in_dim3A_26 : i32 to vector<16xi32>
    %swap3A_28 = arith.constant 0 : index
    %swap3A_29 = tpu.vector_load %arg10[%swap3A_28] {strides = array<i32>} : memref<16xi32, #tpu.memory_space<vmem>>, vector<16xi32>,
    tpu.vector_store %arg10[%swap3A_28], %broadcast_in_dim3A_27 {strides = array<i32>} : memref<16xi32, #tpu.memory_space<vmem>>, vector<16xi32>,
    %get3A_30 = arith.constant 128 : index
    %get3A_31 = tpu.vector_load %arg7[%get3A_30] {strides = array<i32>} : memref<4096xi32, #tpu.memory_space<vmem>>, vector<16xi32>,
    tpu.vector_store_idx %arg10[%get3A_31], %broadcast_in_dim3A_3 {add = true} : memref<16xi32, #tpu.memory_space<vmem>>[vector<16xi32>], vector<16xi32>,
    %get3A_32 = arith.constant 144 : index
    %get3A_33 = tpu.vector_load %arg7[%get3A_32] {strides = array<i32>} : memref<4096xi32, #tpu.memory_space<vmem>>, vector<16xi32>,
    tpu.vector_store_idx %arg10[%get3A_33], %broadcast_in_dim3A_3 {add = true} : memref<16xi32, #tpu.memory_space<vmem>>[vector<16xi32>], vector<16xi32>,
    %get3A_34 = arith.constant 160 : index
    %get3A_35 = tpu.vector_load %arg7[%get3A_34] {strides = array<i32>} : memref<4096xi32, #tpu.memory_space<vmem>>, vector<16xi32>,
    tpu.vector_store_idx %arg10[%get3A_35], %broadcast_in_dim3A_3 {add = true} : memref<16xi32, #tpu.memory_space<vmem>>[vector<16xi32>], vector<16xi32>,
    %get3A_36 = arith.constant 176 : index
    %get3A_37 = tpu.vector_load %arg7[%get3A_36] {strides = array<i32>} : memref<4096xi32, #tpu.memory_space<vmem>>, vector<16xi32>,
    tpu.vector_store_idx %arg10[%get3A_37], %broadcast_in_dim3A_3 {add = true} : memref<16xi32, #tpu.memory_space<vmem>>[vector<16xi32>], vector<16xi32>,
    %get3A_38 = arith.constant 192 : index
    %get3A_39 = tpu.vector_load %arg7[%get3A_38] {strides = array<i32>} : memref<4096xi32, #tpu.memory_space<vmem>>, vector<16xi32>,
    tpu.vector_store_idx %arg10[%get3A_39], %broadcast_in_dim3A_3 {add = true} : memref<16xi32, #tpu.memory_space<vmem>>[vector<16xi32>], vector<16xi32>,
    %get3A_40 = arith.constant 208 : index
    %get3A_41 = tpu.vector_load %arg7[%get3A_40] {strides = array<i32>} : memref<4096xi32, #tpu.memory_space<vmem>>, vector<16xi32>,
    tpu.vector_store_idx %arg10[%get3A_41], %broadcast_in_dim3A_3 {add = true} : memref<16xi32, #tpu.memory_space<vmem>>[vector<16xi32>], vector<16xi32>,
    %get3A_42 = arith.constant 224 : index
    %get3A_43 = tpu.vector_load %arg7[%get3A_42] {strides = array<i32>} : memref<4096xi32, #tpu.memory_space<vmem>>, vector<16xi32>,
    tpu.vector_store_idx %arg10[%get3A_43], %broadcast_in_dim3A_3 {add = true} : memref<16xi32, #tpu.memory_space<vmem>>[vector<16xi32>], vector<16xi32>,
    %get3A_44 = arith.constant 240 : index
    %get3A_45 = tpu.vector_load %arg7[%get3A_44] {strides = array<i32>} : memref<4096xi32, #tpu.memory_space<vmem>>, vector<16xi32>,
    tpu.vector_store_idx %arg10[%get3A_45], %broadcast_in_dim3A_3 {add = true} : memref<16xi32, #tpu.memory_space<vmem>>[vector<16xi32>], vector<16xi32>,
    %broadcast_in_dim3A_46 = arith.constant 0 : i32
    %broadcast_in_dim3A_47 = vector.broadcast %broadcast_in_dim3A_46 : i32 to vector<16xi32>
    %swap3A_48 = arith.constant 0 : index
    %swap3A_49 = tpu.vector_load %arg11[%swap3A_48] {strides = array<i32>} : memref<16xi32, #tpu.memory_space<vmem>>, vector<16xi32>,
    tpu.vector_store %arg11[%swap3A_48], %broadcast_in_dim3A_47 {strides = array<i32>} : memref<16xi32, #tpu.memory_space<vmem>>, vector<16xi32>,
    %get3A_50 = arith.constant 256 : index
    %get3A_51 = tpu.vector_load %arg7[%get3A_50] {strides = array<i32>} : memref<4096xi32, #tpu.memory_space<vmem>>, vector<16xi32>,
    tpu.vector_store_idx %arg11[%get3A_51], %broadcast_in_dim3A_3 {add = true} : memref<16xi32, #tpu.memory_space<vmem>>[vector<16xi32>], vector<16xi32>,
    %get3A_52 = arith.constant 272 : index
    %get3A_53 = tpu.vector_load %arg7[%get3A_52] {strides = array<i32>} : memref<4096xi32, #tpu.memory_space<vmem>>, vector<16xi32>,
    tpu.vector_store_idx %arg11[%get3A_53], %broadcast_in_dim3A_3 {add = true} : memref<16xi32, #tpu.memory_space<vmem>>[vector<16xi32>], vector<16xi32>,
    %get3A_54 = arith.constant 288 : index
    %get3A_55 = tpu.vector_load %arg7[%get3A_54] {strides = array<i32>} : memref<4096xi32, #tpu.memory_space<vmem>>, vector<16xi32>,
    tpu.vector_store_idx %arg11[%get3A_55], %broadcast_in_dim3A_3 {add = true} : memref<16xi32, #tpu.memory_space<vmem>>[vector<16xi32>], vector<16xi32>,
    %get3A_56 = arith.constant 304 : index
    %get3A_57 = tpu.vector_load %arg7[%get3A_56] {strides = array<i32>} : memref<4096xi32, #tpu.memory_space<vmem>>, vector<16xi32>,
    tpu.vector_store_idx %arg11[%get3A_57], %broadcast_in_dim3A_3 {add = true} : memref<16xi32, #tpu.memory_space<vmem>>[vector<16xi32>], vector<16xi32>,
    %get3A_58 = arith.constant 320 : index
    %get3A_59 = tpu.vector_load %arg7[%get3A_58] {strides = array<i32>} : memref<4096xi32, #tpu.memory_space<vmem>>, vector<16xi32>,
    tpu.vector_store_idx %arg11[%get3A_59], %broadcast_in_dim3A_3 {add = true} : memref<16xi32, #tpu.memory_space<vmem>>[vector<16xi32>], vector<16xi32>,
    %get3A_60 = arith.constant 336 : index
    %get3A_61 = tpu.vector_load %arg7[%get3A_60] {strides = array<i32>} : memref<4096xi32, #tpu.memory_space<vmem>>, vector<16xi32>,
    tpu.vector_store_idx %arg11[%get3A_61], %broadcast_in_dim3A_3 {add = true} : memref<16xi32, #tpu.memory_space<vmem>>[vector<16xi32>], vector<16xi32>,
    %get3A_62 = arith.constant 352 : index
    %get3A_63 = tpu.vector_load %arg7[%get3A_62] {strides = array<i32>} : memref<4096xi32, #tpu.memory_space<vmem>>, vector<16xi32>,
    tpu.vector_store_idx %arg11[%get3A_63], %broadcast_in_dim3A_3 {add = true} : memref<16xi32, #tpu.memory_space<vmem>>[vector<16xi32>], vector<16xi32>,
    %get3A_64 = arith.constant 368 : index
    %get3A_65 = tpu.vector_load %arg7[%get3A_64] {strides = array<i32>} : memref<4096xi32, #tpu.memory_space<vmem>>, vector<16xi32>,
    tpu.vector_store_idx %arg11[%get3A_65], %broadcast_in_dim3A_3 {add = true} : memref<16xi32, #tpu.memory_space<vmem>>[vector<16xi32>], vector<16xi32>,
    %broadcast_in_dim3A_66 = arith.constant 0 : i32
    %broadcast_in_dim3A_67 = vector.broadcast %broadcast_in_dim3A_66 : i32 to vector<16xi32>
    %swap3A_68 = arith.constant 0 : index
    %swap3A_69 = tpu.vector_load %arg12[%swap3A_68] {strides = array<i32>} : memref<16xi32, #tpu.memory_space<vmem>>, vector<16xi32>,
    tpu.vector_store %arg12[%swap3A_68], %broadcast_in_dim3A_67 {strides = array<i32>} : memref<16xi32, #tpu.memory_space<vmem>>, vector<16xi32>,
    %get3A_70 = arith.constant 384 : index
    %get3A_71 = tpu.vector_load %arg7[%get3A_70] {strides = array<i32>} : memref<4096xi32, #tpu.memory_space<vmem>>, vector<16xi32>,
    tpu.vector_store_idx %arg12[%get3A_71], %broadcast_in_dim3A_3 {add = true} : memref<16xi32, #tpu.memory_space<vmem>>[vector<16xi32>], vector<16xi32>,
    %get3A_72 = arith.constant 400 : index
    %get3A_73 = tpu.vector_load %arg7[%get3A_72] {strides = array<i32>} : memref<4096xi32, #tpu.memory_space<vmem>>, vector<16xi32>,
    tpu.vector_store_idx %arg12[%get3A_73], %broadcast_in_dim3A_3 {add = true} : memref<16xi32, #tpu.memory_space<vmem>>[vector<16xi32>], vector<16xi32>,
    %get3A_74 = arith.constant 416 : index
    %get3A_75 = tpu.vector_load %arg7[%get3A_74] {strides = array<i32>} : memref<4096xi32, #tpu.memory_space<vmem>>, vector<16xi32>,
    tpu.vector_store_idx %arg12[%get3A_75], %broadcast_in_dim3A_3 {add = true} : memref<16xi32, #tpu.memory_space<vmem>>[vector<16xi32>], vector<16xi32>,
    %get3A_76 = arith.constant 432 : index
    %get3A_77 = tpu.vector_load %arg7[%get3A_76] {strides = array<i32>} : memref<4096xi32, #tpu.memory_space<vmem>>, vector<16xi32>,
    tpu.vector_store_idx %arg12[%get3A_77], %broadcast_in_dim3A_3 {add = true} : memref<16xi32, #tpu.memory_space<vmem>>[vector<16xi32>], vector<16xi32>,
    %get3A_78 = arith.constant 448 : index
    %get3A_79 = tpu.vector_load %arg7[%get3A_78] {strides = array<i32>} : memref<4096xi32, #tpu.memory_space<vmem>>, vector<16xi32>,
    tpu.vector_store_idx %arg12[%get3A_79], %broadcast_in_dim3A_3 {add = true} : memref<16xi32, #tpu.memory_space<vmem>>[vector<16xi32>], vector<16xi32>,
    %get3A_80 = arith.constant 464 : index
    %get3A_81 = tpu.vector_load %arg7[%get3A_80] {strides = array<i32>} : memref<4096xi32, #tpu.memory_space<vmem>>, vector<16xi32>,
    tpu.vector_store_idx %arg12[%get3A_81], %broadcast_in_dim3A_3 {add = true} : memref<16xi32, #tpu.memory_space<vmem>>[vector<16xi32>], vector<16xi32>,
    %get3A_82 = arith.constant 480 : index
    %get3A_83 = tpu.vector_load %arg7[%get3A_82] {strides = array<i32>} : memref<4096xi32, #tpu.memory_space<vmem>>, vector<16xi32>,
    tpu.vector_store_idx %arg12[%get3A_83], %broadcast_in_dim3A_3 {add = true} : memref<16xi32, #tpu.memory_space<vmem>>[vector<16xi32>], vector<16xi32>,
    %get3A_84 = arith.constant 496 : index
    %get3A_85 = tpu.vector_load %arg7[%get3A_84] {strides = array<i32>} : memref<4096xi32, #tpu.memory_space<vmem>>, vector<16xi32>,
    tpu.vector_store_idx %arg12[%get3A_85], %broadcast_in_dim3A_3 {add = true} : memref<16xi32, #tpu.memory_space<vmem>>[vector<16xi32>], vector<16xi32>,
    %get3A_86 = arith.constant 0 : index
    %get3A_87 = tpu.vector_load %arg9[%get3A_86] {strides = array<i32>} : memref<16xi32, #tpu.memory_space<vmem>>, vector<16xi32>,
    %add3A_88 = arith.addi %broadcast_in_dim3A_5, %get3A_87 : vector<16xi32>
    %broadcast_in_dim3A_89 = arith.constant 0 : i32
    %broadcast_in_dim3A_90 = vector.broadcast %broadcast_in_dim3A_89 : i32 to vector<16xi32>
    %lt3A = vector.broadcast %add3A : i32 to vector<16xi32>
    %lt3A_91 = arith.cmpi slt, %broadcast_in_dim3A_90, %lt3A : vector<16xi32>
    %jit3A = arith.constant 0 : i32
    %broadcast_in_dim3A_92 = vector.broadcast %jit3A : i32 to vector<16xi32>
    %select_n3A = arith.select %lt3A_91, %get3A_87, %broadcast_in_dim3A_92 : vector<16xi1>, vector<16xi32>
    %add3A_93 = arith.addi %broadcast_in_dim3A_7, %select_n3A : vector<16xi32>
    %get3A_94 = arith.constant 0 : index
    %get3A_95 = tpu.vector_load %arg10[%get3A_94] {strides = array<i32>} : memref<16xi32, #tpu.memory_space<vmem>>, vector<16xi32>,
    %add3A_96 = arith.addi %add3A_88, %get3A_95 : vector<16xi32>
    %broadcast_in_dim3A_97 = arith.constant 1 : i32
    %broadcast_in_dim3A_98 = vector.broadcast %broadcast_in_dim3A_97 : i32 to vector<16xi32>
    %lt3A_99 = vector.broadcast %add3A : i32 to vector<16xi32>
    %lt3A_100 = arith.cmpi slt, %broadcast_in_dim3A_98, %lt3A_99 : vector<16xi32>
    %jit3A_101 = arith.constant 0 : i32
    %broadcast_in_dim3A_102 = vector.broadcast %jit3A_101 : i32 to vector<16xi32>
    %select_n3A_103 = arith.select %lt3A_100, %get3A_95, %broadcast_in_dim3A_102 : vector<16xi1>, vector<16xi32>
    %add3A_104 = arith.addi %add3A_93, %select_n3A_103 : vector<16xi32>
    %get3A_105 = arith.constant 0 : index
    %get3A_106 = tpu.vector_load %arg11[%get3A_105] {strides = array<i32>} : memref<16xi32, #tpu.memory_space<vmem>>, vector<16xi32>,
    %add3A_107 = arith.addi %add3A_96, %get3A_106 : vector<16xi32>
    %broadcast_in_dim3A_108 = arith.constant 2 : i32
    %broadcast_in_dim3A_109 = vector.broadcast %broadcast_in_dim3A_108 : i32 to vector<16xi32>
    %lt3A_110 = vector.broadcast %add3A : i32 to vector<16xi32>
    %lt3A_111 = arith.cmpi slt, %broadcast_in_dim3A_109, %lt3A_110 : vector<16xi32>
    %jit3A_112 = arith.constant 0 : i32
    %broadcast_in_dim3A_113 = vector.broadcast %jit3A_112 : i32 to vector<16xi32>
    %select_n3A_114 = arith.select %lt3A_111, %get3A_106, %broadcast_in_dim3A_113 : vector<16xi1>, vector<16xi32>
    %add3A_115 = arith.addi %add3A_104, %select_n3A_114 : vector<16xi32>
    %get3A_116 = arith.constant 0 : index
    %get3A_117 = tpu.vector_load %arg12[%get3A_116] {strides = array<i32>} : memref<16xi32, #tpu.memory_space<vmem>>, vector<16xi32>,
    %add3A_118 = arith.addi %add3A_107, %get3A_117 : vector<16xi32>
    %broadcast_in_dim3A_119 = arith.constant 3 : i32
    %broadcast_in_dim3A_120 = vector.broadcast %broadcast_in_dim3A_119 : i32 to vector<16xi32>
    %lt3A_121 = vector.broadcast %add3A : i32 to vector<16xi32>
    %lt3A_122 = arith.cmpi slt, %broadcast_in_dim3A_120, %lt3A_121 : vector<16xi32>
    %jit3A_123 = arith.constant 0 : i32
    %broadcast_in_dim3A_124 = vector.broadcast %jit3A_123 : i32 to vector<16xi32>
    %select_n3A_125 = arith.select %lt3A_122, %get3A_117, %broadcast_in_dim3A_124 : vector<16xi1>, vector<16xi32>
    %add3A_126 = arith.addi %add3A_115, %select_n3A_125 : vector<16xi32>
    %broadcast_in_dim3A_127 = arith.constant 0 : i32
    %broadcast_in_dim3A_128 = vector.broadcast %broadcast_in_dim3A_127 : i32 to vector<16xi32>
    %swap3A_129 = arith.constant 0 : index
    %swap3A_130 = tpu.vector_load %arg9[%swap3A_129] {strides = array<i32>} : memref<16xi32, #tpu.memory_space<vmem>>, vector<16xi32>,
    tpu.vector_store %arg9[%swap3A_129], %broadcast_in_dim3A_128 {strides = array<i32>} : memref<16xi32, #tpu.memory_space<vmem>>, vector<16xi32>,
    %get3A_131 = arith.constant 512 : index
    %get3A_132 = tpu.vector_load %arg7[%get3A_131] {strides = array<i32>} : memref<4096xi32, #tpu.memory_space<vmem>>, vector<16xi32>,
    tpu.vector_store_idx %arg9[%get3A_132], %broadcast_in_dim3A_3 {add = true} : memref<16xi32, #tpu.memory_space<vmem>>[vector<16xi32>], vector<16xi32>,
    %get3A_133 = arith.constant 528 : index
    %get3A_134 = tpu.vector_load %arg7[%get3A_133] {strides = array<i32>} : memref<4096xi32, #tpu.memory_space<vmem>>, vector<16xi32>,
    tpu.vector_store_idx %arg9[%get3A_134], %broadcast_in_dim3A_3 {add = true} : memref<16xi32, #tpu.memory_space<vmem>>[vector<16xi32>], vector<16xi32>,
    %get3A_135 = arith.constant 544 : index
    %get3A_136 = tpu.vector_load %arg7[%get3A_135] {strides = array<i32>} : memref<4096xi32, #tpu.memory_space<vmem>>, vector<16xi32>,
    tpu.vector_store_idx %arg9[%get3A_136], %broadcast_in_dim3A_3 {add = true} : memref<16xi32, #tpu.memory_space<vmem>>[vector<16xi32>], vector<16xi32>,
    %get3A_137 = arith.constant 560 : index
    %get3A_138 = tpu.vector_load %arg7[%get3A_137] {strides = array<i32>} : memref<4096xi32, #tpu.memory_space<vmem>>, vector<16xi32>,
    tpu.vector_store_idx %arg9[%get3A_138], %broadcast_in_dim3A_3 {add = true} : memref<16xi32, #tpu.memory_space<vmem>>[vector<16xi32>], vector<16xi32>,
    %get3A_139 = arith.constant 576 : index
    %get3A_140 = tpu.vector_load %arg7[%get3A_139] {strides = array<i32>} : memref<4096xi32, #tpu.memory_space<vmem>>, vector<16xi32>,
    tpu.vector_store_idx %arg9[%get3A_140], %broadcast_in_dim3A_3 {add = true} : memref<16xi32, #tpu.memory_space<vmem>>[vector<16xi32>], vector<16xi32>,
    %get3A_141 = arith.constant 592 : index
    %get3A_142 = tpu.vector_load %arg7[%get3A_141] {strides = array<i32>} : memref<4096xi32, #tpu.memory_space<vmem>>, vector<16xi32>,
    tpu.vector_store_idx %arg9[%get3A_142], %broadcast_in_dim3A_3 {add = true} : memref<16xi32, #tpu.memory_space<vmem>>[vector<16xi32>], vector<16xi32>,
    %get3A_143 = arith.constant 608 : index
    %get3A_144 = tpu.vector_load %arg7[%get3A_143] {strides = array<i32>} : memref<4096xi32, #tpu.memory_space<vmem>>, vector<16xi32>,
    tpu.vector_store_idx %arg9[%get3A_144], %broadcast_in_dim3A_3 {add = true} : memref<16xi32, #tpu.memory_space<vmem>>[vector<16xi32>], vector<16xi32>,
    %get3A_145 = arith.constant 624 : index
    %get3A_146 = tpu.vector_load %arg7[%get3A_145] {strides = array<i32>} : memref<4096xi32, #tpu.memory_space<vmem>>, vector<16xi32>,
    tpu.vector_store_idx %arg9[%get3A_146], %broadcast_in_dim3A_3 {add = true} : memref<16xi32, #tpu.memory_space<vmem>>[vector<16xi32>], vector<16xi32>,
    %broadcast_in_dim3A_147 = arith.constant 0 : i32
    %broadcast_in_dim3A_148 = vector.broadcast %broadcast_in_dim3A_147 : i32 to vector<16xi32>
    %swap3A_149 = arith.constant 0 : index
    %swap3A_150 = tpu.vector_load %arg10[%swap3A_149] {strides = array<i32>} : memref<16xi32, #tpu.memory_space<vmem>>, vector<16xi32>,
    tpu.vector_store %arg10[%swap3A_149], %broadcast_in_dim3A_148 {strides = array<i32>} : memref<16xi32, #tpu.memory_space<vmem>>, vector<16xi32>,
    %get3A_151 = arith.constant 640 : index
    %get3A_152 = tpu.vector_load %arg7[%get3A_151] {strides = array<i32>} : memref<4096xi32, #tpu.memory_space<vmem>>, vector<16xi32>,
    tpu.vector_store_idx %arg10[%get3A_152], %broadcast_in_dim3A_3 {add = true} : memref<16xi32, #tpu.memory_space<vmem>>[vector<16xi32>], vector<16xi32>,
    %get3A_153 = arith.constant 656 : index
    %get3A_154 = tpu.vector_load %arg7[%get3A_153] {strides = array<i32>} : memref<4096xi32, #tpu.memory_space<vmem>>, vector<16xi32>,
    tpu.vector_store_idx %arg10[%get3A_154], %broadcast_in_dim3A_3 {add = true} : memref<16xi32, #tpu.memory_space<vmem>>[vector<16xi32>], vector<16xi32>,
    %get3A_155 = arith.constant 672 : index
    %get3A_156 = tpu.vector_load %arg7[%get3A_155] {strides = array<i32>} : memref<4096xi32, #tpu.memory_space<vmem>>, vector<16xi32>,
    tpu.vector_store_idx %arg10[%get3A_156], %broadcast_in_dim3A_3 {add = true} : memref<16xi32, #tpu.memory_space<vmem>>[vector<16xi32>], vector<16xi32>,
    %get3A_157 = arith.constant 688 : index
    %get3A_158 = tpu.vector_load %arg7[%get3A_157] {strides = array<i32>} : memref<4096xi32, #tpu.memory_space<vmem>>, vector<16xi32>,
    tpu.vector_store_idx %arg10[%get3A_158], %broadcast_in_dim3A_3 {add = true} : memref<16xi32, #tpu.memory_space<vmem>>[vector<16xi32>], vector<16xi32>,
    %get3A_159 = arith.constant 704 : index
    %get3A_160 = tpu.vector_load %arg7[%get3A_159] {strides = array<i32>} : memref<4096xi32, #tpu.memory_space<vmem>>, vector<16xi32>,
    tpu.vector_store_idx %arg10[%get3A_160], %broadcast_in_dim3A_3 {add = true} : memref<16xi32, #tpu.memory_space<vmem>>[vector<16xi32>], vector<16xi32>,
    %get3A_161 = arith.constant 720 : index
    %get3A_162 = tpu.vector_load %arg7[%get3A_161] {strides = array<i32>} : memref<4096xi32, #tpu.memory_space<vmem>>, vector<16xi32>,
    tpu.vector_store_idx %arg10[%get3A_162], %broadcast_in_dim3A_3 {add = true} : memref<16xi32, #tpu.memory_space<vmem>>[vector<16xi32>], vector<16xi32>,
    %get3A_163 = arith.constant 736 : index
    %get3A_164 = tpu.vector_load %arg7[%get3A_163] {strides = array<i32>} : memref<4096xi32, #tpu.memory_space<vmem>>, vector<16xi32>,
    tpu.vector_store_idx %arg10[%get3A_164], %broadcast_in_dim3A_3 {add = true} : memref<16xi32, #tpu.memory_space<vmem>>[vector<16xi32>], vector<16xi32>,
    %get3A_165 = arith.constant 752 : index
    %get3A_166 = tpu.vector_load %arg7[%get3A_165] {strides = array<i32>} : memref<4096xi32, #tpu.memory_space<vmem>>, vector<16xi32>,
    tpu.vector_store_idx %arg10[%get3A_166], %broadcast_in_dim3A_3 {add = true} : memref<16xi32, #tpu.memory_space<vmem>>[vector<16xi32>], vector<16xi32>,
    %broadcast_in_dim3A_167 = arith.constant 0 : i32
    %broadcast_in_dim3A_168 = vector.broadcast %broadcast_in_dim3A_167 : i32 to vector<16xi32>
    %swap3A_169 = arith.constant 0 : index
    %swap3A_170 = tpu.vector_load %arg11[%swap3A_169] {strides = array<i32>} : memref<16xi32, #tpu.memory_space<vmem>>, vector<16xi32>,
    tpu.vector_store %arg11[%swap3A_169], %broadcast_in_dim3A_168 {strides = array<i32>} : memref<16xi32, #tpu.memory_space<vmem>>, vector<16xi32>,
    %get3A_171 = arith.constant 768 : index
    %get3A_172 = tpu.vector_load %arg7[%get3A_171] {strides = array<i32>} : memref<4096xi32, #tpu.memory_space<vmem>>, vector<16xi32>,
    tpu.vector_store_idx %arg11[%get3A_172], %broadcast_in_dim3A_3 {add = true} : memref<16xi32, #tpu.memory_space<vmem>>[vector<16xi32>], vector<16xi32>,
    %get3A_173 = arith.constant 784 : index
    %get3A_174 = tpu.vector_load %arg7[%get3A_173] {strides = array<i32>} : memref<4096xi32, #tpu.memory_space<vmem>>, vector<16xi32>,
    tpu.vector_store_idx %arg11[%get3A_174], %broadcast_in_dim3A_3 {add = true} : memref<16xi32, #tpu.memory_space<vmem>>[vector<16xi32>], vector<16xi32>,
    %get3A_175 = arith.constant 800 : index
    %get3A_176 = tpu.vector_load %arg7[%get3A_175] {strides = array<i32>} : memref<4096xi32, #tpu.memory_space<vmem>>, vector<16xi32>,
    tpu.vector_store_idx %arg11[%get3A_176], %broadcast_in_dim3A_3 {add = true} : memref<16xi32, #tpu.memory_space<vmem>>[vector<16xi32>], vector<16xi32>,
    %get3A_177 = arith.constant 816 : index
    %get3A_178 = tpu.vector_load %arg7[%get3A_177] {strides = array<i32>} : memref<4096xi32, #tpu.memory_space<vmem>>, vector<16xi32>,
    tpu.vector_store_idx %arg11[%get3A_178], %broadcast_in_dim3A_3 {add = true} : memref<16xi32, #tpu.memory_space<vmem>>[vector<16xi32>], vector<16xi32>,
    %get3A_179 = arith.constant 832 : index
    %get3A_180 = tpu.vector_load %arg7[%get3A_179] {strides = array<i32>} : memref<4096xi32, #tpu.memory_space<vmem>>, vector<16xi32>,
    tpu.vector_store_idx %arg11[%get3A_180], %broadcast_in_dim3A_3 {add = true} : memref<16xi32, #tpu.memory_space<vmem>>[vector<16xi32>], vector<16xi32>,
    %get3A_181 = arith.constant 848 : index
    %get3A_182 = tpu.vector_load %arg7[%get3A_181] {strides = array<i32>} : memref<4096xi32, #tpu.memory_space<vmem>>, vector<16xi32>,
    tpu.vector_store_idx %arg11[%get3A_182], %broadcast_in_dim3A_3 {add = true} : memref<16xi32, #tpu.memory_space<vmem>>[vector<16xi32>], vector<16xi32>,
    %get3A_183 = arith.constant 864 : index
    %get3A_184 = tpu.vector_load %arg7[%get3A_183] {strides = array<i32>} : memref<4096xi32, #tpu.memory_space<vmem>>, vector<16xi32>,
    tpu.vector_store_idx %arg11[%get3A_184], %broadcast_in_dim3A_3 {add = true} : memref<16xi32, #tpu.memory_space<vmem>>[vector<16xi32>], vector<16xi32>,
    %get3A_185 = arith.constant 880 : index
    %get3A_186 = tpu.vector_load %arg7[%get3A_185] {strides = array<i32>} : memref<4096xi32, #tpu.memory_space<vmem>>, vector<16xi32>,
    tpu.vector_store_idx %arg11[%get3A_186], %broadcast_in_dim3A_3 {add = true} : memref<16xi32, #tpu.memory_space<vmem>>[vector<16xi32>], vector<16xi32>,
    %broadcast_in_dim3A_187 = arith.constant 0 : i32
    %broadcast_in_dim3A_188 = vector.broadcast %broadcast_in_dim3A_187 : i32 to vector<16xi32>
    %swap3A_189 = arith.constant 0 : index
    %swap3A_190 = tpu.vector_load %arg12[%swap3A_189] {strides = array<i32>} : memref<16xi32, #tpu.memory_space<vmem>>, vector<16xi32>,
    tpu.vector_store %arg12[%swap3A_189], %broadcast_in_dim3A_188 {strides = array<i32>} : memref<16xi32, #tpu.memory_space<vmem>>, vector<16xi32>,
    %get3A_191 = arith.constant 896 : index
    %get3A_192 = tpu.vector_load %arg7[%get3A_191] {strides = array<i32>} : memref<4096xi32, #tpu.memory_space<vmem>>, vector<16xi32>,
    tpu.vector_store_idx %arg12[%get3A_192], %broadcast_in_dim3A_3 {add = true} : memref<16xi32, #tpu.memory_space<vmem>>[vector<16xi32>], vector<16xi32>,
    %get3A_193 = arith.constant 912 : index
    %get3A_194 = tpu.vector_load %arg7[%get3A_193] {strides = array<i32>} : memref<4096xi32, #tpu.memory_space<vmem>>, vector<16xi32>,
    tpu.vector_store_idx %arg12[%get3A_194], %broadcast_in_dim3A_3 {add = true} : memref<16xi32, #tpu.memory_space<vmem>>[vector<16xi32>], vector<16xi32>,
    %get3A_195 = arith.constant 928 : index
    %get3A_196 = tpu.vector_load %arg7[%get3A_195] {strides = array<i32>} : memref<4096xi32, #tpu.memory_space<vmem>>, vector<16xi32>,
    tpu.vector_store_idx %arg12[%get3A_196], %broadcast_in_dim3A_3 {add = true} : memref<16xi32, #tpu.memory_space<vmem>>[vector<16xi32>], vector<16xi32>,
    %get3A_197 = arith.constant 944 : index
    %get3A_198 = tpu.vector_load %arg7[%get3A_197] {strides = array<i32>} : memref<4096xi32, #tpu.memory_space<vmem>>, vector<16xi32>,
    tpu.vector_store_idx %arg12[%get3A_198], %broadcast_in_dim3A_3 {add = true} : memref<16xi32, #tpu.memory_space<vmem>>[vector<16xi32>], vector<16xi32>,
    %get3A_199 = arith.constant 960 : index
    %get3A_200 = tpu.vector_load %arg7[%get3A_199] {strides = array<i32>} : memref<4096xi32, #tpu.memory_space<vmem>>, vector<16xi32>,
    tpu.vector_store_idx %arg12[%get3A_200], %broadcast_in_dim3A_3 {add = true} : memref<16xi32, #tpu.memory_space<vmem>>[vector<16xi32>], vector<16xi32>,
    %get3A_201 = arith.constant 976 : index
    %get3A_202 = tpu.vector_load %arg7[%get3A_201] {strides = array<i32>} : memref<4096xi32, #tpu.memory_space<vmem>>, vector<16xi32>,
    tpu.vector_store_idx %arg12[%get3A_202], %broadcast_in_dim3A_3 {add = true} : memref<16xi32, #tpu.memory_space<vmem>>[vector<16xi32>], vector<16xi32>,
    %get3A_203 = arith.constant 992 : index
    %get3A_204 = tpu.vector_load %arg7[%get3A_203] {strides = array<i32>} : memref<4096xi32, #tpu.memory_space<vmem>>, vector<16xi32>,
    tpu.vector_store_idx %arg12[%get3A_204], %broadcast_in_dim3A_3 {add = true} : memref<16xi32, #tpu.memory_space<vmem>>[vector<16xi32>], vector<16xi32>,
    %get3A_205 = arith.constant 1008 : index
    %get3A_206 = tpu.vector_load %arg7[%get3A_205] {strides = array<i32>} : memref<4096xi32, #tpu.memory_space<vmem>>, vector<16xi32>,
    tpu.vector_store_idx %arg12[%get3A_206], %broadcast_in_dim3A_3 {add = true} : memref<16xi32, #tpu.memory_space<vmem>>[vector<16xi32>], vector<16xi32>,
    %get3A_207 = arith.constant 0 : index
    %get3A_208 = tpu.vector_load %arg9[%get3A_207] {strides = array<i32>} : memref<16xi32, #tpu.memory_space<vmem>>, vector<16xi32>,
    %add3A_209 = arith.addi %add3A_118, %get3A_208 : vector<16xi32>
    %broadcast_in_dim3A_210 = arith.constant 4 : i32
    %broadcast_in_dim3A_211 = vector.broadcast %broadcast_in_dim3A_210 : i32 to vector<16xi32>
    %lt3A_212 = vector.broadcast %add3A : i32 to vector<16xi32>
    %lt3A_213 = arith.cmpi slt, %broadcast_in_dim3A_211, %lt3A_212 : vector<16xi32>
    %jit3A_214 = arith.constant 0 : i32
    %broadcast_in_dim3A_215 = vector.broadcast %jit3A_214 : i32 to vector<16xi32>
    %select_n3A_216 = arith.select %lt3A_213, %get3A_208, %broadcast_in_dim3A_215 : vector<16xi1>, vector<16xi32>
    %add3A_217 = arith.addi %add3A_126, %select_n3A_216 : vector<16xi32>
    %get3A_218 = arith.constant 0 : index
    %get3A_219 = tpu.vector_load %arg10[%get3A_218] {strides = array<i32>} : memref<16xi32, #tpu.memory_space<vmem>>, vector<16xi32>,
    %add3A_220 = arith.addi %add3A_209, %get3A_219 : vector<16xi32>
    %broadcast_in_dim3A_221 = arith.constant 5 : i32
    %broadcast_in_dim3A_222 = vector.broadcast %broadcast_in_dim3A_221 : i32 to vector<16xi32>
    %lt3A_223 = vector.broadcast %add3A : i32 to vector<16xi32>
    %lt3A_224 = arith.cmpi slt, %broadcast_in_dim3A_222, %lt3A_223 : vector<16xi32>
    %jit3A_225 = arith.constant 0 : i32
    %broadcast_in_dim3A_226 = vector.broadcast %jit3A_225 : i32 to vector<16xi32>
    %select_n3A_227 = arith.select %lt3A_224, %get3A_219, %broadcast_in_dim3A_226 : vector<16xi1>, vector<16xi32>
    %add3A_228 = arith.addi %add3A_217, %select_n3A_227 : vector<16xi32>
    %get3A_229 = arith.constant 0 : index
    %get3A_230 = tpu.vector_load %arg11[%get3A_229] {strides = array<i32>} : memref<16xi32, #tpu.memory_space<vmem>>, vector<16xi32>,
    %add3A_231 = arith.addi %add3A_220, %get3A_230 : vector<16xi32>
    %broadcast_in_dim3A_232 = arith.constant 6 : i32
    %broadcast_in_dim3A_233 = vector.broadcast %broadcast_in_dim3A_232 : i32 to vector<16xi32>
    %lt3A_234 = vector.broadcast %add3A : i32 to vector<16xi32>
    %lt3A_235 = arith.cmpi slt, %broadcast_in_dim3A_233, %lt3A_234 : vector<16xi32>
    %jit3A_236 = arith.constant 0 : i32
    %broadcast_in_dim3A_237 = vector.broadcast %jit3A_236 : i32 to vector<16xi32>
    %select_n3A_238 = arith.select %lt3A_235, %get3A_230, %broadcast_in_dim3A_237 : vector<16xi1>, vector<16xi32>
    %add3A_239 = arith.addi %add3A_228, %select_n3A_238 : vector<16xi32>
    %get3A_240 = arith.constant 0 : index
    %get3A_241 = tpu.vector_load %arg12[%get3A_240] {strides = array<i32>} : memref<16xi32, #tpu.memory_space<vmem>>, vector<16xi32>,
    %add3A_242 = arith.addi %add3A_231, %get3A_241 : vector<16xi32>
    %broadcast_in_dim3A_243 = arith.constant 7 : i32
    %broadcast_in_dim3A_244 = vector.broadcast %broadcast_in_dim3A_243 : i32 to vector<16xi32>
    %lt3A_245 = vector.broadcast %add3A : i32 to vector<16xi32>
    %lt3A_246 = arith.cmpi slt, %broadcast_in_dim3A_244, %lt3A_245 : vector<16xi32>
    %jit3A_247 = arith.constant 0 : i32
    %broadcast_in_dim3A_248 = vector.broadcast %jit3A_247 : i32 to vector<16xi32>
    %select_n3A_249 = arith.select %lt3A_246, %get3A_241, %broadcast_in_dim3A_248 : vector<16xi1>, vector<16xi32>
    %add3A_250 = arith.addi %add3A_239, %select_n3A_249 : vector<16xi32>
    %broadcast_in_dim3A_251 = arith.constant 0 : i32
    %broadcast_in_dim3A_252 = vector.broadcast %broadcast_in_dim3A_251 : i32 to vector<16xi32>
    %swap3A_253 = arith.constant 0 : index
    %swap3A_254 = tpu.vector_load %arg9[%swap3A_253] {strides = array<i32>} : memref<16xi32, #tpu.memory_space<vmem>>, vector<16xi32>,
    tpu.vector_store %arg9[%swap3A_253], %broadcast_in_dim3A_252 {strides = array<i32>} : memref<16xi32, #tpu.memory_space<vmem>>, vector<16xi32>,
    %get3A_255 = arith.constant 1024 : index
    %get3A_256 = tpu.vector_load %arg7[%get3A_255] {strides = array<i32>} : memref<4096xi32, #tpu.memory_space<vmem>>, vector<16xi32>,
    tpu.vector_store_idx %arg9[%get3A_256], %broadcast_in_dim3A_3 {add = true} : memref<16xi32, #tpu.memory_space<vmem>>[vector<16xi32>], vector<16xi32>,
    %get3A_257 = arith.constant 1040 : index
    %get3A_258 = tpu.vector_load %arg7[%get3A_257] {strides = array<i32>} : memref<4096xi32, #tpu.memory_space<vmem>>, vector<16xi32>,
    tpu.vector_store_idx %arg9[%get3A_258], %broadcast_in_dim3A_3 {add = true} : memref<16xi32, #tpu.memory_space<vmem>>[vector<16xi32>], vector<16xi32>,
    %get3A_259 = arith.constant 1056 : index
    %get3A_260 = tpu.vector_load %arg7[%get3A_259] {strides = array<i32>} : memref<4096xi32, #tpu.memory_space<vmem>>, vector<16xi32>,
    tpu.vector_store_idx %arg9[%get3A_260], %broadcast_in_dim3A_3 {add = true} : memref<16xi32, #tpu.memory_space<vmem>>[vector<16xi32>], vector<16xi32>,
    %get3A_261 = arith.constant 1072 : index
    %get3A_262 = tpu.vector_load %arg7[%get3A_261] {strides = array<i32>} : memref<4096xi32, #tpu.memory_space<vmem>>, vector<16xi32>,
    tpu.vector_store_idx %arg9[%get3A_262], %broadcast_in_dim3A_3 {add = true} : memref<16xi32, #tpu.memory_space<vmem>>[vector<16xi32>], vector<16xi32>,
    %get3A_263 = arith.constant 1088 : index
    %get3A_264 = tpu.vector_load %arg7[%get3A_263] {strides = array<i32>} : memref<4096xi32, #tpu.memory_space<vmem>>, vector<16xi32>,
    tpu.vector_store_idx %arg9[%get3A_264], %broadcast_in_dim3A_3 {add = true} : memref<16xi32, #tpu.memory_space<vmem>>[vector<16xi32>], vector<16xi32>,
    %get3A_265 = arith.constant 1104 : index
    %get3A_266 = tpu.vector_load %arg7[%get3A_265] {strides = array<i32>} : memref<4096xi32, #tpu.memory_space<vmem>>, vector<16xi32>,
    tpu.vector_store_idx %arg9[%get3A_266], %broadcast_in_dim3A_3 {add = true} : memref<16xi32, #tpu.memory_space<vmem>>[vector<16xi32>], vector<16xi32>,
    %get3A_267 = arith.constant 1120 : index
    %get3A_268 = tpu.vector_load %arg7[%get3A_267] {strides = array<i32>} : memref<4096xi32, #tpu.memory_space<vmem>>, vector<16xi32>,
    tpu.vector_store_idx %arg9[%get3A_268], %broadcast_in_dim3A_3 {add = true} : memref<16xi32, #tpu.memory_space<vmem>>[vector<16xi32>], vector<16xi32>,
    %get3A_269 = arith.constant 1136 : index
    %get3A_270 = tpu.vector_load %arg7[%get3A_269] {strides = array<i32>} : memref<4096xi32, #tpu.memory_space<vmem>>, vector<16xi32>,
    tpu.vector_store_idx %arg9[%get3A_270], %broadcast_in_dim3A_3 {add = true} : memref<16xi32, #tpu.memory_space<vmem>>[vector<16xi32>], vector<16xi32>,
    %broadcast_in_dim3A_271 = arith.constant 0 : i32
    %broadcast_in_dim3A_272 = vector.broadcast %broadcast_in_dim3A_271 : i32 to vector<16xi32>
    %swap3A_273 = arith.constant 0 : index
    %swap3A_274 = tpu.vector_load %arg10[%swap3A_273] {strides = array<i32>} : memref<16xi32, #tpu.memory_space<vmem>>, vector<16xi32>,
    tpu.vector_store %arg10[%swap3A_273], %broadcast_in_dim3A_272 {strides = array<i32>} : memref<16xi32, #tpu.memory_space<vmem>>, vector<16xi32>,
    %get3A_275 = arith.constant 1152 : index
    %get3A_276 = tpu.vector_load %arg7[%get3A_275] {strides = array<i32>} : memref<4096xi32, #tpu.memory_space<vmem>>, vector<16xi32>,
    tpu.vector_store_idx %arg10[%get3A_276], %broadcast_in_dim3A_3 {add = true} : memref<16xi32, #tpu.memory_space<vmem>>[vector<16xi32>], vector<16xi32>,
    %get3A_277 = arith.constant 1168 : index
    %get3A_278 = tpu.vector_load %arg7[%get3A_277] {strides = array<i32>} : memref<4096xi32, #tpu.memory_space<vmem>>, vector<16xi32>,
    tpu.vector_store_idx %arg10[%get3A_278], %broadcast_in_dim3A_3 {add = true} : memref<16xi32, #tpu.memory_space<vmem>>[vector<16xi32>], vector<16xi32>,
    %get3A_279 = arith.constant 1184 : index
    %get3A_280 = tpu.vector_load %arg7[%get3A_279] {strides = array<i32>} : memref<4096xi32, #tpu.memory_space<vmem>>, vector<16xi32>,
    tpu.vector_store_idx %arg10[%get3A_280], %broadcast_in_dim3A_3 {add = true} : memref<16xi32, #tpu.memory_space<vmem>>[vector<16xi32>], vector<16xi32>,
    %get3A_281 = arith.constant 1200 : index
    %get3A_282 = tpu.vector_load %arg7[%get3A_281] {strides = array<i32>} : memref<4096xi32, #tpu.memory_space<vmem>>, vector<16xi32>,
    tpu.vector_store_idx %arg10[%get3A_282], %broadcast_in_dim3A_3 {add = true} : memref<16xi32, #tpu.memory_space<vmem>>[vector<16xi32>], vector<16xi32>,
    %get3A_283 = arith.constant 1216 : index
    %get3A_284 = tpu.vector_load %arg7[%get3A_283] {strides = array<i32>} : memref<4096xi32, #tpu.memory_space<vmem>>, vector<16xi32>,
    tpu.vector_store_idx %arg10[%get3A_284], %broadcast_in_dim3A_3 {add = true} : memref<16xi32, #tpu.memory_space<vmem>>[vector<16xi32>], vector<16xi32>,
    %get3A_285 = arith.constant 1232 : index
    %get3A_286 = tpu.vector_load %arg7[%get3A_285] {strides = array<i32>} : memref<4096xi32, #tpu.memory_space<vmem>>, vector<16xi32>,
    tpu.vector_store_idx %arg10[%get3A_286], %broadcast_in_dim3A_3 {add = true} : memref<16xi32, #tpu.memory_space<vmem>>[vector<16xi32>], vector<16xi32>,
    %get3A_287 = arith.constant 1248 : index
    %get3A_288 = tpu.vector_load %arg7[%get3A_287] {strides = array<i32>} : memref<4096xi32, #tpu.memory_space<vmem>>, vector<16xi32>,
    tpu.vector_store_idx %arg10[%get3A_288], %broadcast_in_dim3A_3 {add = true} : memref<16xi32, #tpu.memory_space<vmem>>[vector<16xi32>], vector<16xi32>,
    %get3A_289 = arith.constant 1264 : index
    %get3A_290 = tpu.vector_load %arg7[%get3A_289] {strides = array<i32>} : memref<4096xi32, #tpu.memory_space<vmem>>, vector<16xi32>,
    tpu.vector_store_idx %arg10[%get3A_290], %broadcast_in_dim3A_3 {add = true} : memref<16xi32, #tpu.memory_space<vmem>>[vector<16xi32>], vector<16xi32>,
    %broadcast_in_dim3A_291 = arith.constant 0 : i32
    %broadcast_in_dim3A_292 = vector.broadcast %broadcast_in_dim3A_291 : i32 to vector<16xi32>
    %swap3A_293 = arith.constant 0 : index
    %swap3A_294 = tpu.vector_load %arg11[%swap3A_293] {strides = array<i32>} : memref<16xi32, #tpu.memory_space<vmem>>, vector<16xi32>,
    tpu.vector_store %arg11[%swap3A_293], %broadcast_in_dim3A_292 {strides = array<i32>} : memref<16xi32, #tpu.memory_space<vmem>>, vector<16xi32>,
    %get3A_295 = arith.constant 1280 : index
    %get3A_296 = tpu.vector_load %arg7[%get3A_295] {strides = array<i32>} : memref<4096xi32, #tpu.memory_space<vmem>>, vector<16xi32>,
    tpu.vector_store_idx %arg11[%get3A_296], %broadcast_in_dim3A_3 {add = true} : memref<16xi32, #tpu.memory_space<vmem>>[vector<16xi32>], vector<16xi32>,
    %get3A_297 = arith.constant 1296 : index
    %get3A_298 = tpu.vector_load %arg7[%get3A_297] {strides = array<i32>} : memref<4096xi32, #tpu.memory_space<vmem>>, vector<16xi32>,
    tpu.vector_store_idx %arg11[%get3A_298], %broadcast_in_dim3A_3 {add = true} : memref<16xi32, #tpu.memory_space<vmem>>[vector<16xi32>], vector<16xi32>,
    %get3A_299 = arith.constant 1312 : index
    %get3A_300 = tpu.vector_load %arg7[%get3A_299] {strides = array<i32>} : memref<4096xi32, #tpu.memory_space<vmem>>, vector<16xi32>,
    tpu.vector_store_idx %arg11[%get3A_300], %broadcast_in_dim3A_3 {add = true} : memref<16xi32, #tpu.memory_space<vmem>>[vector<16xi32>], vector<16xi32>,
    %get3A_301 = arith.constant 1328 : index
    %get3A_302 = tpu.vector_load %arg7[%get3A_301] {strides = array<i32>} : memref<4096xi32, #tpu.memory_space<vmem>>, vector<16xi32>,
    tpu.vector_store_idx %arg11[%get3A_302], %broadcast_in_dim3A_3 {add = true} : memref<16xi32, #tpu.memory_space<vmem>>[vector<16xi32>], vector<16xi32>,
    %get3A_303 = arith.constant 1344 : index
    %get3A_304 = tpu.vector_load %arg7[%get3A_303] {strides = array<i32>} : memref<4096xi32, #tpu.memory_space<vmem>>, vector<16xi32>,
    tpu.vector_store_idx %arg11[%get3A_304], %broadcast_in_dim3A_3 {add = true} : memref<16xi32, #tpu.memory_space<vmem>>[vector<16xi32>], vector<16xi32>,
    %get3A_305 = arith.constant 1360 : index
    %get3A_306 = tpu.vector_load %arg7[%get3A_305] {strides = array<i32>} : memref<4096xi32, #tpu.memory_space<vmem>>, vector<16xi32>,
    tpu.vector_store_idx %arg11[%get3A_306], %broadcast_in_dim3A_3 {add = true} : memref<16xi32, #tpu.memory_space<vmem>>[vector<16xi32>], vector<16xi32>,
    %get3A_307 = arith.constant 1376 : index
    %get3A_308 = tpu.vector_load %arg7[%get3A_307] {strides = array<i32>} : memref<4096xi32, #tpu.memory_space<vmem>>, vector<16xi32>,
    tpu.vector_store_idx %arg11[%get3A_308], %broadcast_in_dim3A_3 {add = true} : memref<16xi32, #tpu.memory_space<vmem>>[vector<16xi32>], vector<16xi32>,
    %get3A_309 = arith.constant 1392 : index
    %get3A_310 = tpu.vector_load %arg7[%get3A_309] {strides = array<i32>} : memref<4096xi32, #tpu.memory_space<vmem>>, vector<16xi32>,
    tpu.vector_store_idx %arg11[%get3A_310], %broadcast_in_dim3A_3 {add = true} : memref<16xi32, #tpu.memory_space<vmem>>[vector<16xi32>], vector<16xi32>,
    %broadcast_in_dim3A_311 = arith.constant 0 : i32
    %broadcast_in_dim3A_312 = vector.broadcast %broadcast_in_dim3A_311 : i32 to vector<16xi32>
    %swap3A_313 = arith.constant 0 : index
    %swap3A_314 = tpu.vector_load %arg12[%swap3A_313] {strides = array<i32>} : memref<16xi32, #tpu.memory_space<vmem>>, vector<16xi32>,
    tpu.vector_store %arg12[%swap3A_313], %broadcast_in_dim3A_312 {strides = array<i32>} : memref<16xi32, #tpu.memory_space<vmem>>, vector<16xi32>,
    %get3A_315 = arith.constant 1408 : index
    %get3A_316 = tpu.vector_load %arg7[%get3A_315] {strides = array<i32>} : memref<4096xi32, #tpu.memory_space<vmem>>, vector<16xi32>,
    tpu.vector_store_idx %arg12[%get3A_316], %broadcast_in_dim3A_3 {add = true} : memref<16xi32, #tpu.memory_space<vmem>>[vector<16xi32>], vector<16xi32>,
    %get3A_317 = arith.constant 1424 : index
    %get3A_318 = tpu.vector_load %arg7[%get3A_317] {strides = array<i32>} : memref<4096xi32, #tpu.memory_space<vmem>>, vector<16xi32>,
    tpu.vector_store_idx %arg12[%get3A_318], %broadcast_in_dim3A_3 {add = true} : memref<16xi32, #tpu.memory_space<vmem>>[vector<16xi32>], vector<16xi32>,
    %get3A_319 = arith.constant 1440 : index
    %get3A_320 = tpu.vector_load %arg7[%get3A_319] {strides = array<i32>} : memref<4096xi32, #tpu.memory_space<vmem>>, vector<16xi32>,
    tpu.vector_store_idx %arg12[%get3A_320], %broadcast_in_dim3A_3 {add = true} : memref<16xi32, #tpu.memory_space<vmem>>[vector<16xi32>], vector<16xi32>,
    %get3A_321 = arith.constant 1456 : index
    %get3A_322 = tpu.vector_load %arg7[%get3A_321] {strides = array<i32>} : memref<4096xi32, #tpu.memory_space<vmem>>, vector<16xi32>,
    tpu.vector_store_idx %arg12[%get3A_322], %broadcast_in_dim3A_3 {add = true} : memref<16xi32, #tpu.memory_space<vmem>>[vector<16xi32>], vector<16xi32>,
    %get3A_323 = arith.constant 1472 : index
    %get3A_324 = tpu.vector_load %arg7[%get3A_323] {strides = array<i32>} : memref<4096xi32, #tpu.memory_space<vmem>>, vector<16xi32>,
    tpu.vector_store_idx %arg12[%get3A_324], %broadcast_in_dim3A_3 {add = true} : memref<16xi32, #tpu.memory_space<vmem>>[vector<16xi32>], vector<16xi32>,
    %get3A_325 = arith.constant 1488 : index
    %get3A_326 = tpu.vector_load %arg7[%get3A_325] {strides = array<i32>} : memref<4096xi32, #tpu.memory_space<vmem>>, vector<16xi32>,
    tpu.vector_store_idx %arg12[%get3A_326], %broadcast_in_dim3A_3 {add = true} : memref<16xi32, #tpu.memory_space<vmem>>[vector<16xi32>], vector<16xi32>,
    %get3A_327 = arith.constant 1504 : index
    %get3A_328 = tpu.vector_load %arg7[%get3A_327] {strides = array<i32>} : memref<4096xi32, #tpu.memory_space<vmem>>, vector<16xi32>,
    tpu.vector_store_idx %arg12[%get3A_328], %broadcast_in_dim3A_3 {add = true} : memref<16xi32, #tpu.memory_space<vmem>>[vector<16xi32>], vector<16xi32>,
    %get3A_329 = arith.constant 1520 : index
    %get3A_330 = tpu.vector_load %arg7[%get3A_329] {strides = array<i32>} : memref<4096xi32, #tpu.memory_space<vmem>>, vector<16xi32>,
    tpu.vector_store_idx %arg12[%get3A_330], %broadcast_in_dim3A_3 {add = true} : memref<16xi32, #tpu.memory_space<vmem>>[vector<16xi32>], vector<16xi32>,
    %get3A_331 = arith.constant 0 : index
    %get3A_332 = tpu.vector_load %arg9[%get3A_331] {strides = array<i32>} : memref<16xi32, #tpu.memory_space<vmem>>, vector<16xi32>,
    %add3A_333 = arith.addi %add3A_242, %get3A_332 : vector<16xi32>
    %broadcast_in_dim3A_334 = arith.constant 8 : i32
    %broadcast_in_dim3A_335 = vector.broadcast %broadcast_in_dim3A_334 : i32 to vector<16xi32>
    %lt3A_336 = vector.broadcast %add3A : i32 to vector<16xi32>
    %lt3A_337 = arith.cmpi slt, %broadcast_in_dim3A_335, %lt3A_336 : vector<16xi32>
    %jit3A_338 = arith.constant 0 : i32
    %broadcast_in_dim3A_339 = vector.broadcast %jit3A_338 : i32 to vector<16xi32>
    %select_n3A_340 = arith.select %lt3A_337, %get3A_332, %broadcast_in_dim3A_339 : vector<16xi1>, vector<16xi32>
    %add3A_341 = arith.addi %add3A_250, %select_n3A_340 : vector<16xi32>
    %get3A_342 = arith.constant 0 : index
    %get3A_343 = tpu.vector_load %arg10[%get3A_342] {strides = array<i32>} : memref<16xi32, #tpu.memory_space<vmem>>, vector<16xi32>,
    %add3A_344 = arith.addi %add3A_333, %get3A_343 : vector<16xi32>
    %broadcast_in_dim3A_345 = arith.constant 9 : i32
    %broadcast_in_dim3A_346 = vector.broadcast %broadcast_in_dim3A_345 : i32 to vector<16xi32>
    %lt3A_347 = vector.broadcast %add3A : i32 to vector<16xi32>
    %lt3A_348 = arith.cmpi slt, %broadcast_in_dim3A_346, %lt3A_347 : vector<16xi32>
    %jit3A_349 = arith.constant 0 : i32
    %broadcast_in_dim3A_350 = vector.broadcast %jit3A_349 : i32 to vector<16xi32>
    %select_n3A_351 = arith.select %lt3A_348, %get3A_343, %broadcast_in_dim3A_350 : vector<16xi1>, vector<16xi32>
    %add3A_352 = arith.addi %add3A_341, %select_n3A_351 : vector<16xi32>
    %get3A_353 = arith.constant 0 : index
    %get3A_354 = tpu.vector_load %arg11[%get3A_353] {strides = array<i32>} : memref<16xi32, #tpu.memory_space<vmem>>, vector<16xi32>,
    %add3A_355 = arith.addi %add3A_344, %get3A_354 : vector<16xi32>
    %broadcast_in_dim3A_356 = arith.constant 10 : i32
    %broadcast_in_dim3A_357 = vector.broadcast %broadcast_in_dim3A_356 : i32 to vector<16xi32>
    %lt3A_358 = vector.broadcast %add3A : i32 to vector<16xi32>
    %lt3A_359 = arith.cmpi slt, %broadcast_in_dim3A_357, %lt3A_358 : vector<16xi32>
    %jit3A_360 = arith.constant 0 : i32
    %broadcast_in_dim3A_361 = vector.broadcast %jit3A_360 : i32 to vector<16xi32>
    %select_n3A_362 = arith.select %lt3A_359, %get3A_354, %broadcast_in_dim3A_361 : vector<16xi1>, vector<16xi32>
    %add3A_363 = arith.addi %add3A_352, %select_n3A_362 : vector<16xi32>
    %get3A_364 = arith.constant 0 : index
    %get3A_365 = tpu.vector_load %arg12[%get3A_364] {strides = array<i32>} : memref<16xi32, #tpu.memory_space<vmem>>, vector<16xi32>,
    %add3A_366 = arith.addi %add3A_355, %get3A_365 : vector<16xi32>
    %broadcast_in_dim3A_367 = arith.constant 11 : i32
    %broadcast_in_dim3A_368 = vector.broadcast %broadcast_in_dim3A_367 : i32 to vector<16xi32>
    %lt3A_369 = vector.broadcast %add3A : i32 to vector<16xi32>
    %lt3A_370 = arith.cmpi slt, %broadcast_in_dim3A_368, %lt3A_369 : vector<16xi32>
    %jit3A_371 = arith.constant 0 : i32
    %broadcast_in_dim3A_372 = vector.broadcast %jit3A_371 : i32 to vector<16xi32>
    %select_n3A_373 = arith.select %lt3A_370, %get3A_365, %broadcast_in_dim3A_372 : vector<16xi1>, vector<16xi32>
    %add3A_374 = arith.addi %add3A_363, %select_n3A_373 : vector<16xi32>
    %broadcast_in_dim3A_375 = arith.constant 0 : i32
    %broadcast_in_dim3A_376 = vector.broadcast %broadcast_in_dim3A_375 : i32 to vector<16xi32>
    %swap3A_377 = arith.constant 0 : index
    %swap3A_378 = tpu.vector_load %arg9[%swap3A_377] {strides = array<i32>} : memref<16xi32, #tpu.memory_space<vmem>>, vector<16xi32>,
    tpu.vector_store %arg9[%swap3A_377], %broadcast_in_dim3A_376 {strides = array<i32>} : memref<16xi32, #tpu.memory_space<vmem>>, vector<16xi32>,
    %get3A_379 = arith.constant 1536 : index
    %get3A_380 = tpu.vector_load %arg7[%get3A_379] {strides = array<i32>} : memref<4096xi32, #tpu.memory_space<vmem>>, vector<16xi32>,
    tpu.vector_store_idx %arg9[%get3A_380], %broadcast_in_dim3A_3 {add = true} : memref<16xi32, #tpu.memory_space<vmem>>[vector<16xi32>], vector<16xi32>,
    %get3A_381 = arith.constant 1552 : index
    %get3A_382 = tpu.vector_load %arg7[%get3A_381] {strides = array<i32>} : memref<4096xi32, #tpu.memory_space<vmem>>, vector<16xi32>,
    tpu.vector_store_idx %arg9[%get3A_382], %broadcast_in_dim3A_3 {add = true} : memref<16xi32, #tpu.memory_space<vmem>>[vector<16xi32>], vector<16xi32>,
    %get3A_383 = arith.constant 1568 : index
    %get3A_384 = tpu.vector_load %arg7[%get3A_383] {strides = array<i32>} : memref<4096xi32, #tpu.memory_space<vmem>>, vector<16xi32>,
    tpu.vector_store_idx %arg9[%get3A_384], %broadcast_in_dim3A_3 {add = true} : memref<16xi32, #tpu.memory_space<vmem>>[vector<16xi32>], vector<16xi32>,
    %get3A_385 = arith.constant 1584 : index
    %get3A_386 = tpu.vector_load %arg7[%get3A_385] {strides = array<i32>} : memref<4096xi32, #tpu.memory_space<vmem>>, vector<16xi32>,
    tpu.vector_store_idx %arg9[%get3A_386], %broadcast_in_dim3A_3 {add = true} : memref<16xi32, #tpu.memory_space<vmem>>[vector<16xi32>], vector<16xi32>,
    %get3A_387 = arith.constant 1600 : index
    %get3A_388 = tpu.vector_load %arg7[%get3A_387] {strides = array<i32>} : memref<4096xi32, #tpu.memory_space<vmem>>, vector<16xi32>,
    tpu.vector_store_idx %arg9[%get3A_388], %broadcast_in_dim3A_3 {add = true} : memref<16xi32, #tpu.memory_space<vmem>>[vector<16xi32>], vector<16xi32>,
    %get3A_389 = arith.constant 1616 : index
    %get3A_390 = tpu.vector_load %arg7[%get3A_389] {strides = array<i32>} : memref<4096xi32, #tpu.memory_space<vmem>>, vector<16xi32>,
    tpu.vector_store_idx %arg9[%get3A_390], %broadcast_in_dim3A_3 {add = true} : memref<16xi32, #tpu.memory_space<vmem>>[vector<16xi32>], vector<16xi32>,
    %get3A_391 = arith.constant 1632 : index
    %get3A_392 = tpu.vector_load %arg7[%get3A_391] {strides = array<i32>} : memref<4096xi32, #tpu.memory_space<vmem>>, vector<16xi32>,
    tpu.vector_store_idx %arg9[%get3A_392], %broadcast_in_dim3A_3 {add = true} : memref<16xi32, #tpu.memory_space<vmem>>[vector<16xi32>], vector<16xi32>,
    %get3A_393 = arith.constant 1648 : index
    %get3A_394 = tpu.vector_load %arg7[%get3A_393] {strides = array<i32>} : memref<4096xi32, #tpu.memory_space<vmem>>, vector<16xi32>,
    tpu.vector_store_idx %arg9[%get3A_394], %broadcast_in_dim3A_3 {add = true} : memref<16xi32, #tpu.memory_space<vmem>>[vector<16xi32>], vector<16xi32>,
    %broadcast_in_dim3A_395 = arith.constant 0 : i32
    %broadcast_in_dim3A_396 = vector.broadcast %broadcast_in_dim3A_395 : i32 to vector<16xi32>
    %swap3A_397 = arith.constant 0 : index
    %swap3A_398 = tpu.vector_load %arg10[%swap3A_397] {strides = array<i32>} : memref<16xi32, #tpu.memory_space<vmem>>, vector<16xi32>,
    tpu.vector_store %arg10[%swap3A_397], %broadcast_in_dim3A_396 {strides = array<i32>} : memref<16xi32, #tpu.memory_space<vmem>>, vector<16xi32>,
    %get3A_399 = arith.constant 1664 : index
    %get3A_400 = tpu.vector_load %arg7[%get3A_399] {strides = array<i32>} : memref<4096xi32, #tpu.memory_space<vmem>>, vector<16xi32>,
    tpu.vector_store_idx %arg10[%get3A_400], %broadcast_in_dim3A_3 {add = true} : memref<16xi32, #tpu.memory_space<vmem>>[vector<16xi32>], vector<16xi32>,
    %get3A_401 = arith.constant 1680 : index
    %get3A_402 = tpu.vector_load %arg7[%get3A_401] {strides = array<i32>} : memref<4096xi32, #tpu.memory_space<vmem>>, vector<16xi32>,
    tpu.vector_store_idx %arg10[%get3A_402], %broadcast_in_dim3A_3 {add = true} : memref<16xi32, #tpu.memory_space<vmem>>[vector<16xi32>], vector<16xi32>,
    %get3A_403 = arith.constant 1696 : index
    %get3A_404 = tpu.vector_load %arg7[%get3A_403] {strides = array<i32>} : memref<4096xi32, #tpu.memory_space<vmem>>, vector<16xi32>,
    tpu.vector_store_idx %arg10[%get3A_404], %broadcast_in_dim3A_3 {add = true} : memref<16xi32, #tpu.memory_space<vmem>>[vector<16xi32>], vector<16xi32>,
    %get3A_405 = arith.constant 1712 : index
    %get3A_406 = tpu.vector_load %arg7[%get3A_405] {strides = array<i32>} : memref<4096xi32, #tpu.memory_space<vmem>>, vector<16xi32>,
    tpu.vector_store_idx %arg10[%get3A_406], %broadcast_in_dim3A_3 {add = true} : memref<16xi32, #tpu.memory_space<vmem>>[vector<16xi32>], vector<16xi32>,
    %get3A_407 = arith.constant 1728 : index
    %get3A_408 = tpu.vector_load %arg7[%get3A_407] {strides = array<i32>} : memref<4096xi32, #tpu.memory_space<vmem>>, vector<16xi32>,
    tpu.vector_store_idx %arg10[%get3A_408], %broadcast_in_dim3A_3 {add = true} : memref<16xi32, #tpu.memory_space<vmem>>[vector<16xi32>], vector<16xi32>,
    %get3A_409 = arith.constant 1744 : index
    %get3A_410 = tpu.vector_load %arg7[%get3A_409] {strides = array<i32>} : memref<4096xi32, #tpu.memory_space<vmem>>, vector<16xi32>,
    tpu.vector_store_idx %arg10[%get3A_410], %broadcast_in_dim3A_3 {add = true} : memref<16xi32, #tpu.memory_space<vmem>>[vector<16xi32>], vector<16xi32>,
    %get3A_411 = arith.constant 1760 : index
    %get3A_412 = tpu.vector_load %arg7[%get3A_411] {strides = array<i32>} : memref<4096xi32, #tpu.memory_space<vmem>>, vector<16xi32>,
    tpu.vector_store_idx %arg10[%get3A_412], %broadcast_in_dim3A_3 {add = true} : memref<16xi32, #tpu.memory_space<vmem>>[vector<16xi32>], vector<16xi32>,
    %get3A_413 = arith.constant 1776 : index
    %get3A_414 = tpu.vector_load %arg7[%get3A_413] {strides = array<i32>} : memref<4096xi32, #tpu.memory_space<vmem>>, vector<16xi32>,
    tpu.vector_store_idx %arg10[%get3A_414], %broadcast_in_dim3A_3 {add = true} : memref<16xi32, #tpu.memory_space<vmem>>[vector<16xi32>], vector<16xi32>,
    %broadcast_in_dim3A_415 = arith.constant 0 : i32
    %broadcast_in_dim3A_416 = vector.broadcast %broadcast_in_dim3A_415 : i32 to vector<16xi32>
    %swap3A_417 = arith.constant 0 : index
    %swap3A_418 = tpu.vector_load %arg11[%swap3A_417] {strides = array<i32>} : memref<16xi32, #tpu.memory_space<vmem>>, vector<16xi32>,
    tpu.vector_store %arg11[%swap3A_417], %broadcast_in_dim3A_416 {strides = array<i32>} : memref<16xi32, #tpu.memory_space<vmem>>, vector<16xi32>,
    %get3A_419 = arith.constant 1792 : index
    %get3A_420 = tpu.vector_load %arg7[%get3A_419] {strides = array<i32>} : memref<4096xi32, #tpu.memory_space<vmem>>, vector<16xi32>,
    tpu.vector_store_idx %arg11[%get3A_420], %broadcast_in_dim3A_3 {add = true} : memref<16xi32, #tpu.memory_space<vmem>>[vector<16xi32>], vector<16xi32>,
    %get3A_421 = arith.constant 1808 : index
    %get3A_422 = tpu.vector_load %arg7[%get3A_421] {strides = array<i32>} : memref<4096xi32, #tpu.memory_space<vmem>>, vector<16xi32>,
    tpu.vector_store_idx %arg11[%get3A_422], %broadcast_in_dim3A_3 {add = true} : memref<16xi32, #tpu.memory_space<vmem>>[vector<16xi32>], vector<16xi32>,
    %get3A_423 = arith.constant 1824 : index
    %get3A_424 = tpu.vector_load %arg7[%get3A_423] {strides = array<i32>} : memref<4096xi32, #tpu.memory_space<vmem>>, vector<16xi32>,
    tpu.vector_store_idx %arg11[%get3A_424], %broadcast_in_dim3A_3 {add = true} : memref<16xi32, #tpu.memory_space<vmem>>[vector<16xi32>], vector<16xi32>,
    %get3A_425 = arith.constant 1840 : index
    %get3A_426 = tpu.vector_load %arg7[%get3A_425] {strides = array<i32>} : memref<4096xi32, #tpu.memory_space<vmem>>, vector<16xi32>,
    tpu.vector_store_idx %arg11[%get3A_426], %broadcast_in_dim3A_3 {add = true} : memref<16xi32, #tpu.memory_space<vmem>>[vector<16xi32>], vector<16xi32>,
    %get3A_427 = arith.constant 1856 : index
    %get3A_428 = tpu.vector_load %arg7[%get3A_427] {strides = array<i32>} : memref<4096xi32, #tpu.memory_space<vmem>>, vector<16xi32>,
    tpu.vector_store_idx %arg11[%get3A_428], %broadcast_in_dim3A_3 {add = true} : memref<16xi32, #tpu.memory_space<vmem>>[vector<16xi32>], vector<16xi32>,
    %get3A_429 = arith.constant 1872 : index
    %get3A_430 = tpu.vector_load %arg7[%get3A_429] {strides = array<i32>} : memref<4096xi32, #tpu.memory_space<vmem>>, vector<16xi32>,
    tpu.vector_store_idx %arg11[%get3A_430], %broadcast_in_dim3A_3 {add = true} : memref<16xi32, #tpu.memory_space<vmem>>[vector<16xi32>], vector<16xi32>,
    %get3A_431 = arith.constant 1888 : index
    %get3A_432 = tpu.vector_load %arg7[%get3A_431] {strides = array<i32>} : memref<4096xi32, #tpu.memory_space<vmem>>, vector<16xi32>,
    tpu.vector_store_idx %arg11[%get3A_432], %broadcast_in_dim3A_3 {add = true} : memref<16xi32, #tpu.memory_space<vmem>>[vector<16xi32>], vector<16xi32>,
    %get3A_433 = arith.constant 1904 : index
    %get3A_434 = tpu.vector_load %arg7[%get3A_433] {strides = array<i32>} : memref<4096xi32, #tpu.memory_space<vmem>>, vector<16xi32>,
    tpu.vector_store_idx %arg11[%get3A_434], %broadcast_in_dim3A_3 {add = true} : memref<16xi32, #tpu.memory_space<vmem>>[vector<16xi32>], vector<16xi32>,
    %broadcast_in_dim3A_435 = arith.constant 0 : i32
    %broadcast_in_dim3A_436 = vector.broadcast %broadcast_in_dim3A_435 : i32 to vector<16xi32>
    %swap3A_437 = arith.constant 0 : index
    %swap3A_438 = tpu.vector_load %arg12[%swap3A_437] {strides = array<i32>} : memref<16xi32, #tpu.memory_space<vmem>>, vector<16xi32>,
    tpu.vector_store %arg12[%swap3A_437], %broadcast_in_dim3A_436 {strides = array<i32>} : memref<16xi32, #tpu.memory_space<vmem>>, vector<16xi32>,
    %get3A_439 = arith.constant 1920 : index
    %get3A_440 = tpu.vector_load %arg7[%get3A_439] {strides = array<i32>} : memref<4096xi32, #tpu.memory_space<vmem>>, vector<16xi32>,
    tpu.vector_store_idx %arg12[%get3A_440], %broadcast_in_dim3A_3 {add = true} : memref<16xi32, #tpu.memory_space<vmem>>[vector<16xi32>], vector<16xi32>,
    %get3A_441 = arith.constant 1936 : index
    %get3A_442 = tpu.vector_load %arg7[%get3A_441] {strides = array<i32>} : memref<4096xi32, #tpu.memory_space<vmem>>, vector<16xi32>,
    tpu.vector_store_idx %arg12[%get3A_442], %broadcast_in_dim3A_3 {add = true} : memref<16xi32, #tpu.memory_space<vmem>>[vector<16xi32>], vector<16xi32>,
    %get3A_443 = arith.constant 1952 : index
    %get3A_444 = tpu.vector_load %arg7[%get3A_443] {strides = array<i32>} : memref<4096xi32, #tpu.memory_space<vmem>>, vector<16xi32>,
    tpu.vector_store_idx %arg12[%get3A_444], %broadcast_in_dim3A_3 {add = true} : memref<16xi32, #tpu.memory_space<vmem>>[vector<16xi32>], vector<16xi32>,
    %get3A_445 = arith.constant 1968 : index
    %get3A_446 = tpu.vector_load %arg7[%get3A_445] {strides = array<i32>} : memref<4096xi32, #tpu.memory_space<vmem>>, vector<16xi32>,
    tpu.vector_store_idx %arg12[%get3A_446], %broadcast_in_dim3A_3 {add = true} : memref<16xi32, #tpu.memory_space<vmem>>[vector<16xi32>], vector<16xi32>,
    %get3A_447 = arith.constant 1984 : index
    %get3A_448 = tpu.vector_load %arg7[%get3A_447] {strides = array<i32>} : memref<4096xi32, #tpu.memory_space<vmem>>, vector<16xi32>,
    tpu.vector_store_idx %arg12[%get3A_448], %broadcast_in_dim3A_3 {add = true} : memref<16xi32, #tpu.memory_space<vmem>>[vector<16xi32>], vector<16xi32>,
    %get3A_449 = arith.constant 2000 : index
    %get3A_450 = tpu.vector_load %arg7[%get3A_449] {strides = array<i32>} : memref<4096xi32, #tpu.memory_space<vmem>>, vector<16xi32>,
    tpu.vector_store_idx %arg12[%get3A_450], %broadcast_in_dim3A_3 {add = true} : memref<16xi32, #tpu.memory_space<vmem>>[vector<16xi32>], vector<16xi32>,
    %get3A_451 = arith.constant 2016 : index
    %get3A_452 = tpu.vector_load %arg7[%get3A_451] {strides = array<i32>} : memref<4096xi32, #tpu.memory_space<vmem>>, vector<16xi32>,
    tpu.vector_store_idx %arg12[%get3A_452], %broadcast_in_dim3A_3 {add = true} : memref<16xi32, #tpu.memory_space<vmem>>[vector<16xi32>], vector<16xi32>,
    %get3A_453 = arith.constant 2032 : index
    %get3A_454 = tpu.vector_load %arg7[%get3A_453] {strides = array<i32>} : memref<4096xi32, #tpu.memory_space<vmem>>, vector<16xi32>,
    tpu.vector_store_idx %arg12[%get3A_454], %broadcast_in_dim3A_3 {add = true} : memref<16xi32, #tpu.memory_space<vmem>>[vector<16xi32>], vector<16xi32>,
    %get3A_455 = arith.constant 0 : index
    %get3A_456 = tpu.vector_load %arg9[%get3A_455] {strides = array<i32>} : memref<16xi32, #tpu.memory_space<vmem>>, vector<16xi32>,
    %add3A_457 = arith.addi %add3A_366, %get3A_456 : vector<16xi32>
    %broadcast_in_dim3A_458 = arith.constant 12 : i32
    %broadcast_in_dim3A_459 = vector.broadcast %broadcast_in_dim3A_458 : i32 to vector<16xi32>
    %lt3A_460 = vector.broadcast %add3A : i32 to vector<16xi32>
    %lt3A_461 = arith.cmpi slt, %broadcast_in_dim3A_459, %lt3A_460 : vector<16xi32>
    %jit3A_462 = arith.constant 0 : i32
    %broadcast_in_dim3A_463 = vector.broadcast %jit3A_462 : i32 to vector<16xi32>
    %select_n3A_464 = arith.select %lt3A_461, %get3A_456, %broadcast_in_dim3A_463 : vector<16xi1>, vector<16xi32>
    %add3A_465 = arith.addi %add3A_374, %select_n3A_464 : vector<16xi32>
    %get3A_466 = arith.constant 0 : index
    %get3A_467 = tpu.vector_load %arg10[%get3A_466] {strides = array<i32>} : memref<16xi32, #tpu.memory_space<vmem>>, vector<16xi32>,
    %add3A_468 = arith.addi %add3A_457, %get3A_467 : vector<16xi32>
    %broadcast_in_dim3A_469 = arith.constant 13 : i32
    %broadcast_in_dim3A_470 = vector.broadcast %broadcast_in_dim3A_469 : i32 to vector<16xi32>
    %lt3A_471 = vector.broadcast %add3A : i32 to vector<16xi32>
    %lt3A_472 = arith.cmpi slt, %broadcast_in_dim3A_470, %lt3A_471 : vector<16xi32>
    %jit3A_473 = arith.constant 0 : i32
    %broadcast_in_dim3A_474 = vector.broadcast %jit3A_473 : i32 to vector<16xi32>
    %select_n3A_475 = arith.select %lt3A_472, %get3A_467, %broadcast_in_dim3A_474 : vector<16xi1>, vector<16xi32>
    %add3A_476 = arith.addi %add3A_465, %select_n3A_475 : vector<16xi32>
    %get3A_477 = arith.constant 0 : index
    %get3A_478 = tpu.vector_load %arg11[%get3A_477] {strides = array<i32>} : memref<16xi32, #tpu.memory_space<vmem>>, vector<16xi32>,
    %add3A_479 = arith.addi %add3A_468, %get3A_478 : vector<16xi32>
    %broadcast_in_dim3A_480 = arith.constant 14 : i32
    %broadcast_in_dim3A_481 = vector.broadcast %broadcast_in_dim3A_480 : i32 to vector<16xi32>
    %lt3A_482 = vector.broadcast %add3A : i32 to vector<16xi32>
    %lt3A_483 = arith.cmpi slt, %broadcast_in_dim3A_481, %lt3A_482 : vector<16xi32>
    %jit3A_484 = arith.constant 0 : i32
    %broadcast_in_dim3A_485 = vector.broadcast %jit3A_484 : i32 to vector<16xi32>
    %select_n3A_486 = arith.select %lt3A_483, %get3A_478, %broadcast_in_dim3A_485 : vector<16xi1>, vector<16xi32>
    %add3A_487 = arith.addi %add3A_476, %select_n3A_486 : vector<16xi32>
    %get3A_488 = arith.constant 0 : index
    %get3A_489 = tpu.vector_load %arg12[%get3A_488] {strides = array<i32>} : memref<16xi32, #tpu.memory_space<vmem>>, vector<16xi32>,
    %add3A_490 = arith.addi %add3A_479, %get3A_489 : vector<16xi32>
    %broadcast_in_dim3A_491 = arith.constant 15 : i32
    %broadcast_in_dim3A_492 = vector.broadcast %broadcast_in_dim3A_491 : i32 to vector<16xi32>
    %lt3A_493 = vector.broadcast %add3A : i32 to vector<16xi32>
    %lt3A_494 = arith.cmpi slt, %broadcast_in_dim3A_492, %lt3A_493 : vector<16xi32>
    %jit3A_495 = arith.constant 0 : i32
    %broadcast_in_dim3A_496 = vector.broadcast %jit3A_495 : i32 to vector<16xi32>
    %select_n3A_497 = arith.select %lt3A_494, %get3A_489, %broadcast_in_dim3A_496 : vector<16xi1>, vector<16xi32>
    %add3A_498 = arith.addi %add3A_487, %select_n3A_497 : vector<16xi32>
    %broadcast_in_dim3A_499 = arith.constant 0 : i32
    %broadcast_in_dim3A_500 = vector.broadcast %broadcast_in_dim3A_499 : i32 to vector<16xi32>
    %swap3A_501 = arith.constant 0 : index
    %swap3A_502 = tpu.vector_load %arg9[%swap3A_501] {strides = array<i32>} : memref<16xi32, #tpu.memory_space<vmem>>, vector<16xi32>,
    tpu.vector_store %arg9[%swap3A_501], %broadcast_in_dim3A_500 {strides = array<i32>} : memref<16xi32, #tpu.memory_space<vmem>>, vector<16xi32>,
    %get3A_503 = arith.constant 2048 : index
    %get3A_504 = tpu.vector_load %arg7[%get3A_503] {strides = array<i32>} : memref<4096xi32, #tpu.memory_space<vmem>>, vector<16xi32>,
    tpu.vector_store_idx %arg9[%get3A_504], %broadcast_in_dim3A_3 {add = true} : memref<16xi32, #tpu.memory_space<vmem>>[vector<16xi32>], vector<16xi32>,
    %get3A_505 = arith.constant 2064 : index
    %get3A_506 = tpu.vector_load %arg7[%get3A_505] {strides = array<i32>} : memref<4096xi32, #tpu.memory_space<vmem>>, vector<16xi32>,
    tpu.vector_store_idx %arg9[%get3A_506], %broadcast_in_dim3A_3 {add = true} : memref<16xi32, #tpu.memory_space<vmem>>[vector<16xi32>], vector<16xi32>,
    %get3A_507 = arith.constant 2080 : index
    %get3A_508 = tpu.vector_load %arg7[%get3A_507] {strides = array<i32>} : memref<4096xi32, #tpu.memory_space<vmem>>, vector<16xi32>,
    tpu.vector_store_idx %arg9[%get3A_508], %broadcast_in_dim3A_3 {add = true} : memref<16xi32, #tpu.memory_space<vmem>>[vector<16xi32>], vector<16xi32>,
    %get3A_509 = arith.constant 2096 : index
    %get3A_510 = tpu.vector_load %arg7[%get3A_509] {strides = array<i32>} : memref<4096xi32, #tpu.memory_space<vmem>>, vector<16xi32>,
    tpu.vector_store_idx %arg9[%get3A_510], %broadcast_in_dim3A_3 {add = true} : memref<16xi32, #tpu.memory_space<vmem>>[vector<16xi32>], vector<16xi32>,
    %get3A_511 = arith.constant 2112 : index
    %get3A_512 = tpu.vector_load %arg7[%get3A_511] {strides = array<i32>} : memref<4096xi32, #tpu.memory_space<vmem>>, vector<16xi32>,
    tpu.vector_store_idx %arg9[%get3A_512], %broadcast_in_dim3A_3 {add = true} : memref<16xi32, #tpu.memory_space<vmem>>[vector<16xi32>], vector<16xi32>,
    %get3A_513 = arith.constant 2128 : index
    %get3A_514 = tpu.vector_load %arg7[%get3A_513] {strides = array<i32>} : memref<4096xi32, #tpu.memory_space<vmem>>, vector<16xi32>,
    tpu.vector_store_idx %arg9[%get3A_514], %broadcast_in_dim3A_3 {add = true} : memref<16xi32, #tpu.memory_space<vmem>>[vector<16xi32>], vector<16xi32>,
    %get3A_515 = arith.constant 2144 : index
    %get3A_516 = tpu.vector_load %arg7[%get3A_515] {strides = array<i32>} : memref<4096xi32, #tpu.memory_space<vmem>>, vector<16xi32>,
    tpu.vector_store_idx %arg9[%get3A_516], %broadcast_in_dim3A_3 {add = true} : memref<16xi32, #tpu.memory_space<vmem>>[vector<16xi32>], vector<16xi32>,
    %get3A_517 = arith.constant 2160 : index
    %get3A_518 = tpu.vector_load %arg7[%get3A_517] {strides = array<i32>} : memref<4096xi32, #tpu.memory_space<vmem>>, vector<16xi32>,
    tpu.vector_store_idx %arg9[%get3A_518], %broadcast_in_dim3A_3 {add = true} : memref<16xi32, #tpu.memory_space<vmem>>[vector<16xi32>], vector<16xi32>,
    %broadcast_in_dim3A_519 = arith.constant 0 : i32
    %broadcast_in_dim3A_520 = vector.broadcast %broadcast_in_dim3A_519 : i32 to vector<16xi32>
    %swap3A_521 = arith.constant 0 : index
    %swap3A_522 = tpu.vector_load %arg10[%swap3A_521] {strides = array<i32>} : memref<16xi32, #tpu.memory_space<vmem>>, vector<16xi32>,
    tpu.vector_store %arg10[%swap3A_521], %broadcast_in_dim3A_520 {strides = array<i32>} : memref<16xi32, #tpu.memory_space<vmem>>, vector<16xi32>,
    %get3A_523 = arith.constant 2176 : index
    %get3A_524 = tpu.vector_load %arg7[%get3A_523] {strides = array<i32>} : memref<4096xi32, #tpu.memory_space<vmem>>, vector<16xi32>,
    tpu.vector_store_idx %arg10[%get3A_524], %broadcast_in_dim3A_3 {add = true} : memref<16xi32, #tpu.memory_space<vmem>>[vector<16xi32>], vector<16xi32>,
    %get3A_525 = arith.constant 2192 : index
    %get3A_526 = tpu.vector_load %arg7[%get3A_525] {strides = array<i32>} : memref<4096xi32, #tpu.memory_space<vmem>>, vector<16xi32>,
    tpu.vector_store_idx %arg10[%get3A_526], %broadcast_in_dim3A_3 {add = true} : memref<16xi32, #tpu.memory_space<vmem>>[vector<16xi32>], vector<16xi32>,
    %get3A_527 = arith.constant 2208 : index
    %get3A_528 = tpu.vector_load %arg7[%get3A_527] {strides = array<i32>} : memref<4096xi32, #tpu.memory_space<vmem>>, vector<16xi32>,
    tpu.vector_store_idx %arg10[%get3A_528], %broadcast_in_dim3A_3 {add = true} : memref<16xi32, #tpu.memory_space<vmem>>[vector<16xi32>], vector<16xi32>,
    %get3A_529 = arith.constant 2224 : index
    %get3A_530 = tpu.vector_load %arg7[%get3A_529] {strides = array<i32>} : memref<4096xi32, #tpu.memory_space<vmem>>, vector<16xi32>,
    tpu.vector_store_idx %arg10[%get3A_530], %broadcast_in_dim3A_3 {add = true} : memref<16xi32, #tpu.memory_space<vmem>>[vector<16xi32>], vector<16xi32>,
    %get3A_531 = arith.constant 2240 : index
    %get3A_532 = tpu.vector_load %arg7[%get3A_531] {strides = array<i32>} : memref<4096xi32, #tpu.memory_space<vmem>>, vector<16xi32>,
    tpu.vector_store_idx %arg10[%get3A_532], %broadcast_in_dim3A_3 {add = true} : memref<16xi32, #tpu.memory_space<vmem>>[vector<16xi32>], vector<16xi32>,
    %get3A_533 = arith.constant 2256 : index
    %get3A_534 = tpu.vector_load %arg7[%get3A_533] {strides = array<i32>} : memref<4096xi32, #tpu.memory_space<vmem>>, vector<16xi32>,
    tpu.vector_store_idx %arg10[%get3A_534], %broadcast_in_dim3A_3 {add = true} : memref<16xi32, #tpu.memory_space<vmem>>[vector<16xi32>], vector<16xi32>,
    %get3A_535 = arith.constant 2272 : index
    %get3A_536 = tpu.vector_load %arg7[%get3A_535] {strides = array<i32>} : memref<4096xi32, #tpu.memory_space<vmem>>, vector<16xi32>,
    tpu.vector_store_idx %arg10[%get3A_536], %broadcast_in_dim3A_3 {add = true} : memref<16xi32, #tpu.memory_space<vmem>>[vector<16xi32>], vector<16xi32>,
    %get3A_537 = arith.constant 2288 : index
    %get3A_538 = tpu.vector_load %arg7[%get3A_537] {strides = array<i32>} : memref<4096xi32, #tpu.memory_space<vmem>>, vector<16xi32>,
    tpu.vector_store_idx %arg10[%get3A_538], %broadcast_in_dim3A_3 {add = true} : memref<16xi32, #tpu.memory_space<vmem>>[vector<16xi32>], vector<16xi32>,
    %broadcast_in_dim3A_539 = arith.constant 0 : i32
    %broadcast_in_dim3A_540 = vector.broadcast %broadcast_in_dim3A_539 : i32 to vector<16xi32>
    %swap3A_541 = arith.constant 0 : index
    %swap3A_542 = tpu.vector_load %arg11[%swap3A_541] {strides = array<i32>} : memref<16xi32, #tpu.memory_space<vmem>>, vector<16xi32>,
    tpu.vector_store %arg11[%swap3A_541], %broadcast_in_dim3A_540 {strides = array<i32>} : memref<16xi32, #tpu.memory_space<vmem>>, vector<16xi32>,
    %get3A_543 = arith.constant 2304 : index
    %get3A_544 = tpu.vector_load %arg7[%get3A_543] {strides = array<i32>} : memref<4096xi32, #tpu.memory_space<vmem>>, vector<16xi32>,
    tpu.vector_store_idx %arg11[%get3A_544], %broadcast_in_dim3A_3 {add = true} : memref<16xi32, #tpu.memory_space<vmem>>[vector<16xi32>], vector<16xi32>,
    %get3A_545 = arith.constant 2320 : index
    %get3A_546 = tpu.vector_load %arg7[%get3A_545] {strides = array<i32>} : memref<4096xi32, #tpu.memory_space<vmem>>, vector<16xi32>,
    tpu.vector_store_idx %arg11[%get3A_546], %broadcast_in_dim3A_3 {add = true} : memref<16xi32, #tpu.memory_space<vmem>>[vector<16xi32>], vector<16xi32>,
    %get3A_547 = arith.constant 2336 : index
    %get3A_548 = tpu.vector_load %arg7[%get3A_547] {strides = array<i32>} : memref<4096xi32, #tpu.memory_space<vmem>>, vector<16xi32>,
    tpu.vector_store_idx %arg11[%get3A_548], %broadcast_in_dim3A_3 {add = true} : memref<16xi32, #tpu.memory_space<vmem>>[vector<16xi32>], vector<16xi32>,
    %get3A_549 = arith.constant 2352 : index
    %get3A_550 = tpu.vector_load %arg7[%get3A_549] {strides = array<i32>} : memref<4096xi32, #tpu.memory_space<vmem>>, vector<16xi32>,
    tpu.vector_store_idx %arg11[%get3A_550], %broadcast_in_dim3A_3 {add = true} : memref<16xi32, #tpu.memory_space<vmem>>[vector<16xi32>], vector<16xi32>,
    %get3A_551 = arith.constant 2368 : index
    %get3A_552 = tpu.vector_load %arg7[%get3A_551] {strides = array<i32>} : memref<4096xi32, #tpu.memory_space<vmem>>, vector<16xi32>,
    tpu.vector_store_idx %arg11[%get3A_552], %broadcast_in_dim3A_3 {add = true} : memref<16xi32, #tpu.memory_space<vmem>>[vector<16xi32>], vector<16xi32>,
    %get3A_553 = arith.constant 2384 : index
    %get3A_554 = tpu.vector_load %arg7[%get3A_553] {strides = array<i32>} : memref<4096xi32, #tpu.memory_space<vmem>>, vector<16xi32>,
    tpu.vector_store_idx %arg11[%get3A_554], %broadcast_in_dim3A_3 {add = true} : memref<16xi32, #tpu.memory_space<vmem>>[vector<16xi32>], vector<16xi32>,
    %get3A_555 = arith.constant 2400 : index
    %get3A_556 = tpu.vector_load %arg7[%get3A_555] {strides = array<i32>} : memref<4096xi32, #tpu.memory_space<vmem>>, vector<16xi32>,
    tpu.vector_store_idx %arg11[%get3A_556], %broadcast_in_dim3A_3 {add = true} : memref<16xi32, #tpu.memory_space<vmem>>[vector<16xi32>], vector<16xi32>,
    %get3A_557 = arith.constant 2416 : index
    %get3A_558 = tpu.vector_load %arg7[%get3A_557] {strides = array<i32>} : memref<4096xi32, #tpu.memory_space<vmem>>, vector<16xi32>,
    tpu.vector_store_idx %arg11[%get3A_558], %broadcast_in_dim3A_3 {add = true} : memref<16xi32, #tpu.memory_space<vmem>>[vector<16xi32>], vector<16xi32>,
    %broadcast_in_dim3A_559 = arith.constant 0 : i32
    %broadcast_in_dim3A_560 = vector.broadcast %broadcast_in_dim3A_559 : i32 to vector<16xi32>
    %swap3A_561 = arith.constant 0 : index
    %swap3A_562 = tpu.vector_load %arg12[%swap3A_561] {strides = array<i32>} : memref<16xi32, #tpu.memory_space<vmem>>, vector<16xi32>,
    tpu.vector_store %arg12[%swap3A_561], %broadcast_in_dim3A_560 {strides = array<i32>} : memref<16xi32, #tpu.memory_space<vmem>>, vector<16xi32>,
    %get3A_563 = arith.constant 2432 : index
    %get3A_564 = tpu.vector_load %arg7[%get3A_563] {strides = array<i32>} : memref<4096xi32, #tpu.memory_space<vmem>>, vector<16xi32>,
    tpu.vector_store_idx %arg12[%get3A_564], %broadcast_in_dim3A_3 {add = true} : memref<16xi32, #tpu.memory_space<vmem>>[vector<16xi32>], vector<16xi32>,
    %get3A_565 = arith.constant 2448 : index
    %get3A_566 = tpu.vector_load %arg7[%get3A_565] {strides = array<i32>} : memref<4096xi32, #tpu.memory_space<vmem>>, vector<16xi32>,
    tpu.vector_store_idx %arg12[%get3A_566], %broadcast_in_dim3A_3 {add = true} : memref<16xi32, #tpu.memory_space<vmem>>[vector<16xi32>], vector<16xi32>,
    %get3A_567 = arith.constant 2464 : index
    %get3A_568 = tpu.vector_load %arg7[%get3A_567] {strides = array<i32>} : memref<4096xi32, #tpu.memory_space<vmem>>, vector<16xi32>,
    tpu.vector_store_idx %arg12[%get3A_568], %broadcast_in_dim3A_3 {add = true} : memref<16xi32, #tpu.memory_space<vmem>>[vector<16xi32>], vector<16xi32>,
    %get3A_569 = arith.constant 2480 : index
    %get3A_570 = tpu.vector_load %arg7[%get3A_569] {strides = array<i32>} : memref<4096xi32, #tpu.memory_space<vmem>>, vector<16xi32>,
    tpu.vector_store_idx %arg12[%get3A_570], %broadcast_in_dim3A_3 {add = true} : memref<16xi32, #tpu.memory_space<vmem>>[vector<16xi32>], vector<16xi32>,
    %get3A_571 = arith.constant 2496 : index
    %get3A_572 = tpu.vector_load %arg7[%get3A_571] {strides = array<i32>} : memref<4096xi32, #tpu.memory_space<vmem>>, vector<16xi32>,
    tpu.vector_store_idx %arg12[%get3A_572], %broadcast_in_dim3A_3 {add = true} : memref<16xi32, #tpu.memory_space<vmem>>[vector<16xi32>], vector<16xi32>,
    %get3A_573 = arith.constant 2512 : index
    %get3A_574 = tpu.vector_load %arg7[%get3A_573] {strides = array<i32>} : memref<4096xi32, #tpu.memory_space<vmem>>, vector<16xi32>,
    tpu.vector_store_idx %arg12[%get3A_574], %broadcast_in_dim3A_3 {add = true} : memref<16xi32, #tpu.memory_space<vmem>>[vector<16xi32>], vector<16xi32>,
    %get3A_575 = arith.constant 2528 : index
    %get3A_576 = tpu.vector_load %arg7[%get3A_575] {strides = array<i32>} : memref<4096xi32, #tpu.memory_space<vmem>>, vector<16xi32>,
    tpu.vector_store_idx %arg12[%get3A_576], %broadcast_in_dim3A_3 {add = true} : memref<16xi32, #tpu.memory_space<vmem>>[vector<16xi32>], vector<16xi32>,
    %get3A_577 = arith.constant 2544 : index
    %get3A_578 = tpu.vector_load %arg7[%get3A_577] {strides = array<i32>} : memref<4096xi32, #tpu.memory_space<vmem>>, vector<16xi32>,
    tpu.vector_store_idx %arg12[%get3A_578], %broadcast_in_dim3A_3 {add = true} : memref<16xi32, #tpu.memory_space<vmem>>[vector<16xi32>], vector<16xi32>,
    %get3A_579 = arith.constant 0 : index
    %get3A_580 = tpu.vector_load %arg9[%get3A_579] {strides = array<i32>} : memref<16xi32, #tpu.memory_space<vmem>>, vector<16xi32>,
    %add3A_581 = arith.addi %add3A_490, %get3A_580 : vector<16xi32>
    %broadcast_in_dim3A_582 = arith.constant 16 : i32
    %broadcast_in_dim3A_583 = vector.broadcast %broadcast_in_dim3A_582 : i32 to vector<16xi32>
    %lt3A_584 = vector.broadcast %add3A : i32 to vector<16xi32>
    %lt3A_585 = arith.cmpi slt, %broadcast_in_dim3A_583, %lt3A_584 : vector<16xi32>
    %jit3A_586 = arith.constant 0 : i32
    %broadcast_in_dim3A_587 = vector.broadcast %jit3A_586 : i32 to vector<16xi32>
    %select_n3A_588 = arith.select %lt3A_585, %get3A_580, %broadcast_in_dim3A_587 : vector<16xi1>, vector<16xi32>
    %add3A_589 = arith.addi %add3A_498, %select_n3A_588 : vector<16xi32>
    %get3A_590 = arith.constant 0 : index
    %get3A_591 = tpu.vector_load %arg10[%get3A_590] {strides = array<i32>} : memref<16xi32, #tpu.memory_space<vmem>>, vector<16xi32>,
    %add3A_592 = arith.addi %add3A_581, %get3A_591 : vector<16xi32>
    %broadcast_in_dim3A_593 = arith.constant 17 : i32
    %broadcast_in_dim3A_594 = vector.broadcast %broadcast_in_dim3A_593 : i32 to vector<16xi32>
    %lt3A_595 = vector.broadcast %add3A : i32 to vector<16xi32>
    %lt3A_596 = arith.cmpi slt, %broadcast_in_dim3A_594, %lt3A_595 : vector<16xi32>
    %jit3A_597 = arith.constant 0 : i32
    %broadcast_in_dim3A_598 = vector.broadcast %jit3A_597 : i32 to vector<16xi32>
    %select_n3A_599 = arith.select %lt3A_596, %get3A_591, %broadcast_in_dim3A_598 : vector<16xi1>, vector<16xi32>
    %add3A_600 = arith.addi %add3A_589, %select_n3A_599 : vector<16xi32>
    %get3A_601 = arith.constant 0 : index
    %get3A_602 = tpu.vector_load %arg11[%get3A_601] {strides = array<i32>} : memref<16xi32, #tpu.memory_space<vmem>>, vector<16xi32>,
    %add3A_603 = arith.addi %add3A_592, %get3A_602 : vector<16xi32>
    %broadcast_in_dim3A_604 = arith.constant 18 : i32
    %broadcast_in_dim3A_605 = vector.broadcast %broadcast_in_dim3A_604 : i32 to vector<16xi32>
    %lt3A_606 = vector.broadcast %add3A : i32 to vector<16xi32>
    %lt3A_607 = arith.cmpi slt, %broadcast_in_dim3A_605, %lt3A_606 : vector<16xi32>
    %jit3A_608 = arith.constant 0 : i32
    %broadcast_in_dim3A_609 = vector.broadcast %jit3A_608 : i32 to vector<16xi32>
    %select_n3A_610 = arith.select %lt3A_607, %get3A_602, %broadcast_in_dim3A_609 : vector<16xi1>, vector<16xi32>
    %add3A_611 = arith.addi %add3A_600, %select_n3A_610 : vector<16xi32>
    %get3A_612 = arith.constant 0 : index
    %get3A_613 = tpu.vector_load %arg12[%get3A_612] {strides = array<i32>} : memref<16xi32, #tpu.memory_space<vmem>>, vector<16xi32>,
    %add3A_614 = arith.addi %add3A_603, %get3A_613 : vector<16xi32>
    %broadcast_in_dim3A_615 = arith.constant 19 : i32
    %broadcast_in_dim3A_616 = vector.broadcast %broadcast_in_dim3A_615 : i32 to vector<16xi32>
    %lt3A_617 = vector.broadcast %add3A : i32 to vector<16xi32>
    %lt3A_618 = arith.cmpi slt, %broadcast_in_dim3A_616, %lt3A_617 : vector<16xi32>
    %jit3A_619 = arith.constant 0 : i32
    %broadcast_in_dim3A_620 = vector.broadcast %jit3A_619 : i32 to vector<16xi32>
    %select_n3A_621 = arith.select %lt3A_618, %get3A_613, %broadcast_in_dim3A_620 : vector<16xi1>, vector<16xi32>
    %add3A_622 = arith.addi %add3A_611, %select_n3A_621 : vector<16xi32>
    %broadcast_in_dim3A_623 = arith.constant 0 : i32
    %broadcast_in_dim3A_624 = vector.broadcast %broadcast_in_dim3A_623 : i32 to vector<16xi32>
    %swap3A_625 = arith.constant 0 : index
    %swap3A_626 = tpu.vector_load %arg9[%swap3A_625] {strides = array<i32>} : memref<16xi32, #tpu.memory_space<vmem>>, vector<16xi32>,
    tpu.vector_store %arg9[%swap3A_625], %broadcast_in_dim3A_624 {strides = array<i32>} : memref<16xi32, #tpu.memory_space<vmem>>, vector<16xi32>,
    %get3A_627 = arith.constant 2560 : index
    %get3A_628 = tpu.vector_load %arg7[%get3A_627] {strides = array<i32>} : memref<4096xi32, #tpu.memory_space<vmem>>, vector<16xi32>,
    tpu.vector_store_idx %arg9[%get3A_628], %broadcast_in_dim3A_3 {add = true} : memref<16xi32, #tpu.memory_space<vmem>>[vector<16xi32>], vector<16xi32>,
    %get3A_629 = arith.constant 2576 : index
    %get3A_630 = tpu.vector_load %arg7[%get3A_629] {strides = array<i32>} : memref<4096xi32, #tpu.memory_space<vmem>>, vector<16xi32>,
    tpu.vector_store_idx %arg9[%get3A_630], %broadcast_in_dim3A_3 {add = true} : memref<16xi32, #tpu.memory_space<vmem>>[vector<16xi32>], vector<16xi32>,
    %get3A_631 = arith.constant 2592 : index
    %get3A_632 = tpu.vector_load %arg7[%get3A_631] {strides = array<i32>} : memref<4096xi32, #tpu.memory_space<vmem>>, vector<16xi32>,
    tpu.vector_store_idx %arg9[%get3A_632], %broadcast_in_dim3A_3 {add = true} : memref<16xi32, #tpu.memory_space<vmem>>[vector<16xi32>], vector<16xi32>,
    %get3A_633 = arith.constant 2608 : index
    %get3A_634 = tpu.vector_load %arg7[%get3A_633] {strides = array<i32>} : memref<4096xi32, #tpu.memory_space<vmem>>, vector<16xi32>,
    tpu.vector_store_idx %arg9[%get3A_634], %broadcast_in_dim3A_3 {add = true} : memref<16xi32, #tpu.memory_space<vmem>>[vector<16xi32>], vector<16xi32>,
    %get3A_635 = arith.constant 2624 : index
    %get3A_636 = tpu.vector_load %arg7[%get3A_635] {strides = array<i32>} : memref<4096xi32, #tpu.memory_space<vmem>>, vector<16xi32>,
    tpu.vector_store_idx %arg9[%get3A_636], %broadcast_in_dim3A_3 {add = true} : memref<16xi32, #tpu.memory_space<vmem>>[vector<16xi32>], vector<16xi32>,
    %get3A_637 = arith.constant 2640 : index
    %get3A_638 = tpu.vector_load %arg7[%get3A_637] {strides = array<i32>} : memref<4096xi32, #tpu.memory_space<vmem>>, vector<16xi32>,
    tpu.vector_store_idx %arg9[%get3A_638], %broadcast_in_dim3A_3 {add = true} : memref<16xi32, #tpu.memory_space<vmem>>[vector<16xi32>], vector<16xi32>,
    %get3A_639 = arith.constant 2656 : index
    %get3A_640 = tpu.vector_load %arg7[%get3A_639] {strides = array<i32>} : memref<4096xi32, #tpu.memory_space<vmem>>, vector<16xi32>,
    tpu.vector_store_idx %arg9[%get3A_640], %broadcast_in_dim3A_3 {add = true} : memref<16xi32, #tpu.memory_space<vmem>>[vector<16xi32>], vector<16xi32>,
    %get3A_641 = arith.constant 2672 : index
    %get3A_642 = tpu.vector_load %arg7[%get3A_641] {strides = array<i32>} : memref<4096xi32, #tpu.memory_space<vmem>>, vector<16xi32>,
    tpu.vector_store_idx %arg9[%get3A_642], %broadcast_in_dim3A_3 {add = true} : memref<16xi32, #tpu.memory_space<vmem>>[vector<16xi32>], vector<16xi32>,
    %broadcast_in_dim3A_643 = arith.constant 0 : i32
    %broadcast_in_dim3A_644 = vector.broadcast %broadcast_in_dim3A_643 : i32 to vector<16xi32>
    %swap3A_645 = arith.constant 0 : index
    %swap3A_646 = tpu.vector_load %arg10[%swap3A_645] {strides = array<i32>} : memref<16xi32, #tpu.memory_space<vmem>>, vector<16xi32>,
    tpu.vector_store %arg10[%swap3A_645], %broadcast_in_dim3A_644 {strides = array<i32>} : memref<16xi32, #tpu.memory_space<vmem>>, vector<16xi32>,
    %get3A_647 = arith.constant 2688 : index
    %get3A_648 = tpu.vector_load %arg7[%get3A_647] {strides = array<i32>} : memref<4096xi32, #tpu.memory_space<vmem>>, vector<16xi32>,
    tpu.vector_store_idx %arg10[%get3A_648], %broadcast_in_dim3A_3 {add = true} : memref<16xi32, #tpu.memory_space<vmem>>[vector<16xi32>], vector<16xi32>,
    %get3A_649 = arith.constant 2704 : index
    %get3A_650 = tpu.vector_load %arg7[%get3A_649] {strides = array<i32>} : memref<4096xi32, #tpu.memory_space<vmem>>, vector<16xi32>,
    tpu.vector_store_idx %arg10[%get3A_650], %broadcast_in_dim3A_3 {add = true} : memref<16xi32, #tpu.memory_space<vmem>>[vector<16xi32>], vector<16xi32>,
    %get3A_651 = arith.constant 2720 : index
    %get3A_652 = tpu.vector_load %arg7[%get3A_651] {strides = array<i32>} : memref<4096xi32, #tpu.memory_space<vmem>>, vector<16xi32>,
    tpu.vector_store_idx %arg10[%get3A_652], %broadcast_in_dim3A_3 {add = true} : memref<16xi32, #tpu.memory_space<vmem>>[vector<16xi32>], vector<16xi32>,
    %get3A_653 = arith.constant 2736 : index
    %get3A_654 = tpu.vector_load %arg7[%get3A_653] {strides = array<i32>} : memref<4096xi32, #tpu.memory_space<vmem>>, vector<16xi32>,
    tpu.vector_store_idx %arg10[%get3A_654], %broadcast_in_dim3A_3 {add = true} : memref<16xi32, #tpu.memory_space<vmem>>[vector<16xi32>], vector<16xi32>,
    %get3A_655 = arith.constant 2752 : index
    %get3A_656 = tpu.vector_load %arg7[%get3A_655] {strides = array<i32>} : memref<4096xi32, #tpu.memory_space<vmem>>, vector<16xi32>,
    tpu.vector_store_idx %arg10[%get3A_656], %broadcast_in_dim3A_3 {add = true} : memref<16xi32, #tpu.memory_space<vmem>>[vector<16xi32>], vector<16xi32>,
    %get3A_657 = arith.constant 2768 : index
    %get3A_658 = tpu.vector_load %arg7[%get3A_657] {strides = array<i32>} : memref<4096xi32, #tpu.memory_space<vmem>>, vector<16xi32>,
    tpu.vector_store_idx %arg10[%get3A_658], %broadcast_in_dim3A_3 {add = true} : memref<16xi32, #tpu.memory_space<vmem>>[vector<16xi32>], vector<16xi32>,
    %get3A_659 = arith.constant 2784 : index
    %get3A_660 = tpu.vector_load %arg7[%get3A_659] {strides = array<i32>} : memref<4096xi32, #tpu.memory_space<vmem>>, vector<16xi32>,
    tpu.vector_store_idx %arg10[%get3A_660], %broadcast_in_dim3A_3 {add = true} : memref<16xi32, #tpu.memory_space<vmem>>[vector<16xi32>], vector<16xi32>,
    %get3A_661 = arith.constant 2800 : index
    %get3A_662 = tpu.vector_load %arg7[%get3A_661] {strides = array<i32>} : memref<4096xi32, #tpu.memory_space<vmem>>, vector<16xi32>,
    tpu.vector_store_idx %arg10[%get3A_662], %broadcast_in_dim3A_3 {add = true} : memref<16xi32, #tpu.memory_space<vmem>>[vector<16xi32>], vector<16xi32>,
    %broadcast_in_dim3A_663 = arith.constant 0 : i32
    %broadcast_in_dim3A_664 = vector.broadcast %broadcast_in_dim3A_663 : i32 to vector<16xi32>
    %swap3A_665 = arith.constant 0 : index
    %swap3A_666 = tpu.vector_load %arg11[%swap3A_665] {strides = array<i32>} : memref<16xi32, #tpu.memory_space<vmem>>, vector<16xi32>,
    tpu.vector_store %arg11[%swap3A_665], %broadcast_in_dim3A_664 {strides = array<i32>} : memref<16xi32, #tpu.memory_space<vmem>>, vector<16xi32>,
    %get3A_667 = arith.constant 2816 : index
    %get3A_668 = tpu.vector_load %arg7[%get3A_667] {strides = array<i32>} : memref<4096xi32, #tpu.memory_space<vmem>>, vector<16xi32>,
    tpu.vector_store_idx %arg11[%get3A_668], %broadcast_in_dim3A_3 {add = true} : memref<16xi32, #tpu.memory_space<vmem>>[vector<16xi32>], vector<16xi32>,
    %get3A_669 = arith.constant 2832 : index
    %get3A_670 = tpu.vector_load %arg7[%get3A_669] {strides = array<i32>} : memref<4096xi32, #tpu.memory_space<vmem>>, vector<16xi32>,
    tpu.vector_store_idx %arg11[%get3A_670], %broadcast_in_dim3A_3 {add = true} : memref<16xi32, #tpu.memory_space<vmem>>[vector<16xi32>], vector<16xi32>,
    %get3A_671 = arith.constant 2848 : index
    %get3A_672 = tpu.vector_load %arg7[%get3A_671] {strides = array<i32>} : memref<4096xi32, #tpu.memory_space<vmem>>, vector<16xi32>,
    tpu.vector_store_idx %arg11[%get3A_672], %broadcast_in_dim3A_3 {add = true} : memref<16xi32, #tpu.memory_space<vmem>>[vector<16xi32>], vector<16xi32>,
    %get3A_673 = arith.constant 2864 : index
    %get3A_674 = tpu.vector_load %arg7[%get3A_673] {strides = array<i32>} : memref<4096xi32, #tpu.memory_space<vmem>>, vector<16xi32>,
    tpu.vector_store_idx %arg11[%get3A_674], %broadcast_in_dim3A_3 {add = true} : memref<16xi32, #tpu.memory_space<vmem>>[vector<16xi32>], vector<16xi32>,
    %get3A_675 = arith.constant 2880 : index
    %get3A_676 = tpu.vector_load %arg7[%get3A_675] {strides = array<i32>} : memref<4096xi32, #tpu.memory_space<vmem>>, vector<16xi32>,
    tpu.vector_store_idx %arg11[%get3A_676], %broadcast_in_dim3A_3 {add = true} : memref<16xi32, #tpu.memory_space<vmem>>[vector<16xi32>], vector<16xi32>,
    %get3A_677 = arith.constant 2896 : index
    %get3A_678 = tpu.vector_load %arg7[%get3A_677] {strides = array<i32>} : memref<4096xi32, #tpu.memory_space<vmem>>, vector<16xi32>,
    tpu.vector_store_idx %arg11[%get3A_678], %broadcast_in_dim3A_3 {add = true} : memref<16xi32, #tpu.memory_space<vmem>>[vector<16xi32>], vector<16xi32>,
    %get3A_679 = arith.constant 2912 : index
    %get3A_680 = tpu.vector_load %arg7[%get3A_679] {strides = array<i32>} : memref<4096xi32, #tpu.memory_space<vmem>>, vector<16xi32>,
    tpu.vector_store_idx %arg11[%get3A_680], %broadcast_in_dim3A_3 {add = true} : memref<16xi32, #tpu.memory_space<vmem>>[vector<16xi32>], vector<16xi32>,
    %get3A_681 = arith.constant 2928 : index
    %get3A_682 = tpu.vector_load %arg7[%get3A_681] {strides = array<i32>} : memref<4096xi32, #tpu.memory_space<vmem>>, vector<16xi32>,
    tpu.vector_store_idx %arg11[%get3A_682], %broadcast_in_dim3A_3 {add = true} : memref<16xi32, #tpu.memory_space<vmem>>[vector<16xi32>], vector<16xi32>,
    %broadcast_in_dim3A_683 = arith.constant 0 : i32
    %broadcast_in_dim3A_684 = vector.broadcast %broadcast_in_dim3A_683 : i32 to vector<16xi32>
    %swap3A_685 = arith.constant 0 : index
    %swap3A_686 = tpu.vector_load %arg12[%swap3A_685] {strides = array<i32>} : memref<16xi32, #tpu.memory_space<vmem>>, vector<16xi32>,
    tpu.vector_store %arg12[%swap3A_685], %broadcast_in_dim3A_684 {strides = array<i32>} : memref<16xi32, #tpu.memory_space<vmem>>, vector<16xi32>,
    %get3A_687 = arith.constant 2944 : index
    %get3A_688 = tpu.vector_load %arg7[%get3A_687] {strides = array<i32>} : memref<4096xi32, #tpu.memory_space<vmem>>, vector<16xi32>,
    tpu.vector_store_idx %arg12[%get3A_688], %broadcast_in_dim3A_3 {add = true} : memref<16xi32, #tpu.memory_space<vmem>>[vector<16xi32>], vector<16xi32>,
    %get3A_689 = arith.constant 2960 : index
    %get3A_690 = tpu.vector_load %arg7[%get3A_689] {strides = array<i32>} : memref<4096xi32, #tpu.memory_space<vmem>>, vector<16xi32>,
    tpu.vector_store_idx %arg12[%get3A_690], %broadcast_in_dim3A_3 {add = true} : memref<16xi32, #tpu.memory_space<vmem>>[vector<16xi32>], vector<16xi32>,
    %get3A_691 = arith.constant 2976 : index
    %get3A_692 = tpu.vector_load %arg7[%get3A_691] {strides = array<i32>} : memref<4096xi32, #tpu.memory_space<vmem>>, vector<16xi32>,
    tpu.vector_store_idx %arg12[%get3A_692], %broadcast_in_dim3A_3 {add = true} : memref<16xi32, #tpu.memory_space<vmem>>[vector<16xi32>], vector<16xi32>,
    %get3A_693 = arith.constant 2992 : index
    %get3A_694 = tpu.vector_load %arg7[%get3A_693] {strides = array<i32>} : memref<4096xi32, #tpu.memory_space<vmem>>, vector<16xi32>,
    tpu.vector_store_idx %arg12[%get3A_694], %broadcast_in_dim3A_3 {add = true} : memref<16xi32, #tpu.memory_space<vmem>>[vector<16xi32>], vector<16xi32>,
    %get3A_695 = arith.constant 3008 : index
    %get3A_696 = tpu.vector_load %arg7[%get3A_695] {strides = array<i32>} : memref<4096xi32, #tpu.memory_space<vmem>>, vector<16xi32>,
    tpu.vector_store_idx %arg12[%get3A_696], %broadcast_in_dim3A_3 {add = true} : memref<16xi32, #tpu.memory_space<vmem>>[vector<16xi32>], vector<16xi32>,
    %get3A_697 = arith.constant 3024 : index
    %get3A_698 = tpu.vector_load %arg7[%get3A_697] {strides = array<i32>} : memref<4096xi32, #tpu.memory_space<vmem>>, vector<16xi32>,
    tpu.vector_store_idx %arg12[%get3A_698], %broadcast_in_dim3A_3 {add = true} : memref<16xi32, #tpu.memory_space<vmem>>[vector<16xi32>], vector<16xi32>,
    %get3A_699 = arith.constant 3040 : index
    %get3A_700 = tpu.vector_load %arg7[%get3A_699] {strides = array<i32>} : memref<4096xi32, #tpu.memory_space<vmem>>, vector<16xi32>,
    tpu.vector_store_idx %arg12[%get3A_700], %broadcast_in_dim3A_3 {add = true} : memref<16xi32, #tpu.memory_space<vmem>>[vector<16xi32>], vector<16xi32>,
    %get3A_701 = arith.constant 3056 : index
    %get3A_702 = tpu.vector_load %arg7[%get3A_701] {strides = array<i32>} : memref<4096xi32, #tpu.memory_space<vmem>>, vector<16xi32>,
    tpu.vector_store_idx %arg12[%get3A_702], %broadcast_in_dim3A_3 {add = true} : memref<16xi32, #tpu.memory_space<vmem>>[vector<16xi32>], vector<16xi32>,
    %get3A_703 = arith.constant 0 : index
    %get3A_704 = tpu.vector_load %arg9[%get3A_703] {strides = array<i32>} : memref<16xi32, #tpu.memory_space<vmem>>, vector<16xi32>,
    %add3A_705 = arith.addi %add3A_614, %get3A_704 : vector<16xi32>
    %broadcast_in_dim3A_706 = arith.constant 20 : i32
    %broadcast_in_dim3A_707 = vector.broadcast %broadcast_in_dim3A_706 : i32 to vector<16xi32>
    %lt3A_708 = vector.broadcast %add3A : i32 to vector<16xi32>
    %lt3A_709 = arith.cmpi slt, %broadcast_in_dim3A_707, %lt3A_708 : vector<16xi32>
    %jit3A_710 = arith.constant 0 : i32
    %broadcast_in_dim3A_711 = vector.broadcast %jit3A_710 : i32 to vector<16xi32>
    %select_n3A_712 = arith.select %lt3A_709, %get3A_704, %broadcast_in_dim3A_711 : vector<16xi1>, vector<16xi32>
    %add3A_713 = arith.addi %add3A_622, %select_n3A_712 : vector<16xi32>
    %get3A_714 = arith.constant 0 : index
    %get3A_715 = tpu.vector_load %arg10[%get3A_714] {strides = array<i32>} : memref<16xi32, #tpu.memory_space<vmem>>, vector<16xi32>,
    %add3A_716 = arith.addi %add3A_705, %get3A_715 : vector<16xi32>
    %broadcast_in_dim3A_717 = arith.constant 21 : i32
    %broadcast_in_dim3A_718 = vector.broadcast %broadcast_in_dim3A_717 : i32 to vector<16xi32>
    %lt3A_719 = vector.broadcast %add3A : i32 to vector<16xi32>
    %lt3A_720 = arith.cmpi slt, %broadcast_in_dim3A_718, %lt3A_719 : vector<16xi32>
    %jit3A_721 = arith.constant 0 : i32
    %broadcast_in_dim3A_722 = vector.broadcast %jit3A_721 : i32 to vector<16xi32>
    %select_n3A_723 = arith.select %lt3A_720, %get3A_715, %broadcast_in_dim3A_722 : vector<16xi1>, vector<16xi32>
    %add3A_724 = arith.addi %add3A_713, %select_n3A_723 : vector<16xi32>
    %get3A_725 = arith.constant 0 : index
    %get3A_726 = tpu.vector_load %arg11[%get3A_725] {strides = array<i32>} : memref<16xi32, #tpu.memory_space<vmem>>, vector<16xi32>,
    %add3A_727 = arith.addi %add3A_716, %get3A_726 : vector<16xi32>
    %broadcast_in_dim3A_728 = arith.constant 22 : i32
    %broadcast_in_dim3A_729 = vector.broadcast %broadcast_in_dim3A_728 : i32 to vector<16xi32>
    %lt3A_730 = vector.broadcast %add3A : i32 to vector<16xi32>
    %lt3A_731 = arith.cmpi slt, %broadcast_in_dim3A_729, %lt3A_730 : vector<16xi32>
    %jit3A_732 = arith.constant 0 : i32
    %broadcast_in_dim3A_733 = vector.broadcast %jit3A_732 : i32 to vector<16xi32>
    %select_n3A_734 = arith.select %lt3A_731, %get3A_726, %broadcast_in_dim3A_733 : vector<16xi1>, vector<16xi32>
    %add3A_735 = arith.addi %add3A_724, %select_n3A_734 : vector<16xi32>
    %get3A_736 = arith.constant 0 : index
    %get3A_737 = tpu.vector_load %arg12[%get3A_736] {strides = array<i32>} : memref<16xi32, #tpu.memory_space<vmem>>, vector<16xi32>,
    %add3A_738 = arith.addi %add3A_727, %get3A_737 : vector<16xi32>
    %broadcast_in_dim3A_739 = arith.constant 23 : i32
    %broadcast_in_dim3A_740 = vector.broadcast %broadcast_in_dim3A_739 : i32 to vector<16xi32>
    %lt3A_741 = vector.broadcast %add3A : i32 to vector<16xi32>
    %lt3A_742 = arith.cmpi slt, %broadcast_in_dim3A_740, %lt3A_741 : vector<16xi32>
    %jit3A_743 = arith.constant 0 : i32
    %broadcast_in_dim3A_744 = vector.broadcast %jit3A_743 : i32 to vector<16xi32>
    %select_n3A_745 = arith.select %lt3A_742, %get3A_737, %broadcast_in_dim3A_744 : vector<16xi1>, vector<16xi32>
    %add3A_746 = arith.addi %add3A_735, %select_n3A_745 : vector<16xi32>
    %broadcast_in_dim3A_747 = arith.constant 0 : i32
    %broadcast_in_dim3A_748 = vector.broadcast %broadcast_in_dim3A_747 : i32 to vector<16xi32>
    %swap3A_749 = arith.constant 0 : index
    %swap3A_750 = tpu.vector_load %arg9[%swap3A_749] {strides = array<i32>} : memref<16xi32, #tpu.memory_space<vmem>>, vector<16xi32>,
    tpu.vector_store %arg9[%swap3A_749], %broadcast_in_dim3A_748 {strides = array<i32>} : memref<16xi32, #tpu.memory_space<vmem>>, vector<16xi32>,
    %get3A_751 = arith.constant 3072 : index
    %get3A_752 = tpu.vector_load %arg7[%get3A_751] {strides = array<i32>} : memref<4096xi32, #tpu.memory_space<vmem>>, vector<16xi32>,
    tpu.vector_store_idx %arg9[%get3A_752], %broadcast_in_dim3A_3 {add = true} : memref<16xi32, #tpu.memory_space<vmem>>[vector<16xi32>], vector<16xi32>,
    %get3A_753 = arith.constant 3088 : index
    %get3A_754 = tpu.vector_load %arg7[%get3A_753] {strides = array<i32>} : memref<4096xi32, #tpu.memory_space<vmem>>, vector<16xi32>,
    tpu.vector_store_idx %arg9[%get3A_754], %broadcast_in_dim3A_3 {add = true} : memref<16xi32, #tpu.memory_space<vmem>>[vector<16xi32>], vector<16xi32>,
    %get3A_755 = arith.constant 3104 : index
    %get3A_756 = tpu.vector_load %arg7[%get3A_755] {strides = array<i32>} : memref<4096xi32, #tpu.memory_space<vmem>>, vector<16xi32>,
    tpu.vector_store_idx %arg9[%get3A_756], %broadcast_in_dim3A_3 {add = true} : memref<16xi32, #tpu.memory_space<vmem>>[vector<16xi32>], vector<16xi32>,
    %get3A_757 = arith.constant 3120 : index
    %get3A_758 = tpu.vector_load %arg7[%get3A_757] {strides = array<i32>} : memref<4096xi32, #tpu.memory_space<vmem>>, vector<16xi32>,
    tpu.vector_store_idx %arg9[%get3A_758], %broadcast_in_dim3A_3 {add = true} : memref<16xi32, #tpu.memory_space<vmem>>[vector<16xi32>], vector<16xi32>,
    %get3A_759 = arith.constant 3136 : index
    %get3A_760 = tpu.vector_load %arg7[%get3A_759] {strides = array<i32>} : memref<4096xi32, #tpu.memory_space<vmem>>, vector<16xi32>,
    tpu.vector_store_idx %arg9[%get3A_760], %broadcast_in_dim3A_3 {add = true} : memref<16xi32, #tpu.memory_space<vmem>>[vector<16xi32>], vector<16xi32>,
    %get3A_761 = arith.constant 3152 : index
    %get3A_762 = tpu.vector_load %arg7[%get3A_761] {strides = array<i32>} : memref<4096xi32, #tpu.memory_space<vmem>>, vector<16xi32>,
    tpu.vector_store_idx %arg9[%get3A_762], %broadcast_in_dim3A_3 {add = true} : memref<16xi32, #tpu.memory_space<vmem>>[vector<16xi32>], vector<16xi32>,
    %get3A_763 = arith.constant 3168 : index
    %get3A_764 = tpu.vector_load %arg7[%get3A_763] {strides = array<i32>} : memref<4096xi32, #tpu.memory_space<vmem>>, vector<16xi32>,
    tpu.vector_store_idx %arg9[%get3A_764], %broadcast_in_dim3A_3 {add = true} : memref<16xi32, #tpu.memory_space<vmem>>[vector<16xi32>], vector<16xi32>,
    %get3A_765 = arith.constant 3184 : index
    %get3A_766 = tpu.vector_load %arg7[%get3A_765] {strides = array<i32>} : memref<4096xi32, #tpu.memory_space<vmem>>, vector<16xi32>,
    tpu.vector_store_idx %arg9[%get3A_766], %broadcast_in_dim3A_3 {add = true} : memref<16xi32, #tpu.memory_space<vmem>>[vector<16xi32>], vector<16xi32>,
    %broadcast_in_dim3A_767 = arith.constant 0 : i32
    %broadcast_in_dim3A_768 = vector.broadcast %broadcast_in_dim3A_767 : i32 to vector<16xi32>
    %swap3A_769 = arith.constant 0 : index
    %swap3A_770 = tpu.vector_load %arg10[%swap3A_769] {strides = array<i32>} : memref<16xi32, #tpu.memory_space<vmem>>, vector<16xi32>,
    tpu.vector_store %arg10[%swap3A_769], %broadcast_in_dim3A_768 {strides = array<i32>} : memref<16xi32, #tpu.memory_space<vmem>>, vector<16xi32>,
    %get3A_771 = arith.constant 3200 : index
    %get3A_772 = tpu.vector_load %arg7[%get3A_771] {strides = array<i32>} : memref<4096xi32, #tpu.memory_space<vmem>>, vector<16xi32>,
    tpu.vector_store_idx %arg10[%get3A_772], %broadcast_in_dim3A_3 {add = true} : memref<16xi32, #tpu.memory_space<vmem>>[vector<16xi32>], vector<16xi32>,
    %get3A_773 = arith.constant 3216 : index
    %get3A_774 = tpu.vector_load %arg7[%get3A_773] {strides = array<i32>} : memref<4096xi32, #tpu.memory_space<vmem>>, vector<16xi32>,
    tpu.vector_store_idx %arg10[%get3A_774], %broadcast_in_dim3A_3 {add = true} : memref<16xi32, #tpu.memory_space<vmem>>[vector<16xi32>], vector<16xi32>,
    %get3A_775 = arith.constant 3232 : index
    %get3A_776 = tpu.vector_load %arg7[%get3A_775] {strides = array<i32>} : memref<4096xi32, #tpu.memory_space<vmem>>, vector<16xi32>,
    tpu.vector_store_idx %arg10[%get3A_776], %broadcast_in_dim3A_3 {add = true} : memref<16xi32, #tpu.memory_space<vmem>>[vector<16xi32>], vector<16xi32>,
    %get3A_777 = arith.constant 3248 : index
    %get3A_778 = tpu.vector_load %arg7[%get3A_777] {strides = array<i32>} : memref<4096xi32, #tpu.memory_space<vmem>>, vector<16xi32>,
    tpu.vector_store_idx %arg10[%get3A_778], %broadcast_in_dim3A_3 {add = true} : memref<16xi32, #tpu.memory_space<vmem>>[vector<16xi32>], vector<16xi32>,
    %get3A_779 = arith.constant 3264 : index
    %get3A_780 = tpu.vector_load %arg7[%get3A_779] {strides = array<i32>} : memref<4096xi32, #tpu.memory_space<vmem>>, vector<16xi32>,
    tpu.vector_store_idx %arg10[%get3A_780], %broadcast_in_dim3A_3 {add = true} : memref<16xi32, #tpu.memory_space<vmem>>[vector<16xi32>], vector<16xi32>,
    %get3A_781 = arith.constant 3280 : index
    %get3A_782 = tpu.vector_load %arg7[%get3A_781] {strides = array<i32>} : memref<4096xi32, #tpu.memory_space<vmem>>, vector<16xi32>,
    tpu.vector_store_idx %arg10[%get3A_782], %broadcast_in_dim3A_3 {add = true} : memref<16xi32, #tpu.memory_space<vmem>>[vector<16xi32>], vector<16xi32>,
    %get3A_783 = arith.constant 3296 : index
    %get3A_784 = tpu.vector_load %arg7[%get3A_783] {strides = array<i32>} : memref<4096xi32, #tpu.memory_space<vmem>>, vector<16xi32>,
    tpu.vector_store_idx %arg10[%get3A_784], %broadcast_in_dim3A_3 {add = true} : memref<16xi32, #tpu.memory_space<vmem>>[vector<16xi32>], vector<16xi32>,
    %get3A_785 = arith.constant 3312 : index
    %get3A_786 = tpu.vector_load %arg7[%get3A_785] {strides = array<i32>} : memref<4096xi32, #tpu.memory_space<vmem>>, vector<16xi32>,
    tpu.vector_store_idx %arg10[%get3A_786], %broadcast_in_dim3A_3 {add = true} : memref<16xi32, #tpu.memory_space<vmem>>[vector<16xi32>], vector<16xi32>,
    %broadcast_in_dim3A_787 = arith.constant 0 : i32
    %broadcast_in_dim3A_788 = vector.broadcast %broadcast_in_dim3A_787 : i32 to vector<16xi32>
    %swap3A_789 = arith.constant 0 : index
    %swap3A_790 = tpu.vector_load %arg11[%swap3A_789] {strides = array<i32>} : memref<16xi32, #tpu.memory_space<vmem>>, vector<16xi32>,
    tpu.vector_store %arg11[%swap3A_789], %broadcast_in_dim3A_788 {strides = array<i32>} : memref<16xi32, #tpu.memory_space<vmem>>, vector<16xi32>,
    %get3A_791 = arith.constant 3328 : index
    %get3A_792 = tpu.vector_load %arg7[%get3A_791] {strides = array<i32>} : memref<4096xi32, #tpu.memory_space<vmem>>, vector<16xi32>,
    tpu.vector_store_idx %arg11[%get3A_792], %broadcast_in_dim3A_3 {add = true} : memref<16xi32, #tpu.memory_space<vmem>>[vector<16xi32>], vector<16xi32>,
    %get3A_793 = arith.constant 3344 : index
    %get3A_794 = tpu.vector_load %arg7[%get3A_793] {strides = array<i32>} : memref<4096xi32, #tpu.memory_space<vmem>>, vector<16xi32>,
    tpu.vector_store_idx %arg11[%get3A_794], %broadcast_in_dim3A_3 {add = true} : memref<16xi32, #tpu.memory_space<vmem>>[vector<16xi32>], vector<16xi32>,
    %get3A_795 = arith.constant 3360 : index
    %get3A_796 = tpu.vector_load %arg7[%get3A_795] {strides = array<i32>} : memref<4096xi32, #tpu.memory_space<vmem>>, vector<16xi32>,
    tpu.vector_store_idx %arg11[%get3A_796], %broadcast_in_dim3A_3 {add = true} : memref<16xi32, #tpu.memory_space<vmem>>[vector<16xi32>], vector<16xi32>,
    %get3A_797 = arith.constant 3376 : index
    %get3A_798 = tpu.vector_load %arg7[%get3A_797] {strides = array<i32>} : memref<4096xi32, #tpu.memory_space<vmem>>, vector<16xi32>,
    tpu.vector_store_idx %arg11[%get3A_798], %broadcast_in_dim3A_3 {add = true} : memref<16xi32, #tpu.memory_space<vmem>>[vector<16xi32>], vector<16xi32>,
    %get3A_799 = arith.constant 3392 : index
    %get3A_800 = tpu.vector_load %arg7[%get3A_799] {strides = array<i32>} : memref<4096xi32, #tpu.memory_space<vmem>>, vector<16xi32>,
    tpu.vector_store_idx %arg11[%get3A_800], %broadcast_in_dim3A_3 {add = true} : memref<16xi32, #tpu.memory_space<vmem>>[vector<16xi32>], vector<16xi32>,
    %get3A_801 = arith.constant 3408 : index
    %get3A_802 = tpu.vector_load %arg7[%get3A_801] {strides = array<i32>} : memref<4096xi32, #tpu.memory_space<vmem>>, vector<16xi32>,
    tpu.vector_store_idx %arg11[%get3A_802], %broadcast_in_dim3A_3 {add = true} : memref<16xi32, #tpu.memory_space<vmem>>[vector<16xi32>], vector<16xi32>,
    %get3A_803 = arith.constant 3424 : index
    %get3A_804 = tpu.vector_load %arg7[%get3A_803] {strides = array<i32>} : memref<4096xi32, #tpu.memory_space<vmem>>, vector<16xi32>,
    tpu.vector_store_idx %arg11[%get3A_804], %broadcast_in_dim3A_3 {add = true} : memref<16xi32, #tpu.memory_space<vmem>>[vector<16xi32>], vector<16xi32>,
    %get3A_805 = arith.constant 3440 : index
    %get3A_806 = tpu.vector_load %arg7[%get3A_805] {strides = array<i32>} : memref<4096xi32, #tpu.memory_space<vmem>>, vector<16xi32>,
    tpu.vector_store_idx %arg11[%get3A_806], %broadcast_in_dim3A_3 {add = true} : memref<16xi32, #tpu.memory_space<vmem>>[vector<16xi32>], vector<16xi32>,
    %broadcast_in_dim3A_807 = arith.constant 0 : i32
    %broadcast_in_dim3A_808 = vector.broadcast %broadcast_in_dim3A_807 : i32 to vector<16xi32>
    %swap3A_809 = arith.constant 0 : index
    %swap3A_810 = tpu.vector_load %arg12[%swap3A_809] {strides = array<i32>} : memref<16xi32, #tpu.memory_space<vmem>>, vector<16xi32>,
    tpu.vector_store %arg12[%swap3A_809], %broadcast_in_dim3A_808 {strides = array<i32>} : memref<16xi32, #tpu.memory_space<vmem>>, vector<16xi32>,
    %get3A_811 = arith.constant 3456 : index
    %get3A_812 = tpu.vector_load %arg7[%get3A_811] {strides = array<i32>} : memref<4096xi32, #tpu.memory_space<vmem>>, vector<16xi32>,
    tpu.vector_store_idx %arg12[%get3A_812], %broadcast_in_dim3A_3 {add = true} : memref<16xi32, #tpu.memory_space<vmem>>[vector<16xi32>], vector<16xi32>,
    %get3A_813 = arith.constant 3472 : index
    %get3A_814 = tpu.vector_load %arg7[%get3A_813] {strides = array<i32>} : memref<4096xi32, #tpu.memory_space<vmem>>, vector<16xi32>,
    tpu.vector_store_idx %arg12[%get3A_814], %broadcast_in_dim3A_3 {add = true} : memref<16xi32, #tpu.memory_space<vmem>>[vector<16xi32>], vector<16xi32>,
    %get3A_815 = arith.constant 3488 : index
    %get3A_816 = tpu.vector_load %arg7[%get3A_815] {strides = array<i32>} : memref<4096xi32, #tpu.memory_space<vmem>>, vector<16xi32>,
    tpu.vector_store_idx %arg12[%get3A_816], %broadcast_in_dim3A_3 {add = true} : memref<16xi32, #tpu.memory_space<vmem>>[vector<16xi32>], vector<16xi32>,
    %get3A_817 = arith.constant 3504 : index
    %get3A_818 = tpu.vector_load %arg7[%get3A_817] {strides = array<i32>} : memref<4096xi32, #tpu.memory_space<vmem>>, vector<16xi32>,
    tpu.vector_store_idx %arg12[%get3A_818], %broadcast_in_dim3A_3 {add = true} : memref<16xi32, #tpu.memory_space<vmem>>[vector<16xi32>], vector<16xi32>,
    %get3A_819 = arith.constant 3520 : index
    %get3A_820 = tpu.vector_load %arg7[%get3A_819] {strides = array<i32>} : memref<4096xi32, #tpu.memory_space<vmem>>, vector<16xi32>,
    tpu.vector_store_idx %arg12[%get3A_820], %broadcast_in_dim3A_3 {add = true} : memref<16xi32, #tpu.memory_space<vmem>>[vector<16xi32>], vector<16xi32>,
    %get3A_821 = arith.constant 3536 : index
    %get3A_822 = tpu.vector_load %arg7[%get3A_821] {strides = array<i32>} : memref<4096xi32, #tpu.memory_space<vmem>>, vector<16xi32>,
    tpu.vector_store_idx %arg12[%get3A_822], %broadcast_in_dim3A_3 {add = true} : memref<16xi32, #tpu.memory_space<vmem>>[vector<16xi32>], vector<16xi32>,
    %get3A_823 = arith.constant 3552 : index
    %get3A_824 = tpu.vector_load %arg7[%get3A_823] {strides = array<i32>} : memref<4096xi32, #tpu.memory_space<vmem>>, vector<16xi32>,
    tpu.vector_store_idx %arg12[%get3A_824], %broadcast_in_dim3A_3 {add = true} : memref<16xi32, #tpu.memory_space<vmem>>[vector<16xi32>], vector<16xi32>,
    %get3A_825 = arith.constant 3568 : index
    %get3A_826 = tpu.vector_load %arg7[%get3A_825] {strides = array<i32>} : memref<4096xi32, #tpu.memory_space<vmem>>, vector<16xi32>,
    tpu.vector_store_idx %arg12[%get3A_826], %broadcast_in_dim3A_3 {add = true} : memref<16xi32, #tpu.memory_space<vmem>>[vector<16xi32>], vector<16xi32>,
    %get3A_827 = arith.constant 0 : index
    %get3A_828 = tpu.vector_load %arg9[%get3A_827] {strides = array<i32>} : memref<16xi32, #tpu.memory_space<vmem>>, vector<16xi32>,
    %add3A_829 = arith.addi %add3A_738, %get3A_828 : vector<16xi32>
    %broadcast_in_dim3A_830 = arith.constant 24 : i32
    %broadcast_in_dim3A_831 = vector.broadcast %broadcast_in_dim3A_830 : i32 to vector<16xi32>
    %lt3A_832 = vector.broadcast %add3A : i32 to vector<16xi32>
    %lt3A_833 = arith.cmpi slt, %broadcast_in_dim3A_831, %lt3A_832 : vector<16xi32>
    %jit3A_834 = arith.constant 0 : i32
    %broadcast_in_dim3A_835 = vector.broadcast %jit3A_834 : i32 to vector<16xi32>
    %select_n3A_836 = arith.select %lt3A_833, %get3A_828, %broadcast_in_dim3A_835 : vector<16xi1>, vector<16xi32>
    %add3A_837 = arith.addi %add3A_746, %select_n3A_836 : vector<16xi32>
    %get3A_838 = arith.constant 0 : index
    %get3A_839 = tpu.vector_load %arg10[%get3A_838] {strides = array<i32>} : memref<16xi32, #tpu.memory_space<vmem>>, vector<16xi32>,
    %add3A_840 = arith.addi %add3A_829, %get3A_839 : vector<16xi32>
    %broadcast_in_dim3A_841 = arith.constant 25 : i32
    %broadcast_in_dim3A_842 = vector.broadcast %broadcast_in_dim3A_841 : i32 to vector<16xi32>
    %lt3A_843 = vector.broadcast %add3A : i32 to vector<16xi32>
    %lt3A_844 = arith.cmpi slt, %broadcast_in_dim3A_842, %lt3A_843 : vector<16xi32>
    %jit3A_845 = arith.constant 0 : i32
    %broadcast_in_dim3A_846 = vector.broadcast %jit3A_845 : i32 to vector<16xi32>
    %select_n3A_847 = arith.select %lt3A_844, %get3A_839, %broadcast_in_dim3A_846 : vector<16xi1>, vector<16xi32>
    %add3A_848 = arith.addi %add3A_837, %select_n3A_847 : vector<16xi32>
    %get3A_849 = arith.constant 0 : index
    %get3A_850 = tpu.vector_load %arg11[%get3A_849] {strides = array<i32>} : memref<16xi32, #tpu.memory_space<vmem>>, vector<16xi32>,
    %add3A_851 = arith.addi %add3A_840, %get3A_850 : vector<16xi32>
    %broadcast_in_dim3A_852 = arith.constant 26 : i32
    %broadcast_in_dim3A_853 = vector.broadcast %broadcast_in_dim3A_852 : i32 to vector<16xi32>
    %lt3A_854 = vector.broadcast %add3A : i32 to vector<16xi32>
    %lt3A_855 = arith.cmpi slt, %broadcast_in_dim3A_853, %lt3A_854 : vector<16xi32>
    %jit3A_856 = arith.constant 0 : i32
    %broadcast_in_dim3A_857 = vector.broadcast %jit3A_856 : i32 to vector<16xi32>
    %select_n3A_858 = arith.select %lt3A_855, %get3A_850, %broadcast_in_dim3A_857 : vector<16xi1>, vector<16xi32>
    %add3A_859 = arith.addi %add3A_848, %select_n3A_858 : vector<16xi32>
    %get3A_860 = arith.constant 0 : index
    %get3A_861 = tpu.vector_load %arg12[%get3A_860] {strides = array<i32>} : memref<16xi32, #tpu.memory_space<vmem>>, vector<16xi32>,
    %add3A_862 = arith.addi %add3A_851, %get3A_861 : vector<16xi32>
    %broadcast_in_dim3A_863 = arith.constant 27 : i32
    %broadcast_in_dim3A_864 = vector.broadcast %broadcast_in_dim3A_863 : i32 to vector<16xi32>
    %lt3A_865 = vector.broadcast %add3A : i32 to vector<16xi32>
    %lt3A_866 = arith.cmpi slt, %broadcast_in_dim3A_864, %lt3A_865 : vector<16xi32>
    %jit3A_867 = arith.constant 0 : i32
    %broadcast_in_dim3A_868 = vector.broadcast %jit3A_867 : i32 to vector<16xi32>
    %select_n3A_869 = arith.select %lt3A_866, %get3A_861, %broadcast_in_dim3A_868 : vector<16xi1>, vector<16xi32>
    %add3A_870 = arith.addi %add3A_859, %select_n3A_869 : vector<16xi32>
    %broadcast_in_dim3A_871 = arith.constant 0 : i32
    %broadcast_in_dim3A_872 = vector.broadcast %broadcast_in_dim3A_871 : i32 to vector<16xi32>
    %swap3A_873 = arith.constant 0 : index
    %swap3A_874 = tpu.vector_load %arg9[%swap3A_873] {strides = array<i32>} : memref<16xi32, #tpu.memory_space<vmem>>, vector<16xi32>,
    tpu.vector_store %arg9[%swap3A_873], %broadcast_in_dim3A_872 {strides = array<i32>} : memref<16xi32, #tpu.memory_space<vmem>>, vector<16xi32>,
    %get3A_875 = arith.constant 3584 : index
    %get3A_876 = tpu.vector_load %arg7[%get3A_875] {strides = array<i32>} : memref<4096xi32, #tpu.memory_space<vmem>>, vector<16xi32>,
    tpu.vector_store_idx %arg9[%get3A_876], %broadcast_in_dim3A_3 {add = true} : memref<16xi32, #tpu.memory_space<vmem>>[vector<16xi32>], vector<16xi32>,
    %get3A_877 = arith.constant 3600 : index
    %get3A_878 = tpu.vector_load %arg7[%get3A_877] {strides = array<i32>} : memref<4096xi32, #tpu.memory_space<vmem>>, vector<16xi32>,
    tpu.vector_store_idx %arg9[%get3A_878], %broadcast_in_dim3A_3 {add = true} : memref<16xi32, #tpu.memory_space<vmem>>[vector<16xi32>], vector<16xi32>,
    %get3A_879 = arith.constant 3616 : index
    %get3A_880 = tpu.vector_load %arg7[%get3A_879] {strides = array<i32>} : memref<4096xi32, #tpu.memory_space<vmem>>, vector<16xi32>,
    tpu.vector_store_idx %arg9[%get3A_880], %broadcast_in_dim3A_3 {add = true} : memref<16xi32, #tpu.memory_space<vmem>>[vector<16xi32>], vector<16xi32>,
    %get3A_881 = arith.constant 3632 : index
    %get3A_882 = tpu.vector_load %arg7[%get3A_881] {strides = array<i32>} : memref<4096xi32, #tpu.memory_space<vmem>>, vector<16xi32>,
    tpu.vector_store_idx %arg9[%get3A_882], %broadcast_in_dim3A_3 {add = true} : memref<16xi32, #tpu.memory_space<vmem>>[vector<16xi32>], vector<16xi32>,
    %get3A_883 = arith.constant 3648 : index
    %get3A_884 = tpu.vector_load %arg7[%get3A_883] {strides = array<i32>} : memref<4096xi32, #tpu.memory_space<vmem>>, vector<16xi32>,
    tpu.vector_store_idx %arg9[%get3A_884], %broadcast_in_dim3A_3 {add = true} : memref<16xi32, #tpu.memory_space<vmem>>[vector<16xi32>], vector<16xi32>,
    %get3A_885 = arith.constant 3664 : index
    %get3A_886 = tpu.vector_load %arg7[%get3A_885] {strides = array<i32>} : memref<4096xi32, #tpu.memory_space<vmem>>, vector<16xi32>,
    tpu.vector_store_idx %arg9[%get3A_886], %broadcast_in_dim3A_3 {add = true} : memref<16xi32, #tpu.memory_space<vmem>>[vector<16xi32>], vector<16xi32>,
    %get3A_887 = arith.constant 3680 : index
    %get3A_888 = tpu.vector_load %arg7[%get3A_887] {strides = array<i32>} : memref<4096xi32, #tpu.memory_space<vmem>>, vector<16xi32>,
    tpu.vector_store_idx %arg9[%get3A_888], %broadcast_in_dim3A_3 {add = true} : memref<16xi32, #tpu.memory_space<vmem>>[vector<16xi32>], vector<16xi32>,
    %get3A_889 = arith.constant 3696 : index
    %get3A_890 = tpu.vector_load %arg7[%get3A_889] {strides = array<i32>} : memref<4096xi32, #tpu.memory_space<vmem>>, vector<16xi32>,
    tpu.vector_store_idx %arg9[%get3A_890], %broadcast_in_dim3A_3 {add = true} : memref<16xi32, #tpu.memory_space<vmem>>[vector<16xi32>], vector<16xi32>,
    %broadcast_in_dim3A_891 = arith.constant 0 : i32
    %broadcast_in_dim3A_892 = vector.broadcast %broadcast_in_dim3A_891 : i32 to vector<16xi32>
    %swap3A_893 = arith.constant 0 : index
    %swap3A_894 = tpu.vector_load %arg10[%swap3A_893] {strides = array<i32>} : memref<16xi32, #tpu.memory_space<vmem>>, vector<16xi32>,
    tpu.vector_store %arg10[%swap3A_893], %broadcast_in_dim3A_892 {strides = array<i32>} : memref<16xi32, #tpu.memory_space<vmem>>, vector<16xi32>,
    %get3A_895 = arith.constant 3712 : index
    %get3A_896 = tpu.vector_load %arg7[%get3A_895] {strides = array<i32>} : memref<4096xi32, #tpu.memory_space<vmem>>, vector<16xi32>,
    tpu.vector_store_idx %arg10[%get3A_896], %broadcast_in_dim3A_3 {add = true} : memref<16xi32, #tpu.memory_space<vmem>>[vector<16xi32>], vector<16xi32>,
    %get3A_897 = arith.constant 3728 : index
    %get3A_898 = tpu.vector_load %arg7[%get3A_897] {strides = array<i32>} : memref<4096xi32, #tpu.memory_space<vmem>>, vector<16xi32>,
    tpu.vector_store_idx %arg10[%get3A_898], %broadcast_in_dim3A_3 {add = true} : memref<16xi32, #tpu.memory_space<vmem>>[vector<16xi32>], vector<16xi32>,
    %get3A_899 = arith.constant 3744 : index
    %get3A_900 = tpu.vector_load %arg7[%get3A_899] {strides = array<i32>} : memref<4096xi32, #tpu.memory_space<vmem>>, vector<16xi32>,
    tpu.vector_store_idx %arg10[%get3A_900], %broadcast_in_dim3A_3 {add = true} : memref<16xi32, #tpu.memory_space<vmem>>[vector<16xi32>], vector<16xi32>,
    %get3A_901 = arith.constant 3760 : index
    %get3A_902 = tpu.vector_load %arg7[%get3A_901] {strides = array<i32>} : memref<4096xi32, #tpu.memory_space<vmem>>, vector<16xi32>,
    tpu.vector_store_idx %arg10[%get3A_902], %broadcast_in_dim3A_3 {add = true} : memref<16xi32, #tpu.memory_space<vmem>>[vector<16xi32>], vector<16xi32>,
    %get3A_903 = arith.constant 3776 : index
    %get3A_904 = tpu.vector_load %arg7[%get3A_903] {strides = array<i32>} : memref<4096xi32, #tpu.memory_space<vmem>>, vector<16xi32>,
    tpu.vector_store_idx %arg10[%get3A_904], %broadcast_in_dim3A_3 {add = true} : memref<16xi32, #tpu.memory_space<vmem>>[vector<16xi32>], vector<16xi32>,
    %get3A_905 = arith.constant 3792 : index
    %get3A_906 = tpu.vector_load %arg7[%get3A_905] {strides = array<i32>} : memref<4096xi32, #tpu.memory_space<vmem>>, vector<16xi32>,
    tpu.vector_store_idx %arg10[%get3A_906], %broadcast_in_dim3A_3 {add = true} : memref<16xi32, #tpu.memory_space<vmem>>[vector<16xi32>], vector<16xi32>,
    %get3A_907 = arith.constant 3808 : index
    %get3A_908 = tpu.vector_load %arg7[%get3A_907] {strides = array<i32>} : memref<4096xi32, #tpu.memory_space<vmem>>, vector<16xi32>,
    tpu.vector_store_idx %arg10[%get3A_908], %broadcast_in_dim3A_3 {add = true} : memref<16xi32, #tpu.memory_space<vmem>>[vector<16xi32>], vector<16xi32>,
    %get3A_909 = arith.constant 3824 : index
    %get3A_910 = tpu.vector_load %arg7[%get3A_909] {strides = array<i32>} : memref<4096xi32, #tpu.memory_space<vmem>>, vector<16xi32>,
    tpu.vector_store_idx %arg10[%get3A_910], %broadcast_in_dim3A_3 {add = true} : memref<16xi32, #tpu.memory_space<vmem>>[vector<16xi32>], vector<16xi32>,
    %broadcast_in_dim3A_911 = arith.constant 0 : i32
    %broadcast_in_dim3A_912 = vector.broadcast %broadcast_in_dim3A_911 : i32 to vector<16xi32>
    %swap3A_913 = arith.constant 0 : index
    %swap3A_914 = tpu.vector_load %arg11[%swap3A_913] {strides = array<i32>} : memref<16xi32, #tpu.memory_space<vmem>>, vector<16xi32>,
    tpu.vector_store %arg11[%swap3A_913], %broadcast_in_dim3A_912 {strides = array<i32>} : memref<16xi32, #tpu.memory_space<vmem>>, vector<16xi32>,
    %get3A_915 = arith.constant 3840 : index
    %get3A_916 = tpu.vector_load %arg7[%get3A_915] {strides = array<i32>} : memref<4096xi32, #tpu.memory_space<vmem>>, vector<16xi32>,
    tpu.vector_store_idx %arg11[%get3A_916], %broadcast_in_dim3A_3 {add = true} : memref<16xi32, #tpu.memory_space<vmem>>[vector<16xi32>], vector<16xi32>,
    %get3A_917 = arith.constant 3856 : index
    %get3A_918 = tpu.vector_load %arg7[%get3A_917] {strides = array<i32>} : memref<4096xi32, #tpu.memory_space<vmem>>, vector<16xi32>,
    tpu.vector_store_idx %arg11[%get3A_918], %broadcast_in_dim3A_3 {add = true} : memref<16xi32, #tpu.memory_space<vmem>>[vector<16xi32>], vector<16xi32>,
    %get3A_919 = arith.constant 3872 : index
    %get3A_920 = tpu.vector_load %arg7[%get3A_919] {strides = array<i32>} : memref<4096xi32, #tpu.memory_space<vmem>>, vector<16xi32>,
    tpu.vector_store_idx %arg11[%get3A_920], %broadcast_in_dim3A_3 {add = true} : memref<16xi32, #tpu.memory_space<vmem>>[vector<16xi32>], vector<16xi32>,
    %get3A_921 = arith.constant 3888 : index
    %get3A_922 = tpu.vector_load %arg7[%get3A_921] {strides = array<i32>} : memref<4096xi32, #tpu.memory_space<vmem>>, vector<16xi32>,
    tpu.vector_store_idx %arg11[%get3A_922], %broadcast_in_dim3A_3 {add = true} : memref<16xi32, #tpu.memory_space<vmem>>[vector<16xi32>], vector<16xi32>,
    %get3A_923 = arith.constant 3904 : index
    %get3A_924 = tpu.vector_load %arg7[%get3A_923] {strides = array<i32>} : memref<4096xi32, #tpu.memory_space<vmem>>, vector<16xi32>,
    tpu.vector_store_idx %arg11[%get3A_924], %broadcast_in_dim3A_3 {add = true} : memref<16xi32, #tpu.memory_space<vmem>>[vector<16xi32>], vector<16xi32>,
    %get3A_925 = arith.constant 3920 : index
    %get3A_926 = tpu.vector_load %arg7[%get3A_925] {strides = array<i32>} : memref<4096xi32, #tpu.memory_space<vmem>>, vector<16xi32>,
    tpu.vector_store_idx %arg11[%get3A_926], %broadcast_in_dim3A_3 {add = true} : memref<16xi32, #tpu.memory_space<vmem>>[vector<16xi32>], vector<16xi32>,
    %get3A_927 = arith.constant 3936 : index
    %get3A_928 = tpu.vector_load %arg7[%get3A_927] {strides = array<i32>} : memref<4096xi32, #tpu.memory_space<vmem>>, vector<16xi32>,
    tpu.vector_store_idx %arg11[%get3A_928], %broadcast_in_dim3A_3 {add = true} : memref<16xi32, #tpu.memory_space<vmem>>[vector<16xi32>], vector<16xi32>,
    %get3A_929 = arith.constant 3952 : index
    %get3A_930 = tpu.vector_load %arg7[%get3A_929] {strides = array<i32>} : memref<4096xi32, #tpu.memory_space<vmem>>, vector<16xi32>,
    tpu.vector_store_idx %arg11[%get3A_930], %broadcast_in_dim3A_3 {add = true} : memref<16xi32, #tpu.memory_space<vmem>>[vector<16xi32>], vector<16xi32>,
    %broadcast_in_dim3A_931 = arith.constant 0 : i32
    %broadcast_in_dim3A_932 = vector.broadcast %broadcast_in_dim3A_931 : i32 to vector<16xi32>
    %swap3A_933 = arith.constant 0 : index
    %swap3A_934 = tpu.vector_load %arg12[%swap3A_933] {strides = array<i32>} : memref<16xi32, #tpu.memory_space<vmem>>, vector<16xi32>,
    tpu.vector_store %arg12[%swap3A_933], %broadcast_in_dim3A_932 {strides = array<i32>} : memref<16xi32, #tpu.memory_space<vmem>>, vector<16xi32>,
    %get3A_935 = arith.constant 3968 : index
    %get3A_936 = tpu.vector_load %arg7[%get3A_935] {strides = array<i32>} : memref<4096xi32, #tpu.memory_space<vmem>>, vector<16xi32>,
    tpu.vector_store_idx %arg12[%get3A_936], %broadcast_in_dim3A_3 {add = true} : memref<16xi32, #tpu.memory_space<vmem>>[vector<16xi32>], vector<16xi32>,
    %get3A_937 = arith.constant 3984 : index
    %get3A_938 = tpu.vector_load %arg7[%get3A_937] {strides = array<i32>} : memref<4096xi32, #tpu.memory_space<vmem>>, vector<16xi32>,
    tpu.vector_store_idx %arg12[%get3A_938], %broadcast_in_dim3A_3 {add = true} : memref<16xi32, #tpu.memory_space<vmem>>[vector<16xi32>], vector<16xi32>,
    %get3A_939 = arith.constant 4000 : index
    %get3A_940 = tpu.vector_load %arg7[%get3A_939] {strides = array<i32>} : memref<4096xi32, #tpu.memory_space<vmem>>, vector<16xi32>,
    tpu.vector_store_idx %arg12[%get3A_940], %broadcast_in_dim3A_3 {add = true} : memref<16xi32, #tpu.memory_space<vmem>>[vector<16xi32>], vector<16xi32>,
    %get3A_941 = arith.constant 4016 : index
    %get3A_942 = tpu.vector_load %arg7[%get3A_941] {strides = array<i32>} : memref<4096xi32, #tpu.memory_space<vmem>>, vector<16xi32>,
    tpu.vector_store_idx %arg12[%get3A_942], %broadcast_in_dim3A_3 {add = true} : memref<16xi32, #tpu.memory_space<vmem>>[vector<16xi32>], vector<16xi32>,
    %get3A_943 = arith.constant 4032 : index
    %get3A_944 = tpu.vector_load %arg7[%get3A_943] {strides = array<i32>} : memref<4096xi32, #tpu.memory_space<vmem>>, vector<16xi32>,
    tpu.vector_store_idx %arg12[%get3A_944], %broadcast_in_dim3A_3 {add = true} : memref<16xi32, #tpu.memory_space<vmem>>[vector<16xi32>], vector<16xi32>,
    %get3A_945 = arith.constant 4048 : index
    %get3A_946 = tpu.vector_load %arg7[%get3A_945] {strides = array<i32>} : memref<4096xi32, #tpu.memory_space<vmem>>, vector<16xi32>,
    tpu.vector_store_idx %arg12[%get3A_946], %broadcast_in_dim3A_3 {add = true} : memref<16xi32, #tpu.memory_space<vmem>>[vector<16xi32>], vector<16xi32>,
    %get3A_947 = arith.constant 4064 : index
    %get3A_948 = tpu.vector_load %arg7[%get3A_947] {strides = array<i32>} : memref<4096xi32, #tpu.memory_space<vmem>>, vector<16xi32>,
    tpu.vector_store_idx %arg12[%get3A_948], %broadcast_in_dim3A_3 {add = true} : memref<16xi32, #tpu.memory_space<vmem>>[vector<16xi32>], vector<16xi32>,
    %get3A_949 = arith.constant 4080 : index
    %get3A_950 = tpu.vector_load %arg7[%get3A_949] {strides = array<i32>} : memref<4096xi32, #tpu.memory_space<vmem>>, vector<16xi32>,
    tpu.vector_store_idx %arg12[%get3A_950], %broadcast_in_dim3A_3 {add = true} : memref<16xi32, #tpu.memory_space<vmem>>[vector<16xi32>], vector<16xi32>,
    %get3A_951 = arith.constant 0 : index
    %get3A_952 = tpu.vector_load %arg9[%get3A_951] {strides = array<i32>} : memref<16xi32, #tpu.memory_space<vmem>>, vector<16xi32>,
    %add3A_953 = arith.addi %add3A_862, %get3A_952 : vector<16xi32>
    %broadcast_in_dim3A_954 = arith.constant 28 : i32
    %broadcast_in_dim3A_955 = vector.broadcast %broadcast_in_dim3A_954 : i32 to vector<16xi32>
    %lt3A_956 = vector.broadcast %add3A : i32 to vector<16xi32>
    %lt3A_957 = arith.cmpi slt, %broadcast_in_dim3A_955, %lt3A_956 : vector<16xi32>
    %jit3A_958 = arith.constant 0 : i32
    %broadcast_in_dim3A_959 = vector.broadcast %jit3A_958 : i32 to vector<16xi32>
    %select_n3A_960 = arith.select %lt3A_957, %get3A_952, %broadcast_in_dim3A_959 : vector<16xi1>, vector<16xi32>
    %add3A_961 = arith.addi %add3A_870, %select_n3A_960 : vector<16xi32>
    %get3A_962 = arith.constant 0 : index
    %get3A_963 = tpu.vector_load %arg10[%get3A_962] {strides = array<i32>} : memref<16xi32, #tpu.memory_space<vmem>>, vector<16xi32>,
    %add3A_964 = arith.addi %add3A_953, %get3A_963 : vector<16xi32>
    %broadcast_in_dim3A_965 = arith.constant 29 : i32
    %broadcast_in_dim3A_966 = vector.broadcast %broadcast_in_dim3A_965 : i32 to vector<16xi32>
    %lt3A_967 = vector.broadcast %add3A : i32 to vector<16xi32>
    %lt3A_968 = arith.cmpi slt, %broadcast_in_dim3A_966, %lt3A_967 : vector<16xi32>
    %jit3A_969 = arith.constant 0 : i32
    %broadcast_in_dim3A_970 = vector.broadcast %jit3A_969 : i32 to vector<16xi32>
    %select_n3A_971 = arith.select %lt3A_968, %get3A_963, %broadcast_in_dim3A_970 : vector<16xi1>, vector<16xi32>
    %add3A_972 = arith.addi %add3A_961, %select_n3A_971 : vector<16xi32>
    %get3A_973 = arith.constant 0 : index
    %get3A_974 = tpu.vector_load %arg11[%get3A_973] {strides = array<i32>} : memref<16xi32, #tpu.memory_space<vmem>>, vector<16xi32>,
    %add3A_975 = arith.addi %add3A_964, %get3A_974 : vector<16xi32>
    %broadcast_in_dim3A_976 = arith.constant 30 : i32
    %broadcast_in_dim3A_977 = vector.broadcast %broadcast_in_dim3A_976 : i32 to vector<16xi32>
    %lt3A_978 = vector.broadcast %add3A : i32 to vector<16xi32>
    %lt3A_979 = arith.cmpi slt, %broadcast_in_dim3A_977, %lt3A_978 : vector<16xi32>
    %jit3A_980 = arith.constant 0 : i32
    %broadcast_in_dim3A_981 = vector.broadcast %jit3A_980 : i32 to vector<16xi32>
    %select_n3A_982 = arith.select %lt3A_979, %get3A_974, %broadcast_in_dim3A_981 : vector<16xi1>, vector<16xi32>
    %add3A_983 = arith.addi %add3A_972, %select_n3A_982 : vector<16xi32>
    %get3A_984 = arith.constant 0 : index
    %get3A_985 = tpu.vector_load %arg12[%get3A_984] {strides = array<i32>} : memref<16xi32, #tpu.memory_space<vmem>>, vector<16xi32>,
    %add3A_986 = arith.addi %add3A_975, %get3A_985 : vector<16xi32>
    %broadcast_in_dim3A_987 = arith.constant 31 : i32
    %broadcast_in_dim3A_988 = vector.broadcast %broadcast_in_dim3A_987 : i32 to vector<16xi32>
    %lt3A_989 = vector.broadcast %add3A : i32 to vector<16xi32>
    %lt3A_990 = arith.cmpi slt, %broadcast_in_dim3A_988, %lt3A_989 : vector<16xi32>
    %jit3A_991 = arith.constant 0 : i32
    %broadcast_in_dim3A_992 = vector.broadcast %jit3A_991 : i32 to vector<16xi32>
    %select_n3A_993 = arith.select %lt3A_990, %get3A_985, %broadcast_in_dim3A_992 : vector<16xi1>, vector<16xi32>
    %add3A_994 = arith.addi %add3A_983, %select_n3A_993 : vector<16xi32>
    %broadcast_in_dim3A_995 = arith.constant true
    %broadcast_in_dim3A_996 = vector.broadcast %broadcast_in_dim3A_995 : i1 to vector<16xi1>
    %masked_cumsum3A = tpu.scan <sum>, %add3A_986 masked %broadcast_in_dim3A_996 : vector<16xi32>, vector<16xi1> -> vector<16xi32>
    %sub3A = arith.subi %masked_cumsum3A, %add3A_986 : vector<16xi32>
    %swap3A_997 = arith.constant 0 : index
    %swap3A_998 = tpu.vector_load %arg13[%swap3A_997] {strides = array<i32>} : memref<16xi32, #tpu.memory_space<vmem>>, vector<16xi32>,
    tpu.vector_store %arg13[%swap3A_997], %sub3A {strides = array<i32>} : memref<16xi32, #tpu.memory_space<vmem>>, vector<16xi32>,
    %add3A_999 = arith.addi %sub3A, %add3A_994 : vector<16xi32>
    %swap3A_1000 = arith.constant 0 : index
    %swap3A_1001 = tpu.vector_load %arg8[%swap3A_1000] {strides = array<i32>} : memref<16xi32, #tpu.memory_space<vmem>>, vector<16xi32>,
    tpu.vector_store %arg8[%swap3A_1000], %add3A_999 {strides = array<i32>} : memref<16xi32, #tpu.memory_space<vmem>>, vector<16xi32>,
    %eq3A = arith.constant 0 : i32
    %eq3A_1002 = arith.cmpi eq, %add3A, %eq3A : i32
    %convert_element_type3A = arith.extui %eq3A_1002 : i1 to i32
    %cond3A = arith.constant 0 : i32
    %cond3A_1003 = arith.cmpi ne, %convert_element_type3A, %cond3A : i32
    scf.if %cond3A_1003 {
      "tpu.region"() ({
        %run_scoped3A_1139 = tpu.sem_alloc : memref<!tpu.dma_semaphore, #tpu.memory_space<semaphore_mem>>
        tpu.enqueue_dma source(%arg13 : memref<16xi32, #tpu.memory_space<vmem>>) target(%arg6 : memref<16xi32, #tpu.memory_space<hbm>>) target_semaphore(%run_scoped3A_1139 : memref<!tpu.dma_semaphore, #tpu.memory_space<semaphore_mem>>)
        tpu.wait_dma2 semaphore(%run_scoped3A_1139 : memref<!tpu.dma_semaphore, #tpu.memory_space<semaphore_mem>>) src(%arg13 : memref<16xi32, #tpu.memory_space<vmem>>) dst(%arg6 : memref<16xi32, #tpu.memory_space<hbm>>)
        tpu.yield
      }) : () -> ()
    } else {
    }
    %add3A_1004 = arith.constant 0 : i32
    %add3A_1005 = arith.addi %mul3A_2, %add3A_1004 : i32
    %get3A_1006 = arith.index_cast %add3A_1005 : i32 to index
    %get3A_1007 = tpu.vector_load %arg7[%get3A_1006] {strides = array<i32>} : memref<4096xi32, #tpu.memory_space<vmem>>, vector<16xi32>,
    %broadcast_in_dim3A_1008 = arith.constant true
    %broadcast_in_dim3A_1009 = vector.broadcast %broadcast_in_dim3A_1008 : i1 to vector<16xi1>
    %unique3A, %unique3A_1010 = tpu.scan_count mask(%broadcast_in_dim3A_1009 : vector<16xi1>) value(%get3A_1007 : vector<16xi32>) : vector<16xi1>, vector<16xi32>
    %gather3A = tpu.vector_load_idx %arg8[%get3A_1007] : memref<16xi32, #tpu.memory_space<vmem>>[vector<16xi32>], vector<16xi32>,
    %add3A_1011 = arith.addi %gather3A, %unique3A_1010 : vector<16xi32>
    %sub3A_1012 = arith.constant 1 : i32
    %sub3A_1013 = vector.broadcast %sub3A_1012 : i32 to vector<16xi32>
    %sub3A_1014 = arith.subi %add3A_1011, %sub3A_1013 : vector<16xi32>
    %swap3A_1015 = arith.constant 0 : i32
    %swap3A_1016 = arith.index_cast %swap3A_1015 : i32 to index
    %swap3A_1017 = arith.constant 0 : index
    %swap3A_1018 = tpu.vector_load %arg14[%swap3A_1016, %swap3A_1017] {strides = array<i32>} : memref<1x128xi32, #tpu.memory_space<vmem>>, vector<16xi32>,
    tpu.vector_store %arg14[%swap3A_1016, %swap3A_1017], %sub3A_1014 {strides = array<i32>} : memref<1x128xi32, #tpu.memory_space<vmem>>, vector<16xi32>,
    tpu.vector_store_idx %arg8[%get3A_1007], %broadcast_in_dim3A_3 {add = true} : memref<16xi32, #tpu.memory_space<vmem>>[vector<16xi32>], vector<16xi32>,
    %add3A_1019 = arith.constant 16 : i32
    %add3A_1020 = arith.addi %mul3A_2, %add3A_1019 : i32
    %get3A_1021 = arith.index_cast %add3A_1020 : i32 to index
    %get3A_1022 = tpu.vector_load %arg7[%get3A_1021] {strides = array<i32>} : memref<4096xi32, #tpu.memory_space<vmem>>, vector<16xi32>,
    %broadcast_in_dim3A_1023 = arith.constant true
    %broadcast_in_dim3A_1024 = vector.broadcast %broadcast_in_dim3A_1023 : i1 to vector<16xi1>
    %unique3A_1025, %unique3A_1026 = tpu.scan_count mask(%broadcast_in_dim3A_1024 : vector<16xi1>) value(%get3A_1022 : vector<16xi32>) : vector<16xi1>, vector<16xi32>
    %gather3A_1027 = tpu.vector_load_idx %arg8[%get3A_1022] : memref<16xi32, #tpu.memory_space<vmem>>[vector<16xi32>], vector<16xi32>,
    %add3A_1028 = arith.addi %gather3A_1027, %unique3A_1026 : vector<16xi32>
    %sub3A_1029 = arith.constant 1 : i32
    %sub3A_1030 = vector.broadcast %sub3A_1029 : i32 to vector<16xi32>
    %sub3A_1031 = arith.subi %add3A_1028, %sub3A_1030 : vector<16xi32>
    %swap3A_1032 = arith.constant 0 : i32
    %swap3A_1033 = arith.index_cast %swap3A_1032 : i32 to index
    %swap3A_1034 = arith.constant 16 : index
    %swap3A_1035 = tpu.vector_load %arg14[%swap3A_1033, %swap3A_1034] {strides = array<i32>} : memref<1x128xi32, #tpu.memory_space<vmem>>, vector<16xi32>,
    tpu.vector_store %arg14[%swap3A_1033, %swap3A_1034], %sub3A_1031 {strides = array<i32>} : memref<1x128xi32, #tpu.memory_space<vmem>>, vector<16xi32>,
    tpu.vector_store_idx %arg8[%get3A_1022], %broadcast_in_dim3A_3 {add = true} : memref<16xi32, #tpu.memory_space<vmem>>[vector<16xi32>], vector<16xi32>,
    %add3A_1036 = arith.constant 32 : i32
    %add3A_1037 = arith.addi %mul3A_2, %add3A_1036 : i32
    %get3A_1038 = arith.index_cast %add3A_1037 : i32 to index
    %get3A_1039 = tpu.vector_load %arg7[%get3A_1038] {strides = array<i32>} : memref<4096xi32, #tpu.memory_space<vmem>>, vector<16xi32>,
    %broadcast_in_dim3A_1040 = arith.constant true
    %broadcast_in_dim3A_1041 = vector.broadcast %broadcast_in_dim3A_1040 : i1 to vector<16xi1>
    %unique3A_1042, %unique3A_1043 = tpu.scan_count mask(%broadcast_in_dim3A_1041 : vector<16xi1>) value(%get3A_1039 : vector<16xi32>) : vector<16xi1>, vector<16xi32>
    %gather3A_1044 = tpu.vector_load_idx %arg8[%get3A_1039] : memref<16xi32, #tpu.memory_space<vmem>>[vector<16xi32>], vector<16xi32>,
    %add3A_1045 = arith.addi %gather3A_1044, %unique3A_1043 : vector<16xi32>
    %sub3A_1046 = arith.constant 1 : i32
    %sub3A_1047 = vector.broadcast %sub3A_1046 : i32 to vector<16xi32>
    %sub3A_1048 = arith.subi %add3A_1045, %sub3A_1047 : vector<16xi32>
    %swap3A_1049 = arith.constant 0 : i32
    %swap3A_1050 = arith.index_cast %swap3A_1049 : i32 to index
    %swap3A_1051 = arith.constant 32 : index
    %swap3A_1052 = tpu.vector_load %arg14[%swap3A_1050, %swap3A_1051] {strides = array<i32>} : memref<1x128xi32, #tpu.memory_space<vmem>>, vector<16xi32>,
    tpu.vector_store %arg14[%swap3A_1050, %swap3A_1051], %sub3A_1048 {strides = array<i32>} : memref<1x128xi32, #tpu.memory_space<vmem>>, vector<16xi32>,
    tpu.vector_store_idx %arg8[%get3A_1039], %broadcast_in_dim3A_3 {add = true} : memref<16xi32, #tpu.memory_space<vmem>>[vector<16xi32>], vector<16xi32>,
    %add3A_1053 = arith.constant 48 : i32
    %add3A_1054 = arith.addi %mul3A_2, %add3A_1053 : i32
    %get3A_1055 = arith.index_cast %add3A_1054 : i32 to index
    %get3A_1056 = tpu.vector_load %arg7[%get3A_1055] {strides = array<i32>} : memref<4096xi32, #tpu.memory_space<vmem>>, vector<16xi32>,
    %broadcast_in_dim3A_1057 = arith.constant true
    %broadcast_in_dim3A_1058 = vector.broadcast %broadcast_in_dim3A_1057 : i1 to vector<16xi1>
    %unique3A_1059, %unique3A_1060 = tpu.scan_count mask(%broadcast_in_dim3A_1058 : vector<16xi1>) value(%get3A_1056 : vector<16xi32>) : vector<16xi1>, vector<16xi32>
    %gather3A_1061 = tpu.vector_load_idx %arg8[%get3A_1056] : memref<16xi32, #tpu.memory_space<vmem>>[vector<16xi32>], vector<16xi32>,
    %add3A_1062 = arith.addi %gather3A_1061, %unique3A_1060 : vector<16xi32>
    %sub3A_1063 = arith.constant 1 : i32
    %sub3A_1064 = vector.broadcast %sub3A_1063 : i32 to vector<16xi32>
    %sub3A_1065 = arith.subi %add3A_1062, %sub3A_1064 : vector<16xi32>
    %swap3A_1066 = arith.constant 0 : i32
    %swap3A_1067 = arith.index_cast %swap3A_1066 : i32 to index
    %swap3A_1068 = arith.constant 48 : index
    %swap3A_1069 = tpu.vector_load %arg14[%swap3A_1067, %swap3A_1068] {strides = array<i32>} : memref<1x128xi32, #tpu.memory_space<vmem>>, vector<16xi32>,
    tpu.vector_store %arg14[%swap3A_1067, %swap3A_1068], %sub3A_1065 {strides = array<i32>} : memref<1x128xi32, #tpu.memory_space<vmem>>, vector<16xi32>,
    tpu.vector_store_idx %arg8[%get3A_1056], %broadcast_in_dim3A_3 {add = true} : memref<16xi32, #tpu.memory_space<vmem>>[vector<16xi32>], vector<16xi32>,
    %add3A_1070 = arith.constant 64 : i32
    %add3A_1071 = arith.addi %mul3A_2, %add3A_1070 : i32
    %get3A_1072 = arith.index_cast %add3A_1071 : i32 to index
    %get3A_1073 = tpu.vector_load %arg7[%get3A_1072] {strides = array<i32>} : memref<4096xi32, #tpu.memory_space<vmem>>, vector<16xi32>,
    %broadcast_in_dim3A_1074 = arith.constant true
    %broadcast_in_dim3A_1075 = vector.broadcast %broadcast_in_dim3A_1074 : i1 to vector<16xi1>
    %unique3A_1076, %unique3A_1077 = tpu.scan_count mask(%broadcast_in_dim3A_1075 : vector<16xi1>) value(%get3A_1073 : vector<16xi32>) : vector<16xi1>, vector<16xi32>
    %gather3A_1078 = tpu.vector_load_idx %arg8[%get3A_1073] : memref<16xi32, #tpu.memory_space<vmem>>[vector<16xi32>], vector<16xi32>,
    %add3A_1079 = arith.addi %gather3A_1078, %unique3A_1077 : vector<16xi32>
    %sub3A_1080 = arith.constant 1 : i32
    %sub3A_1081 = vector.broadcast %sub3A_1080 : i32 to vector<16xi32>
    %sub3A_1082 = arith.subi %add3A_1079, %sub3A_1081 : vector<16xi32>
    %swap3A_1083 = arith.constant 0 : i32
    %swap3A_1084 = arith.index_cast %swap3A_1083 : i32 to index
    %swap3A_1085 = arith.constant 64 : index
    %swap3A_1086 = tpu.vector_load %arg14[%swap3A_1084, %swap3A_1085] {strides = array<i32>} : memref<1x128xi32, #tpu.memory_space<vmem>>, vector<16xi32>,
    tpu.vector_store %arg14[%swap3A_1084, %swap3A_1085], %sub3A_1082 {strides = array<i32>} : memref<1x128xi32, #tpu.memory_space<vmem>>, vector<16xi32>,
    tpu.vector_store_idx %arg8[%get3A_1073], %broadcast_in_dim3A_3 {add = true} : memref<16xi32, #tpu.memory_space<vmem>>[vector<16xi32>], vector<16xi32>,
    %add3A_1087 = arith.constant 80 : i32
    %add3A_1088 = arith.addi %mul3A_2, %add3A_1087 : i32
    %get3A_1089 = arith.index_cast %add3A_1088 : i32 to index
    %get3A_1090 = tpu.vector_load %arg7[%get3A_1089] {strides = array<i32>} : memref<4096xi32, #tpu.memory_space<vmem>>, vector<16xi32>,
    %broadcast_in_dim3A_1091 = arith.constant true
    %broadcast_in_dim3A_1092 = vector.broadcast %broadcast_in_dim3A_1091 : i1 to vector<16xi1>
    %unique3A_1093, %unique3A_1094 = tpu.scan_count mask(%broadcast_in_dim3A_1092 : vector<16xi1>) value(%get3A_1090 : vector<16xi32>) : vector<16xi1>, vector<16xi32>
    %gather3A_1095 = tpu.vector_load_idx %arg8[%get3A_1090] : memref<16xi32, #tpu.memory_space<vmem>>[vector<16xi32>], vector<16xi32>,
    %add3A_1096 = arith.addi %gather3A_1095, %unique3A_1094 : vector<16xi32>
    %sub3A_1097 = arith.constant 1 : i32
    %sub3A_1098 = vector.broadcast %sub3A_1097 : i32 to vector<16xi32>
    %sub3A_1099 = arith.subi %add3A_1096, %sub3A_1098 : vector<16xi32>
    %swap3A_1100 = arith.constant 0 : i32
    %swap3A_1101 = arith.index_cast %swap3A_1100 : i32 to index
    %swap3A_1102 = arith.constant 80 : index
    %swap3A_1103 = tpu.vector_load %arg14[%swap3A_1101, %swap3A_1102] {strides = array<i32>} : memref<1x128xi32, #tpu.memory_space<vmem>>, vector<16xi32>,
    tpu.vector_store %arg14[%swap3A_1101, %swap3A_1102], %sub3A_1099 {strides = array<i32>} : memref<1x128xi32, #tpu.memory_space<vmem>>, vector<16xi32>,
    tpu.vector_store_idx %arg8[%get3A_1090], %broadcast_in_dim3A_3 {add = true} : memref<16xi32, #tpu.memory_space<vmem>>[vector<16xi32>], vector<16xi32>,
    %add3A_1104 = arith.constant 96 : i32
    %add3A_1105 = arith.addi %mul3A_2, %add3A_1104 : i32
    %get3A_1106 = arith.index_cast %add3A_1105 : i32 to index
    %get3A_1107 = tpu.vector_load %arg7[%get3A_1106] {strides = array<i32>} : memref<4096xi32, #tpu.memory_space<vmem>>, vector<16xi32>,
    %broadcast_in_dim3A_1108 = arith.constant true
    %broadcast_in_dim3A_1109 = vector.broadcast %broadcast_in_dim3A_1108 : i1 to vector<16xi1>
    %unique3A_1110, %unique3A_1111 = tpu.scan_count mask(%broadcast_in_dim3A_1109 : vector<16xi1>) value(%get3A_1107 : vector<16xi32>) : vector<16xi1>, vector<16xi32>
    %gather3A_1112 = tpu.vector_load_idx %arg8[%get3A_1107] : memref<16xi32, #tpu.memory_space<vmem>>[vector<16xi32>], vector<16xi32>,
    %add3A_1113 = arith.addi %gather3A_1112, %unique3A_1111 : vector<16xi32>
    %sub3A_1114 = arith.constant 1 : i32
    %sub3A_1115 = vector.broadcast %sub3A_1114 : i32 to vector<16xi32>
    %sub3A_1116 = arith.subi %add3A_1113, %sub3A_1115 : vector<16xi32>
    %swap3A_1117 = arith.constant 0 : i32
    %swap3A_1118 = arith.index_cast %swap3A_1117 : i32 to index
    %swap3A_1119 = arith.constant 96 : index
    %swap3A_1120 = tpu.vector_load %arg14[%swap3A_1118, %swap3A_1119] {strides = array<i32>} : memref<1x128xi32, #tpu.memory_space<vmem>>, vector<16xi32>,
    tpu.vector_store %arg14[%swap3A_1118, %swap3A_1119], %sub3A_1116 {strides = array<i32>} : memref<1x128xi32, #tpu.memory_space<vmem>>, vector<16xi32>,
    tpu.vector_store_idx %arg8[%get3A_1107], %broadcast_in_dim3A_3 {add = true} : memref<16xi32, #tpu.memory_space<vmem>>[vector<16xi32>], vector<16xi32>,
    %add3A_1121 = arith.constant 112 : i32
    %add3A_1122 = arith.addi %mul3A_2, %add3A_1121 : i32
    %get3A_1123 = arith.index_cast %add3A_1122 : i32 to index
    %get3A_1124 = tpu.vector_load %arg7[%get3A_1123] {strides = array<i32>} : memref<4096xi32, #tpu.memory_space<vmem>>, vector<16xi32>,
    %broadcast_in_dim3A_1125 = arith.constant true
    %broadcast_in_dim3A_1126 = vector.broadcast %broadcast_in_dim3A_1125 : i1 to vector<16xi1>
    %unique3A_1127, %unique3A_1128 = tpu.scan_count mask(%broadcast_in_dim3A_1126 : vector<16xi1>) value(%get3A_1124 : vector<16xi32>) : vector<16xi1>, vector<16xi32>
    %gather3A_1129 = tpu.vector_load_idx %arg8[%get3A_1124] : memref<16xi32, #tpu.memory_space<vmem>>[vector<16xi32>], vector<16xi32>,
    %add3A_1130 = arith.addi %gather3A_1129, %unique3A_1128 : vector<16xi32>
    %sub3A_1131 = arith.constant 1 : i32
    %sub3A_1132 = vector.broadcast %sub3A_1131 : i32 to vector<16xi32>
    %sub3A_1133 = arith.subi %add3A_1130, %sub3A_1132 : vector<16xi32>
    %swap3A_1134 = arith.constant 0 : i32
    %swap3A_1135 = arith.index_cast %swap3A_1134 : i32 to index
    %swap3A_1136 = arith.constant 112 : index
    %swap3A_1137 = tpu.vector_load %arg14[%swap3A_1135, %swap3A_1136] {strides = array<i32>} : memref<1x128xi32, #tpu.memory_space<vmem>>, vector<16xi32>,
    tpu.vector_store %arg14[%swap3A_1135, %swap3A_1136], %sub3A_1133 {strides = array<i32>} : memref<1x128xi32, #tpu.memory_space<vmem>>, vector<16xi32>,
    tpu.vector_store_idx %arg8[%get3A_1124], %broadcast_in_dim3A_3 {add = true} : memref<16xi32, #tpu.memory_space<vmem>>[vector<16xi32>], vector<16xi32>,
    "tpu.region"() ({
      %run_scoped3A_1139 = tpu.sem_alloc : memref<!tpu.dma_semaphore, #tpu.memory_space<semaphore_mem>>
      %dma_start3A = arith.constant 0 : i32
      %dma_start3A_1140 = tpu.memref_slice %arg3[%mul3A_2, %dma_start3A] : memref<4096x128xf32, #tpu.memory_space<hbm>> -> memref<128x128xf32, #tpu.memory_space<hbm>>
      %dma_start3A_1141 = arith.constant 0 : i32
      %dma_start3A_1142 = tpu.memref_slice %arg3[%mul3A_2, %dma_start3A_1141] : memref<4096x128xf32, #tpu.memory_space<hbm>> -> memref<128x128xf32, #tpu.memory_space<hbm>>
      tpu.enqueue_dma source(%dma_start3A_1142 : memref<128x128xf32, #tpu.memory_space<hbm>>) target(%arg15 : memref<128x128xf32, #tpu.memory_space<vmem>>) target_semaphore(%run_scoped3A_1139 : memref<!tpu.dma_semaphore, #tpu.memory_space<semaphore_mem>>)
      %dma_wait3A = arith.constant 0 : i32
      %dma_wait3A_1143 = tpu.memref_slice %arg3[%mul3A_2, %dma_wait3A] : memref<4096x128xf32, #tpu.memory_space<hbm>> -> memref<128x128xf32, #tpu.memory_space<hbm>>
      %dma_wait3A_1144 = arith.constant 0 : i32
      %dma_wait3A_1145 = tpu.memref_slice %arg3[%mul3A_2, %dma_wait3A_1144] : memref<4096x128xf32, #tpu.memory_space<hbm>> -> memref<128x128xf32, #tpu.memory_space<hbm>>
      tpu.wait_dma2 semaphore(%run_scoped3A_1139 : memref<!tpu.dma_semaphore, #tpu.memory_space<semaphore_mem>>) src(%dma_wait3A_1145 : memref<128x128xf32, #tpu.memory_space<hbm>>) dst(%arg15 : memref<128x128xf32, #tpu.memory_space<vmem>>)
      tpu.yield
    }) : () -> ()
    %run_scoped3A = arith.constant 0 : i32
    "tpu.region"() ({
      %run_scoped3A_1139 = tpu.sem_alloc : memref<!tpu.dma_semaphore, #tpu.memory_space<semaphore_mem>>
      %dma_start3A = arith.constant 0 : i32
      %dma_start3A_1140 = tpu.memref_slice %arg14[%run_scoped3A, %dma_start3A] : memref<1x128xi32, #tpu.memory_space<vmem>> -> memref<1x128xi32, #tpu.memory_space<vmem>>
      %dma_start3A_1141 = tpu.memref_squeeze %dma_start3A_1140 : memref<1x128xi32, #tpu.memory_space<vmem>> -> memref<128xi32, #tpu.memory_space<vmem>>
      %dma_start3A_1142 = arith.constant 0 : i32
      %dma_start3A_1143 = arith.constant 0 : i32
      %dma_start3A_1144 = tpu.memref_slice %arg4[%dma_start3A_1142, %dma_start3A_1143] : memref<4096x128xf32, #tpu.memory_space<hbm>> -> memref<4096x128xf32, #tpu.memory_space<hbm>>
      tpu.enqueue_indirect_dma source(%arg15 : memref<128x128xf32, #tpu.memory_space<vmem>>) target(%dma_start3A_1144 : memref<4096x128xf32, #tpu.memory_space<hbm>>) offsets(%dma_start3A_1141 : memref<128xi32, #tpu.memory_space<vmem>>) semaphore(%run_scoped3A_1139 : memref<!tpu.dma_semaphore, #tpu.memory_space<semaphore_mem>>)
      %dma_wait3A = arith.constant 0 : i32
      %dma_wait3A_1145 = tpu.memref_slice %arg14[%run_scoped3A, %dma_wait3A] : memref<1x128xi32, #tpu.memory_space<vmem>> -> memref<1x128xi32, #tpu.memory_space<vmem>>
      %dma_wait3A_1146 = tpu.memref_squeeze %dma_wait3A_1145 : memref<1x128xi32, #tpu.memory_space<vmem>> -> memref<128xi32, #tpu.memory_space<vmem>>
      %dma_wait3A_1147 = arith.constant 0 : i32
      %dma_wait3A_1148 = arith.constant 0 : i32
      %dma_wait3A_1149 = tpu.memref_slice %arg4[%dma_wait3A_1147, %dma_wait3A_1148] : memref<4096x128xf32, #tpu.memory_space<hbm>> -> memref<4096x128xf32, #tpu.memory_space<hbm>>
      tpu.wait_indirect_dma semaphore(%run_scoped3A_1139 : memref<!tpu.dma_semaphore, #tpu.memory_space<semaphore_mem>>) src(%arg15 : memref<128x128xf32, #tpu.memory_space<vmem>>) dst(%dma_wait3A_1149 : memref<4096x128xf32, #tpu.memory_space<hbm>>)
      tpu.yield
    }) : () -> ()
    %run_scoped3A_1138 = arith.constant 0 : i32
    "tpu.region"() ({
      %run_scoped3A_1139 = tpu.sem_alloc : memref<!tpu.dma_semaphore, #tpu.memory_space<semaphore_mem>>
      %dma_start3A = arith.constant 0 : i32
      %dma_start3A_1140 = tpu.memref_slice %arg14[%run_scoped3A_1138, %dma_start3A] : memref<1x128xi32, #tpu.memory_space<vmem>> -> memref<1x128xi32, #tpu.memory_space<vmem>>
      %dma_start3A_1141 = tpu.memref_squeeze %dma_start3A_1140 : memref<1x128xi32, #tpu.memory_space<vmem>> -> memref<128xi32, #tpu.memory_space<vmem>>
      %dma_start3A_1142 = tpu.memref_slice %arg5[%mul3A_2] : memref<4096xi32, #tpu.memory_space<hbm>> -> memref<128xi32, #tpu.memory_space<hbm>>
      %dma_start3A_1143 = tpu.memref_slice %arg5[%mul3A_2] : memref<4096xi32, #tpu.memory_space<hbm>> -> memref<128xi32, #tpu.memory_space<hbm>>
      %dma_start3A_1144 = arith.constant 0 : i32
      %dma_start3A_1145 = tpu.memref_slice %arg14[%run_scoped3A_1138, %dma_start3A_1144] : memref<1x128xi32, #tpu.memory_space<vmem>> -> memref<1x128xi32, #tpu.memory_space<vmem>>
      %dma_start3A_1146 = tpu.memref_squeeze %dma_start3A_1145 : memref<1x128xi32, #tpu.memory_space<vmem>> -> memref<128xi32, #tpu.memory_space<vmem>>
      tpu.enqueue_dma source(%dma_start3A_1146 : memref<128xi32, #tpu.memory_space<vmem>>) target(%dma_start3A_1143 : memref<128xi32, #tpu.memory_space<hbm>>) target_semaphore(%run_scoped3A_1139 : memref<!tpu.dma_semaphore, #tpu.memory_space<semaphore_mem>>)
      %dma_wait3A = arith.constant 0 : i32
      %dma_wait3A_1147 = tpu.memref_slice %arg14[%run_scoped3A_1138, %dma_wait3A] : memref<1x128xi32, #tpu.memory_space<vmem>> -> memref<1x128xi32, #tpu.memory_space<vmem>>
      %dma_wait3A_1148 = tpu.memref_squeeze %dma_wait3A_1147 : memref<1x128xi32, #tpu.memory_space<vmem>> -> memref<128xi32, #tpu.memory_space<vmem>>
      %dma_wait3A_1149 = tpu.memref_slice %arg5[%mul3A_2] : memref<4096xi32, #tpu.memory_space<hbm>> -> memref<128xi32, #tpu.memory_space<hbm>>
      %dma_wait3A_1150 = tpu.memref_slice %arg5[%mul3A_2] : memref<4096xi32, #tpu.memory_space<hbm>> -> memref<128xi32, #tpu.memory_space<hbm>>
      %dma_wait3A_1151 = arith.constant 0 : i32
      %dma_wait3A_1152 = tpu.memref_slice %arg14[%run_scoped3A_1138, %dma_wait3A_1151] : memref<1x128xi32, #tpu.memory_space<vmem>> -> memref<1x128xi32, #tpu.memory_space<vmem>>
      %dma_wait3A_1153 = tpu.memref_squeeze %dma_wait3A_1152 : memref<1x128xi32, #tpu.memory_space<vmem>> -> memref<128xi32, #tpu.memory_space<vmem>>
      tpu.wait_dma2 semaphore(%run_scoped3A_1139 : memref<!tpu.dma_semaphore, #tpu.memory_space<semaphore_mem>>) src(%dma_wait3A_1153 : memref<128xi32, #tpu.memory_space<vmem>>) dst(%dma_wait3A_1150 : memref<128xi32, #tpu.memory_space<hbm>>)
      tpu.yield
    }) : () -> ()
    return
  }
}

#map = affine_map<(d0, d1) -> (0, 0)>
#map1 = affine_map<(d0, d1) -> (0)>
module attributes {stable_mosaic.version = 14 : i64} {
  func.func @_scat_body(%arg0: i32, %arg1: i32, %arg2: memref<4096x128xf32, #tpu.memory_space<hbm>>, %arg3: memref<4096x128xf32, #tpu.memory_space<hbm>>, %arg4: memref<4096xi32, #tpu.memory_space<hbm>>, %arg5: memref<4096x128xf32, #tpu.memory_space<hbm>>, %arg6: memref<4096x128xf32, #tpu.memory_space<hbm>>, %arg7: memref<128xi32, #tpu.memory_space<vmem>>, %arg8: memref<128x128xf32, #tpu.memory_space<vmem>>, %arg9: memref<128x128xf32, #tpu.memory_space<vmem>>, %arg10: memref<!tpu.dma_semaphore, #tpu.memory_space<semaphore_mem>>) attributes {dimension_semantics = [#tpu.dimension_semantics<core_parallel>, #tpu.dimension_semantics<subcore_parallel>], iteration_bounds = array<i64: 2, 16>, scalar_prefetch = 0 : i64, scratch_operands = 4 : i64, tpu.core_type = #tpu.core_type<sc_vector_subcore>, window_params = [{transform_indices = #map}, {transform_indices = #map}, {transform_indices = #map1}, {transform_indices = #map}, {transform_indices = #map}]} {
    %mul3A = arith.constant 2 : i32
    %mul3A_0 = arith.muli %arg1, %mul3A : i32
    %add3A = arith.addi %mul3A_0, %arg0 : i32
    %mul3A_1 = arith.constant 128 : i32
    %mul3A_2 = arith.muli %add3A, %mul3A_1 : i32
    "tpu.region"() ({
      %run_scoped3A = tpu.sem_alloc : memref<!tpu.dma_semaphore, #tpu.memory_space<semaphore_mem>>
      %dma_start3A = tpu.memref_slice %arg4[%mul3A_2] : memref<4096xi32, #tpu.memory_space<hbm>> -> memref<128xi32, #tpu.memory_space<hbm>>
      %dma_start3A_3 = tpu.memref_slice %arg4[%mul3A_2] : memref<4096xi32, #tpu.memory_space<hbm>> -> memref<128xi32, #tpu.memory_space<hbm>>
      tpu.enqueue_dma source(%dma_start3A_3 : memref<128xi32, #tpu.memory_space<hbm>>) target(%arg7 : memref<128xi32, #tpu.memory_space<vmem>>) target_semaphore(%run_scoped3A : memref<!tpu.dma_semaphore, #tpu.memory_space<semaphore_mem>>)
      %dma_wait3A = tpu.memref_slice %arg4[%mul3A_2] : memref<4096xi32, #tpu.memory_space<hbm>> -> memref<128xi32, #tpu.memory_space<hbm>>
      %dma_wait3A_4 = tpu.memref_slice %arg4[%mul3A_2] : memref<4096xi32, #tpu.memory_space<hbm>> -> memref<128xi32, #tpu.memory_space<hbm>>
      tpu.wait_dma2 semaphore(%run_scoped3A : memref<!tpu.dma_semaphore, #tpu.memory_space<semaphore_mem>>) src(%dma_wait3A_4 : memref<128xi32, #tpu.memory_space<hbm>>) dst(%arg7 : memref<128xi32, #tpu.memory_space<vmem>>)
      tpu.yield
    }) : () -> ()
    "tpu.region"() ({
      %run_scoped3A = tpu.sem_alloc : memref<!tpu.dma_semaphore, #tpu.memory_space<semaphore_mem>>
      %dma_start3A = arith.constant 0 : i32
      %dma_start3A_3 = arith.constant 0 : i32
      %dma_start3A_4 = tpu.memref_slice %arg2[%dma_start3A, %dma_start3A_3] : memref<4096x128xf32, #tpu.memory_space<hbm>> -> memref<4096x128xf32, #tpu.memory_space<hbm>>
      tpu.enqueue_indirect_dma source(%dma_start3A_4 : memref<4096x128xf32, #tpu.memory_space<hbm>>) target(%arg8 : memref<128x128xf32, #tpu.memory_space<vmem>>) offsets(%arg7 : memref<128xi32, #tpu.memory_space<vmem>>) semaphore(%run_scoped3A : memref<!tpu.dma_semaphore, #tpu.memory_space<semaphore_mem>>)
      %dma_wait3A = arith.constant 0 : i32
      %dma_wait3A_5 = arith.constant 0 : i32
      %dma_wait3A_6 = tpu.memref_slice %arg2[%dma_wait3A, %dma_wait3A_5] : memref<4096x128xf32, #tpu.memory_space<hbm>> -> memref<4096x128xf32, #tpu.memory_space<hbm>>
      tpu.wait_indirect_dma semaphore(%run_scoped3A : memref<!tpu.dma_semaphore, #tpu.memory_space<semaphore_mem>>) src(%dma_wait3A_6 : memref<4096x128xf32, #tpu.memory_space<hbm>>) dst(%arg8 : memref<128x128xf32, #tpu.memory_space<vmem>>)
      tpu.yield
    }) : () -> ()
    "tpu.region"() ({
      %run_scoped3A = tpu.sem_alloc : memref<!tpu.dma_semaphore, #tpu.memory_space<semaphore_mem>>
      %dma_start3A = arith.constant 0 : i32
      %dma_start3A_3 = arith.constant 0 : i32
      %dma_start3A_4 = tpu.memref_slice %arg3[%dma_start3A, %dma_start3A_3] : memref<4096x128xf32, #tpu.memory_space<hbm>> -> memref<4096x128xf32, #tpu.memory_space<hbm>>
      tpu.enqueue_indirect_dma source(%dma_start3A_4 : memref<4096x128xf32, #tpu.memory_space<hbm>>) target(%arg9 : memref<128x128xf32, #tpu.memory_space<vmem>>) offsets(%arg7 : memref<128xi32, #tpu.memory_space<vmem>>) semaphore(%run_scoped3A : memref<!tpu.dma_semaphore, #tpu.memory_space<semaphore_mem>>)
      %dma_wait3A = arith.constant 0 : i32
      %dma_wait3A_5 = arith.constant 0 : i32
      %dma_wait3A_6 = tpu.memref_slice %arg3[%dma_wait3A, %dma_wait3A_5] : memref<4096x128xf32, #tpu.memory_space<hbm>> -> memref<4096x128xf32, #tpu.memory_space<hbm>>
      tpu.wait_indirect_dma semaphore(%run_scoped3A : memref<!tpu.dma_semaphore, #tpu.memory_space<semaphore_mem>>) src(%dma_wait3A_6 : memref<4096x128xf32, #tpu.memory_space<hbm>>) dst(%arg9 : memref<128x128xf32, #tpu.memory_space<vmem>>)
      tpu.yield
    }) : () -> ()
    "tpu.region"() ({
      %run_scoped3A = tpu.sem_alloc : memref<!tpu.dma_semaphore, #tpu.memory_space<semaphore_mem>>
      %dma_start3A = arith.constant 0 : i32
      %dma_start3A_3 = tpu.memref_slice %arg5[%mul3A_2, %dma_start3A] : memref<4096x128xf32, #tpu.memory_space<hbm>> -> memref<128x128xf32, #tpu.memory_space<hbm>>
      %dma_start3A_4 = arith.constant 0 : i32
      %dma_start3A_5 = tpu.memref_slice %arg5[%mul3A_2, %dma_start3A_4] : memref<4096x128xf32, #tpu.memory_space<hbm>> -> memref<128x128xf32, #tpu.memory_space<hbm>>
      tpu.enqueue_dma source(%arg8 : memref<128x128xf32, #tpu.memory_space<vmem>>) target(%dma_start3A_5 : memref<128x128xf32, #tpu.memory_space<hbm>>) target_semaphore(%run_scoped3A : memref<!tpu.dma_semaphore, #tpu.memory_space<semaphore_mem>>)
      %dma_wait3A = arith.constant 0 : i32
      %dma_wait3A_6 = tpu.memref_slice %arg5[%mul3A_2, %dma_wait3A] : memref<4096x128xf32, #tpu.memory_space<hbm>> -> memref<128x128xf32, #tpu.memory_space<hbm>>
      %dma_wait3A_7 = arith.constant 0 : i32
      %dma_wait3A_8 = tpu.memref_slice %arg5[%mul3A_2, %dma_wait3A_7] : memref<4096x128xf32, #tpu.memory_space<hbm>> -> memref<128x128xf32, #tpu.memory_space<hbm>>
      tpu.wait_dma2 semaphore(%run_scoped3A : memref<!tpu.dma_semaphore, #tpu.memory_space<semaphore_mem>>) src(%arg8 : memref<128x128xf32, #tpu.memory_space<vmem>>) dst(%dma_wait3A_8 : memref<128x128xf32, #tpu.memory_space<hbm>>)
      tpu.yield
    }) : () -> ()
    "tpu.region"() ({
      %run_scoped3A = tpu.sem_alloc : memref<!tpu.dma_semaphore, #tpu.memory_space<semaphore_mem>>
      %dma_start3A = arith.constant 0 : i32
      %dma_start3A_3 = tpu.memref_slice %arg6[%mul3A_2, %dma_start3A] : memref<4096x128xf32, #tpu.memory_space<hbm>> -> memref<128x128xf32, #tpu.memory_space<hbm>>
      %dma_start3A_4 = arith.constant 0 : i32
      %dma_start3A_5 = tpu.memref_slice %arg6[%mul3A_2, %dma_start3A_4] : memref<4096x128xf32, #tpu.memory_space<hbm>> -> memref<128x128xf32, #tpu.memory_space<hbm>>
      tpu.enqueue_dma source(%arg9 : memref<128x128xf32, #tpu.memory_space<vmem>>) target(%dma_start3A_5 : memref<128x128xf32, #tpu.memory_space<hbm>>) target_semaphore(%run_scoped3A : memref<!tpu.dma_semaphore, #tpu.memory_space<semaphore_mem>>)
      %dma_wait3A = arith.constant 0 : i32
      %dma_wait3A_6 = tpu.memref_slice %arg6[%mul3A_2, %dma_wait3A] : memref<4096x128xf32, #tpu.memory_space<hbm>> -> memref<128x128xf32, #tpu.memory_space<hbm>>
      %dma_wait3A_7 = arith.constant 0 : i32
      %dma_wait3A_8 = tpu.memref_slice %arg6[%mul3A_2, %dma_wait3A_7] : memref<4096x128xf32, #tpu.memory_space<hbm>> -> memref<128x128xf32, #tpu.memory_space<hbm>>
      tpu.wait_dma2 semaphore(%run_scoped3A : memref<!tpu.dma_semaphore, #tpu.memory_space<semaphore_mem>>) src(%arg9 : memref<128x128xf32, #tpu.memory_space<vmem>>) dst(%dma_wait3A_8 : memref<128x128xf32, #tpu.memory_space<hbm>>)
      tpu.yield
    }) : () -> ()
    return
  }
}

module attributes {stable_mosaic.version = 14 : i64} {
  func.func @_tc_body(%arg0: i32, %arg1: memref<16xi32, #tpu.memory_space<smem>>, %arg2: memref<256x128xf32, #tpu.memory_space<vmem>>, %arg3: memref<16x128x128xbf16, #tpu.memory_space<vmem>>, %arg4: memref<16x1x128xf32, #tpu.memory_space<vmem>>, %arg5: memref<16x128x128xbf16, #tpu.memory_space<vmem>>, %arg6: memref<16x1x128xf32, #tpu.memory_space<vmem>>, %arg7: memref<16x128x128xbf16, #tpu.memory_space<vmem>>, %arg8: memref<16x1x128xf32, #tpu.memory_space<vmem>>, %arg9: memref<16x128x128xbf16, #tpu.memory_space<vmem>>, %arg10: memref<16x1x128xf32, #tpu.memory_space<vmem>>, %arg11: memref<256x128xf32, #tpu.memory_space<vmem>>, %arg12: memref<256x128xf32, #tpu.memory_space<vmem>>) attributes {dimension_semantics = [#tpu.dimension_semantics<arbitrary>], iteration_bounds = array<i64: 16>, scalar_prefetch = 0 : i64, scratch_operands = 0 : i64, tpu.core_type = #tpu.core_type<tc>, window_params = [{transform_indices = @transform_0, window_bounds = array<i64: 16>}, {transform_indices = @transform_1, window_bounds = array<i64: 256, 128>}, {pipeline_mode = #tpu.pipeline_mode<synchronous>, transform_indices = @transform_2, window_bounds = array<i64: 16, 128, 128>}, {pipeline_mode = #tpu.pipeline_mode<synchronous>, transform_indices = @transform_3, window_bounds = array<i64: 16, 1, 128>}, {pipeline_mode = #tpu.pipeline_mode<synchronous>, transform_indices = @transform_4, window_bounds = array<i64: 16, 128, 128>}, {pipeline_mode = #tpu.pipeline_mode<synchronous>, transform_indices = @transform_5, window_bounds = array<i64: 16, 1, 128>}, {pipeline_mode = #tpu.pipeline_mode<synchronous>, transform_indices = @transform_6, window_bounds = array<i64: 16, 128, 128>}, {pipeline_mode = #tpu.pipeline_mode<synchronous>, transform_indices = @transform_7, window_bounds = array<i64: 16, 1, 128>}, {pipeline_mode = #tpu.pipeline_mode<synchronous>, transform_indices = @transform_8, window_bounds = array<i64: 16, 128, 128>}, {pipeline_mode = #tpu.pipeline_mode<synchronous>, transform_indices = @transform_9, window_bounds = array<i64: 16, 1, 128>}, {transform_indices = @transform_10, window_bounds = array<i64: 256, 128>}, {transform_indices = @transform_11, window_bounds = array<i64: 256, 128>}]} {
    %mul3A = arith.constant 256 : i32
    %mul3A_0 = arith.muli %arg0, %mul3A : i32
    %get3A = arith.constant 0 : index
    %get3A_1 = arith.constant 0 : index
    %get3A_2 = vector.load %arg2[%get3A, %get3A_1] : memref<256x128xf32, #tpu.memory_space<vmem>>, vector<256x128xf32>
    %convert_element_type3A = arith.truncf %get3A_2 : vector<256x128xf32> to vector<256x128xbf16>
    %broadcast_in_dim3A = arith.constant 0.000000e+00 : f32
    %broadcast_in_dim3A_3 = vector.broadcast %broadcast_in_dim3A : f32 to vector<256x128xf32>
    %swap3A = arith.constant 0 : index
    %swap3A_4 = arith.constant 0 : index
    %swap3A_5 = vector.load %arg11[%swap3A, %swap3A_4] : memref<256x128xf32, #tpu.memory_space<vmem>>, vector<256x128xf32>
    tpu.vector_store %arg11[%swap3A, %swap3A_4], %broadcast_in_dim3A_3 {strides = array<i32>} : memref<256x128xf32, #tpu.memory_space<vmem>>, vector<256x128xf32>,
    %broadcast_in_dim3A_6 = arith.constant 0.000000e+00 : f32
    %broadcast_in_dim3A_7 = vector.broadcast %broadcast_in_dim3A_6 : f32 to vector<256x128xf32>
    %swap3A_8 = arith.constant 0 : index
    %swap3A_9 = arith.constant 0 : index
    %swap3A_10 = vector.load %arg12[%swap3A_8, %swap3A_9] : memref<256x128xf32, #tpu.memory_space<vmem>>, vector<256x128xf32>
    tpu.vector_store %arg12[%swap3A_8, %swap3A_9], %broadcast_in_dim3A_7 {strides = array<i32>} : memref<256x128xf32, #tpu.memory_space<vmem>>, vector<256x128xf32>,
    %iota3A = tpu.iota {dimensions = array<i32: 0>} : vector<256x1xi32>
    %add3A = vector.broadcast %mul3A_0 : i32 to vector<256x1xi32>
    %add3A_11 = arith.addi %add3A, %iota3A : vector<256x1xi32>
    %scan3A = arith.constant 0 : i32
    %scan3A_12 = arith.constant 16 : i32
    %scan3A_13 = arith.addi %scan3A, %scan3A_12 : i32
    %scan3A_14 = arith.constant 1 : i32
    scf.for %scan3A_16 = %scan3A to %scan3A_13 step %scan3A_14  : i32 {
      %get3A_17 = arith.index_cast %scan3A_16 : i32 to index
      %get3A_18 = memref.load %arg1[%get3A_17] : memref<16xi32, #tpu.memory_space<smem>>
      %add3A_19 = arith.constant 1 : i32
      %add3A_20 = arith.addi %scan3A_16, %add3A_19 : i32
      %min3A = arith.constant 15 : i32
      %min3A_21 = arith.minsi %add3A_20, %min3A : i32
      %get3A_22 = arith.index_cast %min3A_21 : i32 to index
      %get3A_23 = memref.load %arg1[%get3A_22] : memref<16xi32, #tpu.memory_space<smem>>
      %eq3A = arith.constant 15 : i32
      %eq3A_24 = arith.cmpi eq, %scan3A_16, %eq3A : i32
      %jit3A = arith.constant 4096 : i32
      %select_n3A = arith.select %eq3A_24, %jit3A, %get3A_23 : i32
      %add3A_25 = arith.constant 256 : i32
      %add3A_26 = arith.addi %mul3A_0, %add3A_25 : i32
      %lt3A = arith.cmpi slt, %get3A_18, %add3A_26 : i32
      %gt3A = arith.cmpi sgt, %select_n3A, %mul3A_0 : i32
      %and3A = arith.andi %lt3A, %gt3A : i1
      %convert_element_type3A_27 = arith.extui %and3A : i1 to i32
      %cond3A = arith.constant 0 : i32
      %cond3A_28 = arith.cmpi ne, %convert_element_type3A_27, %cond3A : i32
      scf.if %cond3A_28 {
        %ge3A = vector.broadcast %get3A_18 : i32 to vector<256x1xi32>
        %ge3A_29 = arith.cmpi sge, %add3A_11, %ge3A : vector<256x1xi32>
        %lt3A_30 = vector.broadcast %select_n3A : i32 to vector<256x1xi32>
        %lt3A_31 = arith.cmpi slt, %add3A_11, %lt3A_30 : vector<256x1xi32>
        %and3A_32 = arith.andi %ge3A_29, %lt3A_31 : vector<256x1xi1>
        %get3A_33 = arith.index_cast %scan3A_16 : i32 to index
        %get3A_34 = arith.constant 0 : index
        %get3A_35 = arith.constant 0 : index
        %get3A_36 = vector.load %arg3[%get3A_33, %get3A_34, %get3A_35] : memref<16x128x128xbf16, #tpu.memory_space<vmem>>, vector<1x128x128xbf16>
        %get3A_37 = vector.shape_cast %get3A_36 : vector<1x128x128xbf16> to vector<128x128xbf16>
        %dot_general3A = arith.constant dense<0.000000e+00> : vector<256x128xf32>
        %dot_general3A_38 = tpu.matmul %convert_element_type3A, %get3A_37, %dot_general3A {dimension_numbers = #tpu.dot_dimension_numbers<[1], [0], [0], [1], [0, 0, 1, 1], [], []>, transpose_lhs_hint = false} : vector<256x128xbf16>, vector<128x128xbf16>, vector<256x128xf32> -> vector<256x128xf32>
        %get3A_39 = arith.index_cast %scan3A_16 : i32 to index
        %get3A_40 = arith.constant 0 : index
        %get3A_41 = arith.constant 0 : index
        %get3A_42 = vector.load %arg4[%get3A_39, %get3A_40, %get3A_41] : memref<16x1x128xf32, #tpu.memory_space<vmem>>, vector<1x1x128xf32>
        %get3A_43 = vector.shape_cast %get3A_42 : vector<1x1x128xf32> to vector<1x128xf32>
        %add3A_44 = vector.broadcast %get3A_43 : vector<1x128xf32> to vector<256x128xf32>
        %add3A_45 = arith.addf %dot_general3A_38, %add3A_44 : vector<256x128xf32>
        %max3A = arith.constant 0.000000e+00 : f32
        %max3A_46 = vector.broadcast %max3A : f32 to vector<256x128xf32>
        %max3A_47 = arith.maximumf %add3A_45, %max3A_46 : vector<256x128xf32>
        %convert_element_type3A_48 = arith.truncf %max3A_47 : vector<256x128xf32> to vector<256x128xbf16>
        %get3A_49 = arith.index_cast %scan3A_16 : i32 to index
        %get3A_50 = arith.constant 0 : index
        %get3A_51 = arith.constant 0 : index
        %get3A_52 = vector.load %arg5[%get3A_49, %get3A_50, %get3A_51] : memref<16x128x128xbf16, #tpu.memory_space<vmem>>, vector<1x128x128xbf16>
        %get3A_53 = vector.shape_cast %get3A_52 : vector<1x128x128xbf16> to vector<128x128xbf16>
        %dot_general3A_54 = arith.constant dense<0.000000e+00> : vector<256x128xf32>
        %dot_general3A_55 = tpu.matmul %convert_element_type3A_48, %get3A_53, %dot_general3A_54 {dimension_numbers = #tpu.dot_dimension_numbers<[1], [0], [0], [1], [0, 0, 1, 1], [], []>, transpose_lhs_hint = false} : vector<256x128xbf16>, vector<128x128xbf16>, vector<256x128xf32> -> vector<256x128xf32>
        %get3A_56 = arith.index_cast %scan3A_16 : i32 to index
        %get3A_57 = arith.constant 0 : index
        %get3A_58 = arith.constant 0 : index
        %get3A_59 = vector.load %arg6[%get3A_56, %get3A_57, %get3A_58] : memref<16x1x128xf32, #tpu.memory_space<vmem>>, vector<1x1x128xf32>
        %get3A_60 = vector.shape_cast %get3A_59 : vector<1x1x128xf32> to vector<1x128xf32>
        %add3A_61 = vector.broadcast %get3A_60 : vector<1x128xf32> to vector<256x128xf32>
        %add3A_62 = arith.addf %dot_general3A_55, %add3A_61 : vector<256x128xf32>
        %max3A_63 = arith.constant 0.000000e+00 : f32
        %max3A_64 = vector.broadcast %max3A_63 : f32 to vector<256x128xf32>
        %max3A_65 = arith.maximumf %add3A_62, %max3A_64 : vector<256x128xf32>
        %get3A_66 = arith.constant 0 : index
        %get3A_67 = arith.constant 0 : index
        %get3A_68 = vector.load %arg11[%get3A_66, %get3A_67] : memref<256x128xf32, #tpu.memory_space<vmem>>, vector<256x128xf32>
        %broadcast_in_dim3A_69 = vector.shape_cast %and3A_32 : vector<256x1xi1> to vector<256x1xi1>
        %broadcast_in_dim3A_70 = vector.broadcast %broadcast_in_dim3A_69 : vector<256x1xi1> to vector<256x128xi1>
        %select_n3A_71 = arith.select %broadcast_in_dim3A_70, %max3A_65, %get3A_68 : vector<256x128xi1>, vector<256x128xf32>
        %swap3A_72 = arith.constant 0 : index
        %swap3A_73 = arith.constant 0 : index
        %swap3A_74 = vector.load %arg11[%swap3A_72, %swap3A_73] : memref<256x128xf32, #tpu.memory_space<vmem>>, vector<256x128xf32>
        tpu.vector_store %arg11[%swap3A_72, %swap3A_73], %select_n3A_71 {strides = array<i32>} : memref<256x128xf32, #tpu.memory_space<vmem>>, vector<256x128xf32>,
        %get3A_75 = arith.index_cast %scan3A_16 : i32 to index
        %get3A_76 = arith.constant 0 : index
        %get3A_77 = arith.constant 0 : index
        %get3A_78 = vector.load %arg7[%get3A_75, %get3A_76, %get3A_77] : memref<16x128x128xbf16, #tpu.memory_space<vmem>>, vector<1x128x128xbf16>
        %get3A_79 = vector.shape_cast %get3A_78 : vector<1x128x128xbf16> to vector<128x128xbf16>
        %dot_general3A_80 = arith.constant dense<0.000000e+00> : vector<256x128xf32>
        %dot_general3A_81 = tpu.matmul %convert_element_type3A, %get3A_79, %dot_general3A_80 {dimension_numbers = #tpu.dot_dimension_numbers<[1], [0], [0], [1], [0, 0, 1, 1], [], []>, transpose_lhs_hint = false} : vector<256x128xbf16>, vector<128x128xbf16>, vector<256x128xf32> -> vector<256x128xf32>
        %get3A_82 = arith.index_cast %scan3A_16 : i32 to index
        %get3A_83 = arith.constant 0 : index
        %get3A_84 = arith.constant 0 : index
        %get3A_85 = vector.load %arg8[%get3A_82, %get3A_83, %get3A_84] : memref<16x1x128xf32, #tpu.memory_space<vmem>>, vector<1x1x128xf32>
        %get3A_86 = vector.shape_cast %get3A_85 : vector<1x1x128xf32> to vector<1x128xf32>
        %add3A_87 = vector.broadcast %get3A_86 : vector<1x128xf32> to vector<256x128xf32>
        %add3A_88 = arith.addf %dot_general3A_81, %add3A_87 : vector<256x128xf32>
        %max3A_89 = arith.constant 0.000000e+00 : f32
        %max3A_90 = vector.broadcast %max3A_89 : f32 to vector<256x128xf32>
        %max3A_91 = arith.maximumf %add3A_88, %max3A_90 : vector<256x128xf32>
        %convert_element_type3A_92 = arith.truncf %max3A_91 : vector<256x128xf32> to vector<256x128xbf16>
        %get3A_93 = arith.index_cast %scan3A_16 : i32 to index
        %get3A_94 = arith.constant 0 : index
        %get3A_95 = arith.constant 0 : index
        %get3A_96 = vector.load %arg9[%get3A_93, %get3A_94, %get3A_95] : memref<16x128x128xbf16, #tpu.memory_space<vmem>>, vector<1x128x128xbf16>
        %get3A_97 = vector.shape_cast %get3A_96 : vector<1x128x128xbf16> to vector<128x128xbf16>
        %dot_general3A_98 = arith.constant dense<0.000000e+00> : vector<256x128xf32>
        %dot_general3A_99 = tpu.matmul %convert_element_type3A_92, %get3A_97, %dot_general3A_98 {dimension_numbers = #tpu.dot_dimension_numbers<[1], [0], [0], [1], [0, 0, 1, 1], [], []>, transpose_lhs_hint = false} : vector<256x128xbf16>, vector<128x128xbf16>, vector<256x128xf32> -> vector<256x128xf32>
        %get3A_100 = arith.index_cast %scan3A_16 : i32 to index
        %get3A_101 = arith.constant 0 : index
        %get3A_102 = arith.constant 0 : index
        %get3A_103 = vector.load %arg10[%get3A_100, %get3A_101, %get3A_102] : memref<16x1x128xf32, #tpu.memory_space<vmem>>, vector<1x1x128xf32>
        %get3A_104 = vector.shape_cast %get3A_103 : vector<1x1x128xf32> to vector<1x128xf32>
        %add3A_105 = vector.broadcast %get3A_104 : vector<1x128xf32> to vector<256x128xf32>
        %add3A_106 = arith.addf %dot_general3A_99, %add3A_105 : vector<256x128xf32>
        %max3A_107 = arith.constant 0.000000e+00 : f32
        %max3A_108 = vector.broadcast %max3A_107 : f32 to vector<256x128xf32>
        %max3A_109 = arith.maximumf %add3A_106, %max3A_108 : vector<256x128xf32>
        %get3A_110 = arith.constant 0 : index
        %get3A_111 = arith.constant 0 : index
        %get3A_112 = vector.load %arg12[%get3A_110, %get3A_111] : memref<256x128xf32, #tpu.memory_space<vmem>>, vector<256x128xf32>
        %broadcast_in_dim3A_113 = vector.shape_cast %and3A_32 : vector<256x1xi1> to vector<256x1xi1>
        %broadcast_in_dim3A_114 = vector.broadcast %broadcast_in_dim3A_113 : vector<256x1xi1> to vector<256x128xi1>
        %select_n3A_115 = arith.select %broadcast_in_dim3A_114, %max3A_109, %get3A_112 : vector<256x128xi1>, vector<256x128xf32>
        %swap3A_116 = arith.constant 0 : index
        %swap3A_117 = arith.constant 0 : index
        %swap3A_118 = vector.load %arg12[%swap3A_116, %swap3A_117] : memref<256x128xf32, #tpu.memory_space<vmem>>, vector<256x128xf32>
        tpu.vector_store %arg12[%swap3A_116, %swap3A_117], %select_n3A_115 {strides = array<i32>} : memref<256x128xf32, #tpu.memory_space<vmem>>, vector<256x128xf32>,
      } else {
      }
    }
    %scan3A_15 = arith.constant 16 : i32
    return
  }
  func.func @transform_0(%arg0: i32) -> i32 {
    %c0_i32 = arith.constant 0 : i32
    %c0_i32_0 = arith.constant 0 : i32
    return %c0_i32 : i32
  }
  func.func @transform_1(%arg0: i32) -> (i32, i32) {
    %c0_i32 = arith.constant 0 : i32
    %c0_i32_0 = arith.constant 0 : i32
    return %arg0, %c0_i32 : i32, i32
  }
  func.func @transform_2(%arg0: i32) -> (i32, i32, i32) {
    %c0_i32 = arith.constant 0 : i32
    %c0_i32_0 = arith.constant 0 : i32
    %c0_i32_1 = arith.constant 0 : i32
    %c0_i32_2 = arith.constant 0 : i32
    return %c0_i32, %c0_i32_0, %c0_i32_1 : i32, i32, i32
  }
  func.func @transform_3(%arg0: i32) -> (i32, i32, i32) {
    %c0_i32 = arith.constant 0 : i32
    %c0_i32_0 = arith.constant 0 : i32
    %c0_i32_1 = arith.constant 0 : i32
    %c0_i32_2 = arith.constant 0 : i32
    return %c0_i32, %c0_i32_0, %c0_i32_1 : i32, i32, i32
  }
  func.func @transform_4(%arg0: i32) -> (i32, i32, i32) {
    %c0_i32 = arith.constant 0 : i32
    %c0_i32_0 = arith.constant 0 : i32
    %c0_i32_1 = arith.constant 0 : i32
    %c0_i32_2 = arith.constant 0 : i32
    return %c0_i32, %c0_i32_0, %c0_i32_1 : i32, i32, i32
  }
  func.func @transform_5(%arg0: i32) -> (i32, i32, i32) {
    %c0_i32 = arith.constant 0 : i32
    %c0_i32_0 = arith.constant 0 : i32
    %c0_i32_1 = arith.constant 0 : i32
    %c0_i32_2 = arith.constant 0 : i32
    return %c0_i32, %c0_i32_0, %c0_i32_1 : i32, i32, i32
  }
  func.func @transform_6(%arg0: i32) -> (i32, i32, i32) {
    %c0_i32 = arith.constant 0 : i32
    %c0_i32_0 = arith.constant 0 : i32
    %c0_i32_1 = arith.constant 0 : i32
    %c0_i32_2 = arith.constant 0 : i32
    return %c0_i32, %c0_i32_0, %c0_i32_1 : i32, i32, i32
  }
  func.func @transform_7(%arg0: i32) -> (i32, i32, i32) {
    %c0_i32 = arith.constant 0 : i32
    %c0_i32_0 = arith.constant 0 : i32
    %c0_i32_1 = arith.constant 0 : i32
    %c0_i32_2 = arith.constant 0 : i32
    return %c0_i32, %c0_i32_0, %c0_i32_1 : i32, i32, i32
  }
  func.func @transform_8(%arg0: i32) -> (i32, i32, i32) {
    %c0_i32 = arith.constant 0 : i32
    %c0_i32_0 = arith.constant 0 : i32
    %c0_i32_1 = arith.constant 0 : i32
    %c0_i32_2 = arith.constant 0 : i32
    return %c0_i32, %c0_i32_0, %c0_i32_1 : i32, i32, i32
  }
  func.func @transform_9(%arg0: i32) -> (i32, i32, i32) {
    %c0_i32 = arith.constant 0 : i32
    %c0_i32_0 = arith.constant 0 : i32
    %c0_i32_1 = arith.constant 0 : i32
    %c0_i32_2 = arith.constant 0 : i32
    return %c0_i32, %c0_i32_0, %c0_i32_1 : i32, i32, i32
  }
  func.func @transform_10(%arg0: i32) -> (i32, i32) {
    %c0_i32 = arith.constant 0 : i32
    %c0_i32_0 = arith.constant 0 : i32
    return %arg0, %c0_i32 : i32, i32
  }
  func.func @transform_11(%arg0: i32) -> (i32, i32) {
    %c0_i32 = arith.constant 0 : i32
    %c0_i32_0 = arith.constant 0 : i32
    return %arg0, %c0_i32 : i32, i32
  }
}

</mosaic_0001>

<sc_bundles>
// kernel: _run.5.cloned.1.call-start
scs
__scs_entry_jumppad:
0x0: {  	(pc) =	sbr.rel $0x88, $3  }
0x1: {  	(tag) =	ssettag $0x0;
	lr =	simm.s32 $0x1  }
0x2: {  	[smem:$0x3F97] =	sst lr;
	_ =	strace $0xD0000000  }
0x3: {  	_ = 	snop  }
0x4: {  	_ = 	snop  }
0x5: {  	_ = 	snop  }
0x6: {  	_ = 	snop  }
0x7: {  	_ = 	snop  }
__scs_overlays_trampoline_lowered:
0x8: {  	[smem:$0x3FA6] =	sst s0  }
0x9: {  	[smem:$0x3FA7] =	sst s1  }
0xa: {  	[smem:$0x3FA8] =	sst s2  }
0xb: {  	[smem:$0x3FA9] =	sst s3  }
0xc: {  	[smem:$0x3FAA] =	sst s4  }
0xd: {  	[smem:$0x3FAB] =	sst s5  }
0xe: {  	[smem:$0x3FAC] =	sst s6  }
0xf: {  	[smem:$0x3FAD] =	sst s7  }
0x10: {  	[smem:$0x3FAE] =	sst s8  }
0x11: {  	[smem:$0x3FAF] =	sst s9;
	s0 =	simm.s32 @!p0 $0x0  }
0x12: {  	s1 =	sld [smem:$0x3F95];
	s0 =	simm.s32 @p0 $0x1  }
0x13: {  	[smem:$0x3FB0] =	sst s0;
	s0 =	simm.s32 @!p1 $0x0  }
0x14: {  	s2 =	sld [smem:$0x3F94];
	s0 =	simm.s32 @p1 $0x1  }
0x15: {  	[smem:$0x3FB1] =	sst s0;
	s0 =	simm.s32 @!p2 $0x0  }
0x16: {  	s3 =	sld [smem:$0x3FDB];
	s0 =	simm.s32 @p2 $0x1  }
0x17: {  	s4 =	simm.s32 $0x1BF5;
	[smem:$0x3FB3] =	sst s0  }
0x18: {  	s0 =	sld [smem:$0x3F96];
	_ =	swait.ge [sflag:s4], $0x0  }
0x19: {  	s7 =	sld [smem:$0x3F97]  }
0x1a: {  	s8 =	sadd.s32 $0xFFFFE003, lr  }
0x1b: {  	s9 =	sadd.s32 $0xFFFFFEF7, lr;
	s5 =	simm.s32 $0xFFFFFFFF;
	p2 =	slt.u32 s8, $0xFFFFF086  }
0x1c: {  	p1 =	slt.u32 s9, $0xF7A;
	s5 =	simm.s32 @!p2 $0x0  }
0x1d: {  	s5 =	simm.s32 @p1 $0x1;
	p0 =	seq.s32 s7, s2  }
0x1e: {  	s7 =	smul.u32 @!p0 $0xF7A, s2;
	p2 =	seq.s32 @!p0 s5, $0x0  }
0x1f: {  	s9 =	smul.u32 $0xF7A, s1;
	s8 =	simm.s32 @!p0 $0x1BF5;
	p2 =	por !p2, p0  }
0x20: {  	[sflag:s8] =	ssyncset.s32 @!p0 $0xFFFFF086;
	s6 =	sadd.s32 @!p0 s3, s7;
	s7 =	simm.s32 @!p0 $0x108  }
0x21: {  	s3 =	sadd.s32 s3, s9;
	s6 =	sadd.s32 @!p0 $0x88, s6;
	s7 =	simm.s32 @p2 $0x1082  }
0x22: {  	[simem:s7], [sflag:s8] =	dma.local @!p0 [hbm:s6], $0xF7A  }
0x23: {  	s9 =	sor.u32 $0xD0000000, s2;
	s6 =	simm.s32 $0x108;
	_ =	swait.ge @!p0 [sflag:s8], $0x0  }
0x24: {  	s3 =	sadd.s32 $0x88, s3;
	s6 =	simm.s32 @!p1 $0x1082;
	[sflag:s4] =	ssyncset.s32 $0xFFFFF086  }
0x25: {  	[simem:s6], [sflag:s4] =	dma.local [hbm:s3], $0xF7A  }
0x26: {  	[smem:$0x3F97] =	sst s1;
	(tag) =	ssettag s2;
	_ =	strace s9  }
0x27: {  	s1 =	sld [smem:$0x3FA7]  }
0x28: {  	s2 =	sld [smem:$0x3FA8]  }
0x29: {  	s4 =	sld [smem:$0x3FAA]  }
0x2a: {  	p0 =	seq.s32 s5, $0x0;
	s5 =	sld [smem:$0x3FAB]  }
0x2b: {  	s6 =	sld [smem:$0x3FAC]  }
0x2c: {  	s7 =	sld [smem:$0x3FAD]  }
0x2d: {  	s3 =	simm.s32 $0x108;
	s8 =	sld [smem:$0x3FAE]  }
0x2e: {  	s3 =	simm.s32 @!p0 $0x1082;
	s9 =	sld [smem:$0x3FAF]  }
0x2f: {  	lr =	sadd.s32 s0, s3;
	s0 =	sld [smem:$0x3FA6]  }
0x30: {  	s3 =	sld [smem:$0x3FA9]  }
0x31: {  	[smem:$0x3FB2] =	sst s10  }
0x32: {  	s10 =	sld [smem:$0x3FB0];
	_ =	sdelay $0x3  }
0x33: {  	p0 =	seq.s32 s10, $0x1;
	s10 =	sld [smem:$0x3FB2];
	_ =	sdelay $0x3  }
0x34: {  	[smem:$0x3FB2] =	sst s10  }
0x35: {  	s10 =	sld [smem:$0x3FB1];
	_ =	sdelay $0x3  }
0x36: {  	p1 =	seq.s32 s10, $0x1;
	s10 =	sld [smem:$0x3FB2];
	_ =	sdelay $0x3  }
0x37: {  	[smem:$0x3FB2] =	sst s10  }
0x38: {  	s10 =	sld [smem:$0x3FB3]  }
0x39: {  	_ = 	snop;
	(pc) =	sbr.ind lr, $3  }
0x3a: {  	_ = 	snop  }
0x3b: {  	_ = 	snop  }
0x3c: {  	p2 =	seq.s32 s10, $0x1;
	s10 =	sld [smem:$0x3FB2]  }
0x3d: {  	_ =	shalt  }
0x3e: {  	_ =	shalt  }
0x3f: {  	_ =	shalt  }
0x40: {  	_ =	shalt  }
0x41: {  	_ =	shalt  }
0x42: {  	_ =	shalt  }
0x43: {  	_ =	shalt  }
0x44: {  	_ =	shalt  }
0x45: {  	_ =	shalt  }
0x46: {  	_ =	shalt  }
0x47: {  	_ =	shalt  }
0x48: {  	_ =	shalt  }
0x49: {  	_ =	shalt  }
0x4a: {  	_ =	shalt  }
0x4b: {  	_ =	shalt  }
0x4c: {  	_ =	shalt  }
0x4d: {  	_ =	shalt  }
0x4e: {  	_ =	shalt  }
0x4f: {  	_ =	shalt  }
0x50: {  	_ =	shalt  }
0x51: {  	_ =	shalt  }
0x52: {  	_ =	shalt  }
0x53: {  	_ =	shalt  }
0x54: {  	_ =	shalt  }
0x55: {  	_ =	shalt  }
0x56: {  	_ =	shalt  }
0x57: {  	_ =	shalt  }
0x58: {  	_ =	shalt  }
0x59: {  	_ =	shalt  }
0x5a: {  	_ =	shalt  }
0x5b: {  	_ =	shalt  }
0x5c: {  	_ =	shalt  }
0x5d: {  	_ =	shalt  }
0x5e: {  	_ =	shalt  }
0x5f: {  	_ =	shalt  }
0x60: {  	_ =	shalt  }
0x61: {  	_ =	shalt  }
0x62: {  	_ =	shalt  }
0x63: {  	_ =	shalt  }
0x64: {  	_ =	shalt  }
0x65: {  	_ =	shalt  }
0x66: {  	_ =	shalt  }
0x67: {  	_ =	shalt  }
0x68: {  	_ =	shalt  }
0x69: {  	_ =	shalt  }
0x6a: {  	_ =	shalt  }
0x6b: {  	_ =	shalt  }
0x6c: {  	_ =	shalt  }
0x6d: {  	_ =	shalt  }
0x6e: {  	_ =	shalt  }
0x6f: {  	_ =	shalt  }
0x70: {  	_ =	shalt  }
0x71: {  	_ =	shalt  }
0x72: {  	_ =	shalt  }
0x73: {  	_ =	shalt  }
0x74: {  	_ =	shalt  }
0x75: {  	_ =	shalt  }
0x76: {  	_ =	shalt  }
0x77: {  	_ =	shalt  }
0x78: {  	_ =	shalt  }
0x79: {  	_ =	shalt  }
0x7a: {  	_ =	shalt  }
0x7b: {  	_ =	shalt  }
0x7c: {  	_ =	shalt  }
0x7d: {  	_ =	shalt  }
0x7e: {  	_ =	shalt  }
0x7f: {  	_ =	shalt  }
0x80: {  	_ =	shalt  }
0x81: {  	_ =	shalt  }
0x82: {  	_ =	shalt  }
0x83: {  	_ =	shalt  }
0x84: {  	_ =	shalt  }
0x85: {  	_ =	shalt  }
0x86: {  	_ =	shalt  }
0x87: {  	_ =	shalt  }
.Lfunc_end0:
.L_simem_size_0:
called_computation_lowered:
.L_overlay_start_0:
0x88: {  	s2 =	sld [smem:$0x3FD9]  }
0x89: {  	s3 =	sld [smem:$0x3FFE];
	_ =	sdelay $0x1  }
0x8a: {  	s1 =	srdreg.scid  }
0x8b: {  	s0 =	sand.u32 $0x1, s1  }
0x8c: {  	s14 =	sshll.u32 s0, $0xA;
	s2 =	sadd.s32 s3, s2  }
0x8d: {  	s2 =	sadd.s32 s2, s14  }
0x8e: {  	[smem:$0x3FBE] =	sst s2  }
0x8f: {  	_ = 	snop  }
0x90: {  	s2 =	sld [smem:$0x3FD0];
	_ =	sdelay $0x1  }
0x91: {  	s15 =	sld [smem:$0x3FC9]  }
0x92: {  	s5 =	simm.s32 $0xA;
	s6 =	simm.s32 $0x10;
	s4 =	sld [smem:$0x3FC8]  }
0x93: {  	[smem:s6], [sflag:s5] =	dma.local [hbm:s2], $0x1  }
0x94: {  	_ =	swait.eq [sflag:s5], $0x1  }
0x95: {  	[sflag:s5] =	ssyncset.done $0x0  }
0x96: {  	s16 =	sld [smem:$0x10];
	[sflag:s5] =	ssyncadd.s32 $0xFFFFFFFF  }
0x97: {  	s17 =	sld [smem:$0x11];
	(tm) =	ssettm $0x1  }
0x98: {  	s18 =	sld [smem:$0x3FFB];
	_ =	sdelay $0x3  }
0x99: {  	_ =	strace s18  }
0x9a: {  	s6 =	sld [smem:$0x3FFC];
	_ =	sdelay $0x3  }
0x9b: {  	_ =	strace s6  }
0x9c: {  	s6 =	sld [smem:$0x3FFD];
	_ =	sdelay $0x3  }
0x9d: {  	_ =	strace s6  }
0x9e: {  	_ =	strace $0x8FFFFFFF  }
0x9f: {  	s19 =	sld [smem:$0x3FDB];
	_ =	sdelay $0x1  }
0xa0: {  	s7 =	simm.s32 $_scs_section_size  }
0xa1: {  	s8 =	simm.s32 $_size__tile_overlayer_lowered;
	s9 =	simm.s32 $_tile_overlayer_lowered  }
0xa2: {  	s22 =	simm.s32 $0x1BFF;
	s21 =	sshll.u32 s9, $0x1;
	s6 =	sadd.s32 s7, s19  }
0xa3: {  	s10 =	simm.s32 $0x0;
	s20 =	sshll.u32 s8, $0x1;
	s8 =	sadd.s32 s21, s6  }
0xa4: {  	[timem:s10], [sflag:s22] =	dma.local [hbm:s8], s20  }
0xa5: {  	_ =	swait.ge [sflag:s22], s20  }
0xa6: {  	s7 =	ssub.s32 $0x0, s20;
	[sflag:s22] =	ssyncset.done $0x0  }
0xa7: {  	[sflag:s22] =	ssyncadd.s32 s7;
	_ =	sdelay $0x1  }
0xa8: {  	s23 =	simm.s32 $0x1B8B  }
0xa9: {  	_ =	swait.ge [sflag:s23], $0x1  }
0xaa: {  	[sflag:s23] =	ssyncset.done $0x0  }
0xab: {  	s25 =	simm.s32 $0x1B8E;
	s24 =	sld [smem:$0x3FFE];
	[sflag:s23] =	ssyncadd.s32 $0xFFFFFFFF  }
0xac: {  	s26 =	simm.s32 $execute0_lowered;
	[smem:$0x3FD2] =	sst s25  }
0xad: {  	s8 =	sshll.u32 s26, $0x1;
	_ =	strace $0x80000046;
	[dreg:$0x1] =	wrdreg $0xFFFFFFFF  }
0xae: {  	s28 =	simm.s32 $_size_execute0_lowered;
	s6 =	sadd.s32 s6, s8;
	[dreg:$0x0] =	wrdreg $0x0  }
0xaf: {  	s8 =	sshll.u32 s28, $0x1;
	[dreg:$0x2] =	wrdreg s6  }
0xb0: {  	[dreg:$0x3] =	wrdreg s8  }
0xb1: {  	[dreg:$0x4] =	wrdreg $0xC0  }
0xb2: {  	_ =	task [dreg:s10], $0x5FFFF  }
0xb3: {  	[dreg:$0x1] =	wrdreg $0xFFFFFFFF  }
0xb4: {  	[dreg:$0x0] =	wrdreg $0x60  }
0xb5: {  	[dreg:$0x2] =	wrdreg s4  }
0xb6: {  	[dreg:$0x3] =	wrdreg s15  }
0xb7: {  	[dreg:$0x4] =	wrdreg s17  }
0xb8: {  	[dreg:$0x5] =	wrdreg s24  }
0xb9: {  	[dreg:$0x6] =	wrdreg s16  }
0xba: {  	[dreg:$0x7] =	wrdreg $0x9  }
0xbb: {  	_ =	task.clear_ibuf [dreg:s10], $0x8FFFF;
	_ =	strace $0x90000046  }
0xbc: {  	s29 =	simm.s32 $0x9;
	_ =	strace $0x80000048  }
0xbd: {  	_ =	swait.ge [sflag:s29], $0x1  }
0xbe: {  	[sflag:s29] =	ssyncadd.s32 $0xFFFFFFFF  }
0xbf: {  	_ =	strace $0x90000048  }
0xc0: {  	_ =	sfence  }
0xc1: {  	s30 =	sld [smem:$0x0];
	_ =	sdelay $0x2  }
0xc2: {  	s31 =	sshll.u32 s1, $0xD;
	s1 =	sshrl.u32 s1, $0x2  }
0xc3: {  	s3 =	sand.u32 $0x4000, s31;
	s1 =	sadd.s32 s1, s30  }
0xc4: {  	s0 =	sor.u32 s3, s0;
	s1 =	sshll.u32 s1, $0x11  }
0xc5: {  	s0 =	sor.u32 s1, s0  }
0xc6: {  	s0 =	sadd.s32 $0x8F2B, s0  }
0xc7: {  	[sflag:s0] =	ssyncadd.remote.s32 $0x1  }
0xc8: {  	_ =	sfence.sel $0xFFFF  }
0xc9: {  	[dreg:$0x0] =	wrdreg $0xFFFFFFFF;
	(pc) =	sbr.abs _section_cstart, $3  }
0xca: {  	[dreg:$0x1] =	wrdreg $0xFFFFFFFF  }
0xcb: {  	_ =	task.clear_ibuf [dreg:s10], $0x2FFFF;
	_ =	strace $0x9FFFFFFF  }
0xcc: {  	(tm) =	ssettm $0x7FFFFFFF  }
0xcd: {  	_ =	shalt  }
tec
execute0_lowered:
.L_overlay_start_1:
0x0: {  	(tag) =	ssettag $0x1  }
0x1: {  	s2 =	srdreg.scid;
	s0 =	stileid.u32  }
0x2: {  	s6 =	sand.u32 $0x1, s2;
	s30 =	sshll.u32 s0, $0x1  }
0x3: {  	s10 =	sor.u32 s6, s30  }
0x4: {  	v2 =	vmov s10  }
0x5: {  	v0 =	vimm.s32 $0x0;
	vm0 =	veq.s32 v2, $0x1F  }
0x6: {  	v0 =	vsel vm0, $0xFFFFFFFF, v0  }
0x7: {  	vm0 =	vgt.u32 v2, $0x1D;
	[tilespmem:$0x1FF00] =	vst v0;
	v0 =	vimm.s32 $0x0  }
0x8: {  	v0 =	vsel vm0, $0xFFFFFFFF, v0  }
0x9: {  	vm0 =	vgt.u32 v2, $0x1C;
	[tilespmem:$0x1FF10] =	vst v0;
	v0 =	vimm.s32 $0x0  }
0xa: {  	v0 =	vsel vm0, $0xFFFFFFFF, v0  }
0xb: {  	vm0 =	vgt.u32 v2, $0x1B;
	[tilespmem:$0x1FF20] =	vst v0;
	v0 =	vimm.s32 $0x0  }
0xc: {  	v0 =	vsel vm0, $0xFFFFFFFF, v0  }
0xd: {  	vm0 =	vgt.u32 v2, $0x1A;
	[tilespmem:$0x1FF30] =	vst v0;
	v0 =	vimm.s32 $0x0  }
0xe: {  	v0 =	vsel vm0, $0xFFFFFFFF, v0  }
0xf: {  	vm0 =	vgt.u32 v2, $0x19;
	[tilespmem:$0x1FF40] =	vst v0;
	v0 =	vimm.s32 $0x0  }
0x10: {  	v0 =	vsel vm0, $0xFFFFFFFF, v0  }
0x11: {  	vm0 =	vgt.u32 v2, $0x18;
	[tilespmem:$0x1FF50] =	vst v0;
	v0 =	vimm.s32 $0x0  }
0x12: {  	v0 =	vsel vm0, $0xFFFFFFFF, v0  }
0x13: {  	vm0 =	vgt.u32 v2, $0x17;
	[tilespmem:$0x1FF60] =	vst v0;
	v0 =	vimm.s32 $0x0  }
0x14: {  	v0 =	vsel vm0, $0xFFFFFFFF, v0  }
0x15: {  	vm0 =	vgt.u32 v2, $0x16;
	[tilespmem:$0x1FF70] =	vst v0;
	v0 =	vimm.s32 $0x0  }
0x16: {  	v0 =	vsel vm0, $0xFFFFFFFF, v0  }
0x17: {  	vm0 =	vgt.u32 v2, $0x15;
	[tilespmem:$0x1FF80] =	vst v0;
	v0 =	vimm.s32 $0x0  }
0x18: {  	v0 =	vsel vm0, $0xFFFFFFFF, v0  }
0x19: {  	s1 =	rddreg [dreg:$0x0];
	vm0 =	vgt.u32 v2, $0x14;
	[tilespmem:$0x1FF90] =	vst v0;
	v0 =	vimm.s32 $0x0  }
0x1a: {  	s7 =	rddreg [dreg:$0x1];
	v0 =	vsel vm0, $0xFFFFFFFF, v0  }
0x1b: {  	s8 =	rddreg [dreg:$0x3];
	vm0 =	vgt.u32 v2, $0x13;
	[tilespmem:$0x1FFA0] =	vst v0;
	v0 =	vimm.s32 $0x0  }
0x1c: {  	s4 =	rddreg [dreg:$0x4];
	v1 =	vimm.s32 $0x0;
	vm1 =	vgt.u32 v2, $0xD;
	v0 =	vsel vm0, $0xFFFFFFFF, v0  }
0x1d: {  	s3 =	rddreg [dreg:$0x5];
	s5 =	simm.s32 $0x0;
	vm2 =	vgt.u32 v2, $0xC;
	vm0 =	vgt.u32 v2, $0x12;
	[tilespmem:$0x1FFB0] =	vst v0;
	v0 =	vimm.s32 $0x0  }
0x1e: {  	s12 =	simm.s32 $0x1100;
	[smem:$0x7FF] =	sst s5;
	vm3 =	vgt.u32 v2, $0xB;
	vm4 =	vgt.u32 v2, $0xA;
	v0 =	vsel vm0, $0xFFFFFFFF, v0  }
0x1f: {  	s13 =	simm.s32 $0x1180;
	s2 =	rddreg [dreg:$0x2];
	vm5 =	vgt.u32 v2, $0x9;
	_ =	strace $0x80000047;
	vm0 =	vgt.u32 v2, $0x11;
	[tilespmem:$0x1FFC0] =	vst v0;
	v0 =	vimm.s32 $0x0  }
0x20: {  	s14 =	simm.s32 $0x1200;
	s15 =	simm.s32 $0x1000;
	s16 =	simm.s32 $0x1380;
	vm6 =	vgt.u32 v2, $0x8;
	vm7 =	vgt.u32 v2, $0x7;
	v0 =	vsel vm0, $0xFFFFFFFF, v0  }
0x21: {  	s17 =	simm.s32 $0x80;
	s18 =	simm.s32 $0x1300;
	s6 =	ssub.s32 $0x2, s6;
	vm8 =	vgt.u32 v2, $0x6;
	vm0 =	vgt.u32 v2, $0x10;
	[tilespmem:$0x1FFD0] =	vst v0;
	v0 =	vimm.s32 $0x0  }
0x22: {  	s9 =	sshll.u32 s10, $0x4;
	s31 =	sshrl.u32 s6, $0x1;
	s11 =	sshll.u32 s10, $0xB;
	vm9 =	vgt.u32 v2, $0x5;
	vm10 =	vgt.u32 v2, $0x4;
	v0 =	vsel vm0, $0xFFFFFFFF, v0  }
0x23: {  	p0 =	sne.s32 s10, $0x0;
	s8 =	sadd.s32 s9, s8;
	s9 =	ssub.s32 s6, s31;
	vm11 =	vgt.u32 v2, $0x3;
	vm0 =	vgt.u32 v2, $0xF;
	[tilespmem:$0x1FFE0] =	vst v0;
	v0 =	vimm.s32 $0x0  }
0x24: {  	s6 =	sshll.u32 s10, $0x7;
	s7 =	sadd.s32 s7, s11;
	s10 =	simm.s32 $0x1;
	vm12 =	vgt.u32 v2, $0x2;
	vm13 =	vgt.u32 v2, $0x1;
	v0 =	vsel vm0, $0xFFFFFFFF, v0  }
0x25: {  	s11 =	simm.s32 $0x1080;
	vm14 =	veq.s32 v2, $0x0;
	s8 =	sadd.s32 $0x2800, s8;
	s9 =	smax.u32 s9, $0x1;
	vm0 =	vgt.u32 v2, $0xE;
	[tilespmem:$0x1FFF0] =	vst v0;
	v0 =	vimm.s32 $0x1  }
.LBB2_1:
0x26: {  	[tilespmem:s5], [sflag:$0x1] =	stream.linear.gather [hbm4b:s1+s5], $0x1000, $0x38;
	[tilespmem:$0x5380] =	vst v63  }
0x27: {  	_ =	swait.ge [sflag:s10], $0x1000  }
0x28: {  	[sflag:s10] =	ssyncset.done $0x0  }
0x29: {  	[sflag:s10] =	ssyncadd.s32 $0xFFFFF000  }
0x2a: {  	v2 =	vld [tilespmem:$0x0];
	_ =	sdelay $0x6  }
0x2b: {  	[tilespmem:$0x1080] =	vst v1  }
0x2c: {  	[tilespmem:v2+s11+$0x0] =	vst.idx.add.s32.msk $0xffff, v0  }
0x2d: {  	v2 =	vld [tilespmem:$0x10];
	_ =	sdelay $0x7  }
0x2e: {  	[tilespmem:v2+s11+$0x0] =	vst.idx.add.s32.msk $0xffff, v0  }
0x2f: {  	v2 =	vld [tilespmem:$0x20];
	_ =	sdelay $0x7  }
0x30: {  	[tilespmem:v2+s11+$0x0] =	vst.idx.add.s32.msk $0xffff, v0  }
0x31: {  	v2 =	vld [tilespmem:$0x30];
	_ =	sdelay $0x7  }
0x32: {  	[tilespmem:v2+s11+$0x0] =	vst.idx.add.s32.msk $0xffff, v0  }
0x33: {  	v2 =	vld [tilespmem:$0x40];
	_ =	sdelay $0x7  }
0x34: {  	[tilespmem:v2+s11+$0x0] =	vst.idx.add.s32.msk $0xffff, v0  }
0x35: {  	v2 =	vld [tilespmem:$0x50];
	_ =	sdelay $0x7  }
0x36: {  	[tilespmem:v2+s11+$0x0] =	vst.idx.add.s32.msk $0xffff, v0  }
0x37: {  	v2 =	vld [tilespmem:$0x60];
	_ =	sdelay $0x7  }
0x38: {  	[tilespmem:v2+s11+$0x0] =	vst.idx.add.s32.msk $0xffff, v0  }
0x39: {  	v2 =	vld [tilespmem:$0x70];
	_ =	sdelay $0x7  }
0x3a: {  	[tilespmem:v2+s11+$0x0] =	vst.idx.add.s32.msk $0xffff, v0  }
0x3b: {  	v2 =	vld [tilespmem:$0x80];
	_ =	sdelay $0x6  }
0x3c: {  	[tilespmem:$0x1100] =	vst v1  }
0x3d: {  	[tilespmem:v2+s12+$0x0] =	vst.idx.add.s32.msk $0xffff, v0  }
0x3e: {  	v2 =	vld [tilespmem:$0x90];
	_ =	sdelay $0x7  }
0x3f: {  	[tilespmem:v2+s12+$0x0] =	vst.idx.add.s32.msk $0xffff, v0  }
0x40: {  	v2 =	vld [tilespmem:$0xA0];
	_ =	sdelay $0x7  }
0x41: {  	[tilespmem:v2+s12+$0x0] =	vst.idx.add.s32.msk $0xffff, v0  }
0x42: {  	v2 =	vld [tilespmem:$0xB0];
	_ =	sdelay $0x7  }
0x43: {  	[tilespmem:v2+s12+$0x0] =	vst.idx.add.s32.msk $0xffff, v0  }
0x44: {  	v2 =	vld [tilespmem:$0xC0];
	_ =	sdelay $0x7  }
0x45: {  	[tilespmem:v2+s12+$0x0] =	vst.idx.add.s32.msk $0xffff, v0  }
0x46: {  	v2 =	vld [tilespmem:$0xD0];
	_ =	sdelay $0x7  }
0x47: {  	[tilespmem:v2+s12+$0x0] =	vst.idx.add.s32.msk $0xffff, v0  }
0x48: {  	v2 =	vld [tilespmem:$0xE0];
	_ =	sdelay $0x7  }
0x49: {  	[tilespmem:v2+s12+$0x0] =	vst.idx.add.s32.msk $0xffff, v0  }
0x4a: {  	v2 =	vld [tilespmem:$0xF0];
	_ =	sdelay $0x7  }
0x4b: {  	[tilespmem:v2+s12+$0x0] =	vst.idx.add.s32.msk $0xffff, v0  }
0x4c: {  	v2 =	vld [tilespmem:$0x100];
	_ =	sdelay $0x6  }
0x4d: {  	[tilespmem:$0x1180] =	vst v1  }
0x4e: {  	[tilespmem:v2+s13+$0x0] =	vst.idx.add.s32.msk $0xffff, v0  }
0x4f: {  	v2 =	vld [tilespmem:$0x110];
	_ =	sdelay $0x7  }
0x50: {  	[tilespmem:v2+s13+$0x0] =	vst.idx.add.s32.msk $0xffff, v0  }
0x51: {  	v2 =	vld [tilespmem:$0x120];
	_ =	sdelay $0x7  }
0x52: {  	[tilespmem:v2+s13+$0x0] =	vst.idx.add.s32.msk $0xffff, v0  }
0x53: {  	v2 =	vld [tilespmem:$0x130];
	_ =	sdelay $0x7  }
0x54: {  	[tilespmem:v2+s13+$0x0] =	vst.idx.add.s32.msk $0xffff, v0  }
0x55: {  	v2 =	vld [tilespmem:$0x140];
	_ =	sdelay $0x7  }
0x56: {  	[tilespmem:v2+s13+$0x0] =	vst.idx.add.s32.msk $0xffff, v0  }
0x57: {  	v2 =	vld [tilespmem:$0x150];
	_ =	sdelay $0x7  }
0x58: {  	[tilespmem:v2+s13+$0x0] =	vst.idx.add.s32.msk $0xffff, v0  }
0x59: {  	v2 =	vld [tilespmem:$0x160];
	_ =	sdelay $0x7  }
0x5a: {  	[tilespmem:v2+s13+$0x0] =	vst.idx.add.s32.msk $0xffff, v0  }
0x5b: {  	v2 =	vld [tilespmem:$0x170];
	_ =	sdelay $0x7  }
0x5c: {  	[tilespmem:v2+s13+$0x0] =	vst.idx.add.s32.msk $0xffff, v0  }
0x5d: {  	v2 =	vld [tilespmem:$0x180];
	_ =	sdelay $0x6  }
0x5e: {  	[tilespmem:$0x1200] =	vst v1  }
0x5f: {  	[tilespmem:v2+s14+$0x0] =	vst.idx.add.s32.msk $0xffff, v0  }
0x60: {  	v2 =	vld [tilespmem:$0x190];
	_ =	sdelay $0x7  }
0x61: {  	[tilespmem:v2+s14+$0x0] =	vst.idx.add.s32.msk $0xffff, v0  }
0x62: {  	v2 =	vld [tilespmem:$0x1A0];
	_ =	sdelay $0x7  }
0x63: {  	[tilespmem:v2+s14+$0x0] =	vst.idx.add.s32.msk $0xffff, v0  }
0x64: {  	v2 =	vld [tilespmem:$0x1B0];
	_ =	sdelay $0x7  }
0x65: {  	[tilespmem:v2+s14+$0x0] =	vst.idx.add.s32.msk $0xffff, v0  }
0x66: {  	v2 =	vld [tilespmem:$0x1C0];
	_ =	sdelay $0x7  }
0x67: {  	[tilespmem:v2+s14+$0x0] =	vst.idx.add.s32.msk $0xffff, v0  }
0x68: {  	v2 =	vld [tilespmem:$0x1D0];
	_ =	sdelay $0x7  }
0x69: {  	[tilespmem:v2+s14+$0x0] =	vst.idx.add.s32.msk $0xffff, v0  }
0x6a: {  	v2 =	vld [tilespmem:$0x1E0];
	_ =	sdelay $0x7  }
0x6b: {  	[tilespmem:v2+s14+$0x0] =	vst.idx.add.s32.msk $0xffff, v0  }
0x6c: {  	v2 =	vld [tilespmem:$0x1F0];
	_ =	sdelay $0x7  }
0x6d: {  	[tilespmem:v2+s14+$0x0] =	vst.idx.add.s32.msk $0xffff, v0  }
0x6e: {  	v6 =	vld [tilespmem:$0x200];
	_ =	sdelay $0x3  }
0x6f: {  	v4 =	vld [tilespmem:$0x1080]  }
0x70: {  	v5 =	vld [tilespmem:$0x1100]  }
0x71: {  	v3 =	vld [tilespmem:$0x1180]  }
0x72: {  	v2 =	vld [tilespmem:$0x1200];
	[tilespmem:$0x1080] =	vst v1  }
0x73: {  	[tilespmem:v6+s11+$0x0] =	vst.idx.add.s32.msk $0xffff, v0  }
0x74: {  	v6 =	vld [tilespmem:$0x210];
	_ =	sdelay $0x7  }
0x75: {  	[tilespmem:v6+s11+$0x0] =	vst.idx.add.s32.msk $0xffff, v0  }
0x76: {  	v6 =	vld [tilespmem:$0x220];
	_ =	sdelay $0x7  }
0x77: {  	[tilespmem:v6+s11+$0x0] =	vst.idx.add.s32.msk $0xffff, v0  }
0x78: {  	v6 =	vld [tilespmem:$0x230];
	_ =	sdelay $0x7  }
0x79: {  	[tilespmem:v6+s11+$0x0] =	vst.idx.add.s32.msk $0xffff, v0  }
0x7a: {  	v6 =	vld [tilespmem:$0x240];
	_ =	sdelay $0x7  }
0x7b: {  	[tilespmem:v6+s11+$0x0] =	vst.idx.add.s32.msk $0xffff, v0  }
0x7c: {  	v6 =	vld [tilespmem:$0x250];
	_ =	sdelay $0x7  }
0x7d: {  	[tilespmem:v6+s11+$0x0] =	vst.idx.add.s32.msk $0xffff, v0  }
0x7e: {  	v6 =	vld [tilespmem:$0x260];
	_ =	sdelay $0x7  }
0x7f: {  	[tilespmem:v6+s11+$0x0] =	vst.idx.add.s32.msk $0xffff, v0  }
0x80: {  	v6 =	vld [tilespmem:$0x270];
	_ =	sdelay $0x7  }
0x81: {  	[tilespmem:v6+s11+$0x0] =	vst.idx.add.s32.msk $0xffff, v0  }
0x82: {  	v6 =	vld [tilespmem:$0x280];
	_ =	sdelay $0x6  }
0x83: {  	[tilespmem:$0x1100] =	vst v1  }
0x84: {  	[tilespmem:v6+s12+$0x0] =	vst.idx.add.s32.msk $0xffff, v0  }
0x85: {  	v6 =	vld [tilespmem:$0x290];
	_ =	sdelay $0x7  }
0x86: {  	[tilespmem:v6+s12+$0x0] =	vst.idx.add.s32.msk $0xffff, v0  }
0x87: {  	v6 =	vld [tilespmem:$0x2A0];
	_ =	sdelay $0x7  }
0x88: {  	[tilespmem:v6+s12+$0x0] =	vst.idx.add.s32.msk $0xffff, v0  }
0x89: {  	v6 =	vld [tilespmem:$0x2B0];
	_ =	sdelay $0x7  }
0x8a: {  	[tilespmem:v6+s12+$0x0] =	vst.idx.add.s32.msk $0xffff, v0  }
0x8b: {  	v6 =	vld [tilespmem:$0x2C0];
	_ =	sdelay $0x7  }
0x8c: {  	[tilespmem:v6+s12+$0x0] =	vst.idx.add.s32.msk $0xffff, v0  }
0x8d: {  	v6 =	vld [tilespmem:$0x2D0];
	_ =	sdelay $0x7  }
0x8e: {  	[tilespmem:v6+s12+$0x0] =	vst.idx.add.s32.msk $0xffff, v0  }
0x8f: {  	v6 =	vld [tilespmem:$0x2E0];
	_ =	sdelay $0x7  }
0x90: {  	[tilespmem:v6+s12+$0x0] =	vst.idx.add.s32.msk $0xffff, v0  }
0x91: {  	v6 =	vld [tilespmem:$0x2F0];
	_ =	sdelay $0x7  }
0x92: {  	[tilespmem:v6+s12+$0x0] =	vst.idx.add.s32.msk $0xffff, v0  }
0x93: {  	v6 =	vld [tilespmem:$0x300];
	_ =	sdelay $0x6  }
0x94: {  	[tilespmem:$0x1180] =	vst v1  }
0x95: {  	[tilespmem:v6+s13+$0x0] =	vst.idx.add.s32.msk $0xffff, v0  }
0x96: {  	v6 =	vld [tilespmem:$0x310];
	_ =	sdelay $0x7  }
0x97: {  	[tilespmem:v6+s13+$0x0] =	vst.idx.add.s32.msk $0xffff, v0  }
0x98: {  	v6 =	vld [tilespmem:$0x320];
	_ =	sdelay $0x7  }
0x99: {  	[tilespmem:v6+s13+$0x0] =	vst.idx.add.s32.msk $0xffff, v0  }
0x9a: {  	v6 =	vld [tilespmem:$0x330];
	_ =	sdelay $0x7  }
0x9b: {  	[tilespmem:v6+s13+$0x0] =	vst.idx.add.s32.msk $0xffff, v0  }
0x9c: {  	v6 =	vld [tilespmem:$0x340];
	_ =	sdelay $0x7  }
0x9d: {  	[tilespmem:v6+s13+$0x0] =	vst.idx.add.s32.msk $0xffff, v0  }
0x9e: {  	v6 =	vld [tilespmem:$0x350];
	_ =	sdelay $0x7  }
0x9f: {  	[tilespmem:v6+s13+$0x0] =	vst.idx.add.s32.msk $0xffff, v0  }
0xa0: {  	v6 =	vld [tilespmem:$0x360];
	_ =	sdelay $0x7  }
0xa1: {  	[tilespmem:v6+s13+$0x0] =	vst.idx.add.s32.msk $0xffff, v0  }
0xa2: {  	v6 =	vld [tilespmem:$0x370];
	_ =	sdelay $0x7  }
0xa3: {  	[tilespmem:v6+s13+$0x0] =	vst.idx.add.s32.msk $0xffff, v0  }
0xa4: {  	v6 =	vld [tilespmem:$0x380];
	_ =	sdelay $0x6  }
0xa5: {  	[tilespmem:$0x1200] =	vst v1  }
0xa6: {  	[tilespmem:v6+s14+$0x0] =	vst.idx.add.s32.msk $0xffff, v0  }
0xa7: {  	v6 =	vld [tilespmem:$0x390];
	_ =	sdelay $0x7  }
0xa8: {  	[tilespmem:v6+s14+$0x0] =	vst.idx.add.s32.msk $0xffff, v0  }
0xa9: {  	v6 =	vld [tilespmem:$0x3A0];
	_ =	sdelay $0x7  }
0xaa: {  	[tilespmem:v6+s14+$0x0] =	vst.idx.add.s32.msk $0xffff, v0  }
0xab: {  	v6 =	vld [tilespmem:$0x3B0];
	_ =	sdelay $0x7  }
0xac: {  	[tilespmem:v6+s14+$0x0] =	vst.idx.add.s32.msk $0xffff, v0  }
0xad: {  	v6 =	vld [tilespmem:$0x3C0];
	_ =	sdelay $0x7  }
0xae: {  	[tilespmem:v6+s14+$0x0] =	vst.idx.add.s32.msk $0xffff, v0  }
0xaf: {  	v6 =	vld [tilespmem:$0x3D0];
	_ =	sdelay $0x7  }
0xb0: {  	[tilespmem:v6+s14+$0x0] =	vst.idx.add.s32.msk $0xffff, v0  }
0xb1: {  	v6 =	vld [tilespmem:$0x3E0];
	_ =	sdelay $0x7  }
0xb2: {  	[tilespmem:v6+s14+$0x0] =	vst.idx.add.s32.msk $0xffff, v0  }
0xb3: {  	v6 =	vld [tilespmem:$0x3F0];
	_ =	sdelay $0x7  }
0xb4: {  	[tilespmem:v6+s14+$0x0] =	vst.idx.add.s32.msk $0xffff, v0  }
0xb5: {  	v10 =	vld [tilespmem:$0x400];
	_ =	sdelay $0x3  }
0xb6: {  	v9 =	vld [tilespmem:$0x1080]  }
0xb7: {  	v8 =	vld [tilespmem:$0x1100]  }
0xb8: {  	v7 =	vld [tilespmem:$0x1180]  }
0xb9: {  	v6 =	vld [tilespmem:$0x1200];
	[tilespmem:$0x1080] =	vst v1  }
0xba: {  	[tilespmem:v10+s11+$0x0] =	vst.idx.add.s32.msk $0xffff, v0  }
0xbb: {  	v10 =	vld [tilespmem:$0x410];
	_ =	sdelay $0x7  }
0xbc: {  	[tilespmem:v10+s11+$0x0] =	vst.idx.add.s32.msk $0xffff, v0  }
0xbd: {  	v10 =	vld [tilespmem:$0x420];
	_ =	sdelay $0x7  }
0xbe: {  	[tilespmem:v10+s11+$0x0] =	vst.idx.add.s32.msk $0xffff, v0  }
0xbf: {  	v10 =	vld [tilespmem:$0x430];
	_ =	sdelay $0x7  }
0xc0: {  	[tilespmem:v10+s11+$0x0] =	vst.idx.add.s32.msk $0xffff, v0  }
0xc1: {  	v10 =	vld [tilespmem:$0x440];
	_ =	sdelay $0x7  }
0xc2: {  	[tilespmem:v10+s11+$0x0] =	vst.idx.add.s32.msk $0xffff, v0  }
0xc3: {  	v10 =	vld [tilespmem:$0x450];
	_ =	sdelay $0x7  }
0xc4: {  	[tilespmem:v10+s11+$0x0] =	vst.idx.add.s32.msk $0xffff, v0  }
0xc5: {  	v10 =	vld [tilespmem:$0x460];
	_ =	sdelay $0x7  }
0xc6: {  	[tilespmem:v10+s11+$0x0] =	vst.idx.add.s32.msk $0xffff, v0  }
0xc7: {  	v10 =	vld [tilespmem:$0x470];
	_ =	sdelay $0x7  }
0xc8: {  	[tilespmem:v10+s11+$0x0] =	vst.idx.add.s32.msk $0xffff, v0  }
0xc9: {  	v10 =	vld [tilespmem:$0x480];
	_ =	sdelay $0x6  }
0xca: {  	[tilespmem:$0x1100] =	vst v1  }
0xcb: {  	[tilespmem:v10+s12+$0x0] =	vst.idx.add.s32.msk $0xffff, v0  }
0xcc: {  	v10 =	vld [tilespmem:$0x490];
	_ =	sdelay $0x7  }
0xcd: {  	[tilespmem:v10+s12+$0x0] =	vst.idx.add.s32.msk $0xffff, v0  }
0xce: {  	v10 =	vld [tilespmem:$0x4A0];
	_ =	sdelay $0x7  }
0xcf: {  	[tilespmem:v10+s12+$0x0] =	vst.idx.add.s32.msk $0xffff, v0  }
0xd0: {  	v10 =	vld [tilespmem:$0x4B0];
	_ =	sdelay $0x7  }
0xd1: {  	[tilespmem:v10+s12+$0x0] =	vst.idx.add.s32.msk $0xffff, v0  }
0xd2: {  	v10 =	vld [tilespmem:$0x4C0];
	_ =	sdelay $0x7  }
0xd3: {  	[tilespmem:v10+s12+$0x0] =	vst.idx.add.s32.msk $0xffff, v0  }
0xd4: {  	v10 =	vld [tilespmem:$0x4D0];
	_ =	sdelay $0x7  }
0xd5: {  	[tilespmem:v10+s12+$0x0] =	vst.idx.add.s32.msk $0xffff, v0  }
0xd6: {  	v10 =	vld [tilespmem:$0x4E0];
	_ =	sdelay $0x7  }
0xd7: {  	[tilespmem:v10+s12+$0x0] =	vst.idx.add.s32.msk $0xffff, v0  }
0xd8: {  	v10 =	vld [tilespmem:$0x4F0];
	_ =	sdelay $0x7  }
0xd9: {  	[tilespmem:v10+s12+$0x0] =	vst.idx.add.s32.msk $0xffff, v0  }
0xda: {  	v10 =	vld [tilespmem:$0x500];
	_ =	sdelay $0x6  }
0xdb: {  	[tilespmem:$0x1180] =	vst v1  }
0xdc: {  	[tilespmem:v10+s13+$0x0] =	vst.idx.add.s32.msk $0xffff, v0  }
0xdd: {  	v10 =	vld [tilespmem:$0x510];
	_ =	sdelay $0x7  }
0xde: {  	[tilespmem:v10+s13+$0x0] =	vst.idx.add.s32.msk $0xffff, v0  }
0xdf: {  	v10 =	vld [tilespmem:$0x520];
	_ =	sdelay $0x7  }
0xe0: {  	[tilespmem:v10+s13+$0x0] =	vst.idx.add.s32.msk $0xffff, v0  }
0xe1: {  	v10 =	vld [tilespmem:$0x530];
	_ =	sdelay $0x7  }
0xe2: {  	[tilespmem:v10+s13+$0x0] =	vst.idx.add.s32.msk $0xffff, v0  }
0xe3: {  	v10 =	vld [tilespmem:$0x540];
	_ =	sdelay $0x7  }
0xe4: {  	[tilespmem:v10+s13+$0x0] =	vst.idx.add.s32.msk $0xffff, v0  }
0xe5: {  	v10 =	vld [tilespmem:$0x550];
	_ =	sdelay $0x7  }
0xe6: {  	[tilespmem:v10+s13+$0x0] =	vst.idx.add.s32.msk $0xffff, v0  }
0xe7: {  	v10 =	vld [tilespmem:$0x560];
	_ =	sdelay $0x7  }
0xe8: {  	[tilespmem:v10+s13+$0x0] =	vst.idx.add.s32.msk $0xffff, v0  }
0xe9: {  	v10 =	vld [tilespmem:$0x570];
	_ =	sdelay $0x7  }
0xea: {  	[tilespmem:v10+s13+$0x0] =	vst.idx.add.s32.msk $0xffff, v0  }
0xeb: {  	v10 =	vld [tilespmem:$0x580];
	_ =	sdelay $0x6  }
0xec: {  	[tilespmem:$0x1200] =	vst v1  }
0xed: {  	[tilespmem:v10+s14+$0x0] =	vst.idx.add.s32.msk $0xffff, v0  }
0xee: {  	v10 =	vld [tilespmem:$0x590];
	_ =	sdelay $0x7  }
0xef: {  	[tilespmem:v10+s14+$0x0] =	vst.idx.add.s32.msk $0xffff, v0  }
0xf0: {  	v10 =	vld [tilespmem:$0x5A0];
	_ =	sdelay $0x7  }
0xf1: {  	[tilespmem:v10+s14+$0x0] =	vst.idx.add.s32.msk $0xffff, v0  }
0xf2: {  	v10 =	vld [tilespmem:$0x5B0];
	_ =	sdelay $0x7  }
0xf3: {  	[tilespmem:v10+s14+$0x0] =	vst.idx.add.s32.msk $0xffff, v0  }
0xf4: {  	v10 =	vld [tilespmem:$0x5C0];
	_ =	sdelay $0x7  }
0xf5: {  	[tilespmem:v10+s14+$0x0] =	vst.idx.add.s32.msk $0xffff, v0  }
0xf6: {  	v10 =	vld [tilespmem:$0x5D0];
	_ =	sdelay $0x7  }
0xf7: {  	[tilespmem:v10+s14+$0x0] =	vst.idx.add.s32.msk $0xffff, v0  }
0xf8: {  	v10 =	vld [tilespmem:$0x5E0];
	_ =	sdelay $0x7  }
0xf9: {  	[tilespmem:v10+s14+$0x0] =	vst.idx.add.s32.msk $0xffff, v0  }
0xfa: {  	v10 =	vld [tilespmem:$0x5F0];
	_ =	sdelay $0x7  }
0xfb: {  	[tilespmem:v10+s14+$0x0] =	vst.idx.add.s32.msk $0xffff, v0  }
0xfc: {  	v14 =	vld [tilespmem:$0x600];
	_ =	sdelay $0x3  }
0xfd: {  	v13 =	vld [tilespmem:$0x1080]  }
0xfe: {  	v12 =	vld [tilespmem:$0x1100]  }
0xff: {  	v11 =	vld [tilespmem:$0x1180]  }
0x100: {  	v10 =	vld [tilespmem:$0x1200];
	[tilespmem:$0x1080] =	vst v1  }
0x101: {  	[tilespmem:v14+s11+$0x0] =	vst.idx.add.s32.msk $0xffff, v0  }
0x102: {  	v14 =	vld [tilespmem:$0x610];
	_ =	sdelay $0x7  }
0x103: {  	[tilespmem:v14+s11+$0x0] =	vst.idx.add.s32.msk $0xffff, v0  }
0x104: {  	v14 =	vld [tilespmem:$0x620];
	_ =	sdelay $0x7  }
0x105: {  	[tilespmem:v14+s11+$0x0] =	vst.idx.add.s32.msk $0xffff, v0  }
0x106: {  	v14 =	vld [tilespmem:$0x630];
	_ =	sdelay $0x7  }
0x107: {  	[tilespmem:v14+s11+$0x0] =	vst.idx.add.s32.msk $0xffff, v0  }
0x108: {  	v14 =	vld [tilespmem:$0x640];
	_ =	sdelay $0x7  }
0x109: {  	[tilespmem:v14+s11+$0x0] =	vst.idx.add.s32.msk $0xffff, v0  }
0x10a: {  	v14 =	vld [tilespmem:$0x650];
	_ =	sdelay $0x7  }
0x10b: {  	[tilespmem:v14+s11+$0x0] =	vst.idx.add.s32.msk $0xffff, v0  }
0x10c: {  	v14 =	vld [tilespmem:$0x660];
	_ =	sdelay $0x7  }
0x10d: {  	[tilespmem:v14+s11+$0x0] =	vst.idx.add.s32.msk $0xffff, v0  }
0x10e: {  	v14 =	vld [tilespmem:$0x670];
	_ =	sdelay $0x7  }
0x10f: {  	[tilespmem:v14+s11+$0x0] =	vst.idx.add.s32.msk $0xffff, v0  }
0x110: {  	v14 =	vld [tilespmem:$0x680];
	_ =	sdelay $0x6  }
0x111: {  	[tilespmem:$0x1100] =	vst v1  }
0x112: {  	[tilespmem:v14+s12+$0x0] =	vst.idx.add.s32.msk $0xffff, v0  }
0x113: {  	v14 =	vld [tilespmem:$0x690];
	_ =	sdelay $0x7  }
0x114: {  	[tilespmem:v14+s12+$0x0] =	vst.idx.add.s32.msk $0xffff, v0  }
0x115: {  	v14 =	vld [tilespmem:$0x6A0];
	_ =	sdelay $0x7  }
0x116: {  	[tilespmem:v14+s12+$0x0] =	vst.idx.add.s32.msk $0xffff, v0  }
0x117: {  	v14 =	vld [tilespmem:$0x6B0];
	_ =	sdelay $0x7  }
0x118: {  	[tilespmem:v14+s12+$0x0] =	vst.idx.add.s32.msk $0xffff, v0  }
0x119: {  	v14 =	vld [tilespmem:$0x6C0];
	_ =	sdelay $0x7  }
0x11a: {  	[tilespmem:v14+s12+$0x0] =	vst.idx.add.s32.msk $0xffff, v0  }
0x11b: {  	v14 =	vld [tilespmem:$0x6D0];
	_ =	sdelay $0x7  }
0x11c: {  	[tilespmem:v14+s12+$0x0] =	vst.idx.add.s32.msk $0xffff, v0  }
0x11d: {  	v14 =	vld [tilespmem:$0x6E0];
	_ =	sdelay $0x7  }
0x11e: {  	[tilespmem:v14+s12+$0x0] =	vst.idx.add.s32.msk $0xffff, v0  }
0x11f: {  	v14 =	vld [tilespmem:$0x6F0];
	_ =	sdelay $0x7  }
0x120: {  	[tilespmem:v14+s12+$0x0] =	vst.idx.add.s32.msk $0xffff, v0  }
0x121: {  	v14 =	vld [tilespmem:$0x700];
	_ =	sdelay $0x6  }
0x122: {  	[tilespmem:$0x1180] =	vst v1  }
0x123: {  	[tilespmem:v14+s13+$0x0] =	vst.idx.add.s32.msk $0xffff, v0  }
0x124: {  	v14 =	vld [tilespmem:$0x710];
	_ =	sdelay $0x7  }
0x125: {  	[tilespmem:v14+s13+$0x0] =	vst.idx.add.s32.msk $0xffff, v0  }
0x126: {  	v14 =	vld [tilespmem:$0x720];
	_ =	sdelay $0x7  }
0x127: {  	[tilespmem:v14+s13+$0x0] =	vst.idx.add.s32.msk $0xffff, v0  }
0x128: {  	v14 =	vld [tilespmem:$0x730];
	_ =	sdelay $0x7  }
0x129: {  	[tilespmem:v14+s13+$0x0] =	vst.idx.add.s32.msk $0xffff, v0  }
0x12a: {  	v14 =	vld [tilespmem:$0x740];
	_ =	sdelay $0x7  }
0x12b: {  	[tilespmem:v14+s13+$0x0] =	vst.idx.add.s32.msk $0xffff, v0  }
0x12c: {  	v14 =	vld [tilespmem:$0x750];
	_ =	sdelay $0x7  }
0x12d: {  	[tilespmem:v14+s13+$0x0] =	vst.idx.add.s32.msk $0xffff, v0  }
0x12e: {  	v14 =	vld [tilespmem:$0x760];
	_ =	sdelay $0x7  }
0x12f: {  	[tilespmem:v14+s13+$0x0] =	vst.idx.add.s32.msk $0xffff, v0  }
0x130: {  	v14 =	vld [tilespmem:$0x770];
	_ =	sdelay $0x7  }
0x131: {  	[tilespmem:v14+s13+$0x0] =	vst.idx.add.s32.msk $0xffff, v0  }
0x132: {  	v14 =	vld [tilespmem:$0x780];
	_ =	sdelay $0x6  }
0x133: {  	[tilespmem:$0x1200] =	vst v1  }
0x134: {  	[tilespmem:v14+s14+$0x0] =	vst.idx.add.s32.msk $0xffff, v0  }
0x135: {  	v14 =	vld [tilespmem:$0x790];
	_ =	sdelay $0x7  }
0x136: {  	[tilespmem:v14+s14+$0x0] =	vst.idx.add.s32.msk $0xffff, v0  }
0x137: {  	v14 =	vld [tilespmem:$0x7A0];
	_ =	sdelay $0x7  }
0x138: {  	[tilespmem:v14+s14+$0x0] =	vst.idx.add.s32.msk $0xffff, v0  }
0x139: {  	v14 =	vld [tilespmem:$0x7B0];
	_ =	sdelay $0x7  }
0x13a: {  	[tilespmem:v14+s14+$0x0] =	vst.idx.add.s32.msk $0xffff, v0  }
0x13b: {  	v14 =	vld [tilespmem:$0x7C0];
	_ =	sdelay $0x7  }
0x13c: {  	[tilespmem:v14+s14+$0x0] =	vst.idx.add.s32.msk $0xffff, v0  }
0x13d: {  	v14 =	vld [tilespmem:$0x7D0];
	_ =	sdelay $0x7  }
0x13e: {  	[tilespmem:v14+s14+$0x0] =	vst.idx.add.s32.msk $0xffff, v0  }
0x13f: {  	v14 =	vld [tilespmem:$0x7E0];
	_ =	sdelay $0x7  }
0x140: {  	[tilespmem:v14+s14+$0x0] =	vst.idx.add.s32.msk $0xffff, v0  }
0x141: {  	v14 =	vld [tilespmem:$0x7F0];
	_ =	sdelay $0x7  }
0x142: {  	[tilespmem:v14+s14+$0x0] =	vst.idx.add.s32.msk $0xffff, v0  }
0x143: {  	v18 =	vld [tilespmem:$0x800];
	_ =	sdelay $0x3  }
0x144: {  	v17 =	vld [tilespmem:$0x1080]  }
0x145: {  	v16 =	vld [tilespmem:$0x1100]  }
0x146: {  	v15 =	vld [tilespmem:$0x1180]  }
0x147: {  	v14 =	vld [tilespmem:$0x1200];
	[tilespmem:$0x1080] =	vst v1  }
0x148: {  	[tilespmem:v18+s11+$0x0] =	vst.idx.add.s32.msk $0xffff, v0  }
0x149: {  	v18 =	vld [tilespmem:$0x810];
	_ =	sdelay $0x7  }
0x14a: {  	[tilespmem:v18+s11+$0x0] =	vst.idx.add.s32.msk $0xffff, v0  }
0x14b: {  	v18 =	vld [tilespmem:$0x820];
	_ =	sdelay $0x7  }
0x14c: {  	[tilespmem:v18+s11+$0x0] =	vst.idx.add.s32.msk $0xffff, v0  }
0x14d: {  	v18 =	vld [tilespmem:$0x830];
	_ =	sdelay $0x7  }
0x14e: {  	[tilespmem:v18+s11+$0x0] =	vst.idx.add.s32.msk $0xffff, v0  }
0x14f: {  	v18 =	vld [tilespmem:$0x840];
	_ =	sdelay $0x7  }
0x150: {  	[tilespmem:v18+s11+$0x0] =	vst.idx.add.s32.msk $0xffff, v0  }
0x151: {  	v18 =	vld [tilespmem:$0x850];
	_ =	sdelay $0x7  }
0x152: {  	[tilespmem:v18+s11+$0x0] =	vst.idx.add.s32.msk $0xffff, v0  }
0x153: {  	v18 =	vld [tilespmem:$0x860];
	_ =	sdelay $0x7  }
0x154: {  	[tilespmem:v18+s11+$0x0] =	vst.idx.add.s32.msk $0xffff, v0  }
0x155: {  	v18 =	vld [tilespmem:$0x870];
	_ =	sdelay $0x7  }
0x156: {  	[tilespmem:v18+s11+$0x0] =	vst.idx.add.s32.msk $0xffff, v0  }
0x157: {  	v18 =	vld [tilespmem:$0x880];
	_ =	sdelay $0x6  }
0x158: {  	[tilespmem:$0x1100] =	vst v1  }
0x159: {  	[tilespmem:v18+s12+$0x0] =	vst.idx.add.s32.msk $0xffff, v0  }
0x15a: {  	v18 =	vld [tilespmem:$0x890];
	_ =	sdelay $0x7  }
0x15b: {  	[tilespmem:v18+s12+$0x0] =	vst.idx.add.s32.msk $0xffff, v0  }
0x15c: {  	v18 =	vld [tilespmem:$0x8A0];
	_ =	sdelay $0x7  }
0x15d: {  	[tilespmem:v18+s12+$0x0] =	vst.idx.add.s32.msk $0xffff, v0  }
0x15e: {  	v18 =	vld [tilespmem:$0x8B0];
	_ =	sdelay $0x7  }
0x15f: {  	[tilespmem:v18+s12+$0x0] =	vst.idx.add.s32.msk $0xffff, v0  }
0x160: {  	v18 =	vld [tilespmem:$0x8C0];
	_ =	sdelay $0x7  }
0x161: {  	[tilespmem:v18+s12+$0x0] =	vst.idx.add.s32.msk $0xffff, v0  }
0x162: {  	v18 =	vld [tilespmem:$0x8D0];
	_ =	sdelay $0x7  }
0x163: {  	[tilespmem:v18+s12+$0x0] =	vst.idx.add.s32.msk $0xffff, v0  }
0x164: {  	v18 =	vld [tilespmem:$0x8E0];
	_ =	sdelay $0x7  }
0x165: {  	[tilespmem:v18+s12+$0x0] =	vst.idx.add.s32.msk $0xffff, v0  }
0x166: {  	v18 =	vld [tilespmem:$0x8F0];
	_ =	sdelay $0x7  }
0x167: {  	[tilespmem:v18+s12+$0x0] =	vst.idx.add.s32.msk $0xffff, v0  }
0x168: {  	v18 =	vld [tilespmem:$0x900];
	_ =	sdelay $0x6  }
0x169: {  	[tilespmem:$0x1180] =	vst v1  }
0x16a: {  	[tilespmem:v18+s13+$0x0] =	vst.idx.add.s32.msk $0xffff, v0  }
0x16b: {  	v18 =	vld [tilespmem:$0x910];
	_ =	sdelay $0x7  }
0x16c: {  	[tilespmem:v18+s13+$0x0] =	vst.idx.add.s32.msk $0xffff, v0  }
0x16d: {  	v18 =	vld [tilespmem:$0x920];
	_ =	sdelay $0x7  }
0x16e: {  	[tilespmem:v18+s13+$0x0] =	vst.idx.add.s32.msk $0xffff, v0  }
0x16f: {  	v18 =	vld [tilespmem:$0x930];
	_ =	sdelay $0x7  }
0x170: {  	[tilespmem:v18+s13+$0x0] =	vst.idx.add.s32.msk $0xffff, v0  }
0x171: {  	v18 =	vld [tilespmem:$0x940];
	_ =	sdelay $0x7  }
0x172: {  	[tilespmem:v18+s13+$0x0] =	vst.idx.add.s32.msk $0xffff, v0  }
0x173: {  	v18 =	vld [tilespmem:$0x950];
	_ =	sdelay $0x7  }
0x174: {  	[tilespmem:v18+s13+$0x0] =	vst.idx.add.s32.msk $0xffff, v0  }
0x175: {  	v18 =	vld [tilespmem:$0x960];
	_ =	sdelay $0x7  }
0x176: {  	[tilespmem:v18+s13+$0x0] =	vst.idx.add.s32.msk $0xffff, v0  }
0x177: {  	v18 =	vld [tilespmem:$0x970];
	_ =	sdelay $0x7  }
0x178: {  	[tilespmem:v18+s13+$0x0] =	vst.idx.add.s32.msk $0xffff, v0  }
0x179: {  	v18 =	vld [tilespmem:$0x980];
	_ =	sdelay $0x6  }
0x17a: {  	[tilespmem:$0x1200] =	vst v1  }
0x17b: {  	[tilespmem:v18+s14+$0x0] =	vst.idx.add.s32.msk $0xffff, v0  }
0x17c: {  	v18 =	vld [tilespmem:$0x990];
	_ =	sdelay $0x7  }
0x17d: {  	[tilespmem:v18+s14+$0x0] =	vst.idx.add.s32.msk $0xffff, v0  }
0x17e: {  	v18 =	vld [tilespmem:$0x9A0];
	_ =	sdelay $0x7  }
0x17f: {  	[tilespmem:v18+s14+$0x0] =	vst.idx.add.s32.msk $0xffff, v0  }
0x180: {  	v18 =	vld [tilespmem:$0x9B0];
	_ =	sdelay $0x7  }
0x181: {  	[tilespmem:v18+s14+$0x0] =	vst.idx.add.s32.msk $0xffff, v0  }
0x182: {  	v18 =	vld [tilespmem:$0x9C0];
	_ =	sdelay $0x7  }
0x183: {  	[tilespmem:v18+s14+$0x0] =	vst.idx.add.s32.msk $0xffff, v0  }
0x184: {  	v18 =	vld [tilespmem:$0x9D0];
	_ =	sdelay $0x7  }
0x185: {  	[tilespmem:v18+s14+$0x0] =	vst.idx.add.s32.msk $0xffff, v0  }
0x186: {  	v18 =	vld [tilespmem:$0x9E0];
	_ =	sdelay $0x7  }
0x187: {  	[tilespmem:v18+s14+$0x0] =	vst.idx.add.s32.msk $0xffff, v0  }
0x188: {  	v18 =	vld [tilespmem:$0x9F0];
	_ =	sdelay $0x7  }
0x189: {  	[tilespmem:v18+s14+$0x0] =	vst.idx.add.s32.msk $0xffff, v0  }
0x18a: {  	v22 =	vld [tilespmem:$0xA00];
	_ =	sdelay $0x3  }
0x18b: {  	v21 =	vld [tilespmem:$0x1080]  }
0x18c: {  	v20 =	vld [tilespmem:$0x1100]  }
0x18d: {  	v19 =	vld [tilespmem:$0x1180]  }
0x18e: {  	v18 =	vld [tilespmem:$0x1200];
	[tilespmem:$0x1080] =	vst v1  }
0x18f: {  	[tilespmem:v22+s11+$0x0] =	vst.idx.add.s32.msk $0xffff, v0  }
0x190: {  	v22 =	vld [tilespmem:$0xA10];
	_ =	sdelay $0x7  }
0x191: {  	[tilespmem:v22+s11+$0x0] =	vst.idx.add.s32.msk $0xffff, v0  }
0x192: {  	v22 =	vld [tilespmem:$0xA20];
	_ =	sdelay $0x7  }
0x193: {  	[tilespmem:v22+s11+$0x0] =	vst.idx.add.s32.msk $0xffff, v0  }
0x194: {  	v22 =	vld [tilespmem:$0xA30];
	_ =	sdelay $0x7  }
0x195: {  	[tilespmem:v22+s11+$0x0] =	vst.idx.add.s32.msk $0xffff, v0  }
0x196: {  	v22 =	vld [tilespmem:$0xA40];
	_ =	sdelay $0x7  }
0x197: {  	[tilespmem:v22+s11+$0x0] =	vst.idx.add.s32.msk $0xffff, v0  }
0x198: {  	v22 =	vld [tilespmem:$0xA50];
	_ =	sdelay $0x7  }
0x199: {  	[tilespmem:v22+s11+$0x0] =	vst.idx.add.s32.msk $0xffff, v0  }
0x19a: {  	v22 =	vld [tilespmem:$0xA60];
	_ =	sdelay $0x7  }
0x19b: {  	[tilespmem:v22+s11+$0x0] =	vst.idx.add.s32.msk $0xffff, v0  }
0x19c: {  	v22 =	vld [tilespmem:$0xA70];
	_ =	sdelay $0x7  }
0x19d: {  	[tilespmem:v22+s11+$0x0] =	vst.idx.add.s32.msk $0xffff, v0  }
0x19e: {  	v22 =	vld [tilespmem:$0xA80];
	_ =	sdelay $0x6  }
0x19f: {  	[tilespmem:$0x1100] =	vst v1  }
0x1a0: {  	[tilespmem:v22+s12+$0x0] =	vst.idx.add.s32.msk $0xffff, v0  }
0x1a1: {  	v22 =	vld [tilespmem:$0xA90];
	_ =	sdelay $0x7  }
0x1a2: {  	[tilespmem:v22+s12+$0x0] =	vst.idx.add.s32.msk $0xffff, v0  }
0x1a3: {  	v22 =	vld [tilespmem:$0xAA0];
	_ =	sdelay $0x7  }
0x1a4: {  	[tilespmem:v22+s12+$0x0] =	vst.idx.add.s32.msk $0xffff, v0  }
0x1a5: {  	v22 =	vld [tilespmem:$0xAB0];
	_ =	sdelay $0x7  }
0x1a6: {  	[tilespmem:v22+s12+$0x0] =	vst.idx.add.s32.msk $0xffff, v0  }
0x1a7: {  	v22 =	vld [tilespmem:$0xAC0];
	_ =	sdelay $0x7  }
0x1a8: {  	[tilespmem:v22+s12+$0x0] =	vst.idx.add.s32.msk $0xffff, v0  }
0x1a9: {  	v22 =	vld [tilespmem:$0xAD0];
	_ =	sdelay $0x7  }
0x1aa: {  	[tilespmem:v22+s12+$0x0] =	vst.idx.add.s32.msk $0xffff, v0  }
0x1ab: {  	v22 =	vld [tilespmem:$0xAE0];
	_ =	sdelay $0x7  }
0x1ac: {  	[tilespmem:v22+s12+$0x0] =	vst.idx.add.s32.msk $0xffff, v0  }
0x1ad: {  	v22 =	vld [tilespmem:$0xAF0];
	_ =	sdelay $0x7  }
0x1ae: {  	[tilespmem:v22+s12+$0x0] =	vst.idx.add.s32.msk $0xffff, v0  }
0x1af: {  	v22 =	vld [tilespmem:$0xB00];
	_ =	sdelay $0x6  }
0x1b0: {  	[tilespmem:$0x1180] =	vst v1  }
0x1b1: {  	[tilespmem:v22+s13+$0x0] =	vst.idx.add.s32.msk $0xffff, v0  }
0x1b2: {  	v22 =	vld [tilespmem:$0xB10];
	_ =	sdelay $0x7  }
0x1b3: {  	[tilespmem:v22+s13+$0x0] =	vst.idx.add.s32.msk $0xffff, v0  }
0x1b4: {  	v22 =	vld [tilespmem:$0xB20];
	_ =	sdelay $0x7  }
0x1b5: {  	[tilespmem:v22+s13+$0x0] =	vst.idx.add.s32.msk $0xffff, v0  }
0x1b6: {  	v22 =	vld [tilespmem:$0xB30];
	_ =	sdelay $0x7  }
0x1b7: {  	[tilespmem:v22+s13+$0x0] =	vst.idx.add.s32.msk $0xffff, v0  }
0x1b8: {  	v22 =	vld [tilespmem:$0xB40];
	_ =	sdelay $0x7  }
0x1b9: {  	[tilespmem:v22+s13+$0x0] =	vst.idx.add.s32.msk $0xffff, v0  }
0x1ba: {  	v22 =	vld [tilespmem:$0xB50];
	_ =	sdelay $0x7  }
0x1bb: {  	[tilespmem:v22+s13+$0x0] =	vst.idx.add.s32.msk $0xffff, v0  }
0x1bc: {  	v22 =	vld [tilespmem:$0xB60];
	_ =	sdelay $0x7  }
0x1bd: {  	[tilespmem:v22+s13+$0x0] =	vst.idx.add.s32.msk $0xffff, v0  }
0x1be: {  	v22 =	vld [tilespmem:$0xB70];
	_ =	sdelay $0x7  }
0x1bf: {  	[tilespmem:v22+s13+$0x0] =	vst.idx.add.s32.msk $0xffff, v0  }
0x1c0: {  	v22 =	vld [tilespmem:$0xB80];
	_ =	sdelay $0x6  }
0x1c1: {  	[tilespmem:$0x1200] =	vst v1  }
0x1c2: {  	[tilespmem:v22+s14+$0x0] =	vst.idx.add.s32.msk $0xffff, v0  }
0x1c3: {  	v22 =	vld [tilespmem:$0xB90];
	_ =	sdelay $0x7  }
0x1c4: {  	[tilespmem:v22+s14+$0x0] =	vst.idx.add.s32.msk $0xffff, v0  }
0x1c5: {  	v22 =	vld [tilespmem:$0xBA0];
	_ =	sdelay $0x7  }
0x1c6: {  	[tilespmem:v22+s14+$0x0] =	vst.idx.add.s32.msk $0xffff, v0  }
0x1c7: {  	v22 =	vld [tilespmem:$0xBB0];
	_ =	sdelay $0x7  }
0x1c8: {  	[tilespmem:v22+s14+$0x0] =	vst.idx.add.s32.msk $0xffff, v0  }
0x1c9: {  	v22 =	vld [tilespmem:$0xBC0];
	_ =	sdelay $0x7  }
0x1ca: {  	[tilespmem:v22+s14+$0x0] =	vst.idx.add.s32.msk $0xffff, v0  }
0x1cb: {  	v22 =	vld [tilespmem:$0xBD0];
	_ =	sdelay $0x7  }
0x1cc: {  	[tilespmem:v22+s14+$0x0] =	vst.idx.add.s32.msk $0xffff, v0  }
0x1cd: {  	v22 =	vld [tilespmem:$0xBE0];
	_ =	sdelay $0x7  }
0x1ce: {  	[tilespmem:v22+s14+$0x0] =	vst.idx.add.s32.msk $0xffff, v0  }
0x1cf: {  	v22 =	vld [tilespmem:$0xBF0];
	_ =	sdelay $0x7  }
0x1d0: {  	[tilespmem:v22+s14+$0x0] =	vst.idx.add.s32.msk $0xffff, v0  }
0x1d1: {  	v26 =	vld [tilespmem:$0xC00];
	_ =	sdelay $0x3  }
0x1d2: {  	v25 =	vld [tilespmem:$0x1080]  }
0x1d3: {  	v24 =	vld [tilespmem:$0x1100]  }
0x1d4: {  	v23 =	vld [tilespmem:$0x1180]  }
0x1d5: {  	v22 =	vld [tilespmem:$0x1200];
	[tilespmem:$0x1080] =	vst v1  }
0x1d6: {  	[tilespmem:v26+s11+$0x0] =	vst.idx.add.s32.msk $0xffff, v0  }
0x1d7: {  	v26 =	vld [tilespmem:$0xC10];
	_ =	sdelay $0x7  }
0x1d8: {  	[tilespmem:v26+s11+$0x0] =	vst.idx.add.s32.msk $0xffff, v0  }
0x1d9: {  	v26 =	vld [tilespmem:$0xC20];
	_ =	sdelay $0x7  }
0x1da: {  	[tilespmem:v26+s11+$0x0] =	vst.idx.add.s32.msk $0xffff, v0  }
0x1db: {  	v26 =	vld [tilespmem:$0xC30];
	_ =	sdelay $0x7  }
0x1dc: {  	[tilespmem:v26+s11+$0x0] =	vst.idx.add.s32.msk $0xffff, v0  }
0x1dd: {  	v26 =	vld [tilespmem:$0xC40];
	_ =	sdelay $0x7  }
0x1de: {  	[tilespmem:v26+s11+$0x0] =	vst.idx.add.s32.msk $0xffff, v0  }
0x1df: {  	v26 =	vld [tilespmem:$0xC50];
	_ =	sdelay $0x7  }
0x1e0: {  	[tilespmem:v26+s11+$0x0] =	vst.idx.add.s32.msk $0xffff, v0  }
0x1e1: {  	v26 =	vld [tilespmem:$0xC60];
	_ =	sdelay $0x7  }
0x1e2: {  	[tilespmem:v26+s11+$0x0] =	vst.idx.add.s32.msk $0xffff, v0  }
0x1e3: {  	v26 =	vld [tilespmem:$0xC70];
	_ =	sdelay $0x7  }
0x1e4: {  	[tilespmem:v26+s11+$0x0] =	vst.idx.add.s32.msk $0xffff, v0  }
0x1e5: {  	v26 =	vld [tilespmem:$0xC80];
	_ =	sdelay $0x6  }
0x1e6: {  	[tilespmem:$0x1100] =	vst v1  }
0x1e7: {  	[tilespmem:v26+s12+$0x0] =	vst.idx.add.s32.msk $0xffff, v0  }
0x1e8: {  	v26 =	vld [tilespmem:$0xC90];
	_ =	sdelay $0x7  }
0x1e9: {  	[tilespmem:v26+s12+$0x0] =	vst.idx.add.s32.msk $0xffff, v0  }
0x1ea: {  	v26 =	vld [tilespmem:$0xCA0];
	_ =	sdelay $0x7  }
0x1eb: {  	[tilespmem:v26+s12+$0x0] =	vst.idx.add.s32.msk $0xffff, v0  }
0x1ec: {  	v26 =	vld [tilespmem:$0xCB0];
	_ =	sdelay $0x7  }
0x1ed: {  	[tilespmem:v26+s12+$0x0] =	vst.idx.add.s32.msk $0xffff, v0  }
0x1ee: {  	v26 =	vld [tilespmem:$0xCC0];
	_ =	sdelay $0x7  }
0x1ef: {  	[tilespmem:v26+s12+$0x0] =	vst.idx.add.s32.msk $0xffff, v0  }
0x1f0: {  	v26 =	vld [tilespmem:$0xCD0];
	_ =	sdelay $0x7  }
0x1f1: {  	[tilespmem:v26+s12+$0x0] =	vst.idx.add.s32.msk $0xffff, v0  }
0x1f2: {  	v26 =	vld [tilespmem:$0xCE0];
	_ =	sdelay $0x7  }
0x1f3: {  	[tilespmem:v26+s12+$0x0] =	vst.idx.add.s32.msk $0xffff, v0  }
0x1f4: {  	v26 =	vld [tilespmem:$0xCF0];
	_ =	sdelay $0x7  }
0x1f5: {  	[tilespmem:v26+s12+$0x0] =	vst.idx.add.s32.msk $0xffff, v0  }
0x1f6: {  	v26 =	vld [tilespmem:$0xD00];
	_ =	sdelay $0x6  }
0x1f7: {  	[tilespmem:$0x1180] =	vst v1  }
0x1f8: {  	[tilespmem:v26+s13+$0x0] =	vst.idx.add.s32.msk $0xffff, v0  }
0x1f9: {  	v26 =	vld [tilespmem:$0xD10];
	_ =	sdelay $0x7  }
0x1fa: {  	[tilespmem:v26+s13+$0x0] =	vst.idx.add.s32.msk $0xffff, v0  }
0x1fb: {  	v26 =	vld [tilespmem:$0xD20];
	_ =	sdelay $0x7  }
0x1fc: {  	[tilespmem:v26+s13+$0x0] =	vst.idx.add.s32.msk $0xffff, v0  }
0x1fd: {  	v26 =	vld [tilespmem:$0xD30];
	_ =	sdelay $0x7  }
0x1fe: {  	[tilespmem:v26+s13+$0x0] =	vst.idx.add.s32.msk $0xffff, v0  }
0x1ff: {  	v26 =	vld [tilespmem:$0xD40];
	_ =	sdelay $0x7  }
0x200: {  	[tilespmem:v26+s13+$0x0] =	vst.idx.add.s32.msk $0xffff, v0  }
0x201: {  	v26 =	vld [tilespmem:$0xD50];
	_ =	sdelay $0x7  }
0x202: {  	[tilespmem:v26+s13+$0x0] =	vst.idx.add.s32.msk $0xffff, v0  }
0x203: {  	v26 =	vld [tilespmem:$0xD60];
	_ =	sdelay $0x7  }
0x204: {  	[tilespmem:v26+s13+$0x0] =	vst.idx.add.s32.msk $0xffff, v0  }
0x205: {  	v26 =	vld [tilespmem:$0xD70];
	_ =	sdelay $0x7  }
0x206: {  	[tilespmem:v26+s13+$0x0] =	vst.idx.add.s32.msk $0xffff, v0  }
0x207: {  	v26 =	vld [tilespmem:$0xD80];
	_ =	sdelay $0x6  }
0x208: {  	[tilespmem:$0x1200] =	vst v1  }
0x209: {  	[tilespmem:v26+s14+$0x0] =	vst.idx.add.s32.msk $0xffff, v0  }
0x20a: {  	v26 =	vld [tilespmem:$0xD90];
	_ =	sdelay $0x7  }
0x20b: {  	[tilespmem:v26+s14+$0x0] =	vst.idx.add.s32.msk $0xffff, v0  }
0x20c: {  	v26 =	vld [tilespmem:$0xDA0];
	_ =	sdelay $0x7  }
0x20d: {  	[tilespmem:v26+s14+$0x0] =	vst.idx.add.s32.msk $0xffff, v0  }
0x20e: {  	v26 =	vld [tilespmem:$0xDB0];
	_ =	sdelay $0x7  }
0x20f: {  	[tilespmem:v26+s14+$0x0] =	vst.idx.add.s32.msk $0xffff, v0  }
0x210: {  	v26 =	vld [tilespmem:$0xDC0];
	_ =	sdelay $0x7  }
0x211: {  	[tilespmem:v26+s14+$0x0] =	vst.idx.add.s32.msk $0xffff, v0  }
0x212: {  	v26 =	vld [tilespmem:$0xDD0];
	_ =	sdelay $0x7  }
0x213: {  	[tilespmem:v26+s14+$0x0] =	vst.idx.add.s32.msk $0xffff, v0  }
0x214: {  	v26 =	vld [tilespmem:$0xDE0];
	_ =	sdelay $0x7  }
0x215: {  	[tilespmem:v26+s14+$0x0] =	vst.idx.add.s32.msk $0xffff, v0  }
0x216: {  	v26 =	vld [tilespmem:$0xDF0];
	_ =	sdelay $0x7  }
0x217: {  	[tilespmem:v26+s14+$0x0] =	vst.idx.add.s32.msk $0xffff, v0  }
0x218: {  	v30 =	vld [tilespmem:$0xE00];
	_ =	sdelay $0x3  }
0x219: {  	v29 =	vld [tilespmem:$0x1080]  }
0x21a: {  	v28 =	vld [tilespmem:$0x1100]  }
0x21b: {  	v27 =	vld [tilespmem:$0x1180]  }
0x21c: {  	v26 =	vld [tilespmem:$0x1200];
	[tilespmem:$0x1080] =	vst v1  }
0x21d: {  	[tilespmem:v30+s11+$0x0] =	vst.idx.add.s32.msk $0xffff, v0  }
0x21e: {  	v30 =	vld [tilespmem:$0xE10];
	_ =	sdelay $0x7  }
0x21f: {  	[tilespmem:v30+s11+$0x0] =	vst.idx.add.s32.msk $0xffff, v0  }
0x220: {  	v30 =	vld [tilespmem:$0xE20];
	_ =	sdelay $0x7  }
0x221: {  	[tilespmem:v30+s11+$0x0] =	vst.idx.add.s32.msk $0xffff, v0  }
0x222: {  	v30 =	vld [tilespmem:$0xE30];
	_ =	sdelay $0x7  }
0x223: {  	[tilespmem:v30+s11+$0x0] =	vst.idx.add.s32.msk $0xffff, v0  }
0x224: {  	v30 =	vld [tilespmem:$0xE40];
	_ =	sdelay $0x7  }
0x225: {  	[tilespmem:v30+s11+$0x0] =	vst.idx.add.s32.msk $0xffff, v0  }
0x226: {  	v30 =	vld [tilespmem:$0xE50];
	_ =	sdelay $0x7  }
0x227: {  	[tilespmem:v30+s11+$0x0] =	vst.idx.add.s32.msk $0xffff, v0  }
0x228: {  	v30 =	vld [tilespmem:$0xE60];
	_ =	sdelay $0x7  }
0x229: {  	[tilespmem:v30+s11+$0x0] =	vst.idx.add.s32.msk $0xffff, v0  }
0x22a: {  	v30 =	vld [tilespmem:$0xE70];
	_ =	sdelay $0x7  }
0x22b: {  	[tilespmem:v30+s11+$0x0] =	vst.idx.add.s32.msk $0xffff, v0  }
0x22c: {  	v30 =	vld [tilespmem:$0xE80];
	_ =	sdelay $0x6  }
0x22d: {  	[tilespmem:$0x1100] =	vst v1  }
0x22e: {  	[tilespmem:v30+s12+$0x0] =	vst.idx.add.s32.msk $0xffff, v0  }
0x22f: {  	v30 =	vld [tilespmem:$0xE90];
	_ =	sdelay $0x7  }
0x230: {  	[tilespmem:v30+s12+$0x0] =	vst.idx.add.s32.msk $0xffff, v0  }
0x231: {  	v30 =	vld [tilespmem:$0xEA0];
	_ =	sdelay $0x7  }
0x232: {  	[tilespmem:v30+s12+$0x0] =	vst.idx.add.s32.msk $0xffff, v0  }
0x233: {  	v30 =	vld [tilespmem:$0xEB0];
	_ =	sdelay $0x7  }
0x234: {  	[tilespmem:v30+s12+$0x0] =	vst.idx.add.s32.msk $0xffff, v0  }
0x235: {  	v30 =	vld [tilespmem:$0xEC0];
	_ =	sdelay $0x7  }
0x236: {  	[tilespmem:v30+s12+$0x0] =	vst.idx.add.s32.msk $0xffff, v0  }
0x237: {  	v30 =	vld [tilespmem:$0xED0];
	_ =	sdelay $0x7  }
0x238: {  	[tilespmem:v30+s12+$0x0] =	vst.idx.add.s32.msk $0xffff, v0  }
0x239: {  	v30 =	vld [tilespmem:$0xEE0];
	_ =	sdelay $0x7  }
0x23a: {  	[tilespmem:v30+s12+$0x0] =	vst.idx.add.s32.msk $0xffff, v0  }
0x23b: {  	v30 =	vld [tilespmem:$0xEF0];
	_ =	sdelay $0x7  }
0x23c: {  	[tilespmem:v30+s12+$0x0] =	vst.idx.add.s32.msk $0xffff, v0  }
0x23d: {  	v30 =	vld [tilespmem:$0xF00];
	_ =	sdelay $0x6  }
0x23e: {  	[tilespmem:$0x1180] =	vst v1  }
0x23f: {  	[tilespmem:v30+s13+$0x0] =	vst.idx.add.s32.msk $0xffff, v0  }
0x240: {  	v30 =	vld [tilespmem:$0xF10];
	_ =	sdelay $0x7  }
0x241: {  	[tilespmem:v30+s13+$0x0] =	vst.idx.add.s32.msk $0xffff, v0  }
0x242: {  	v30 =	vld [tilespmem:$0xF20];
	_ =	sdelay $0x7  }
0x243: {  	[tilespmem:v30+s13+$0x0] =	vst.idx.add.s32.msk $0xffff, v0  }
0x244: {  	v30 =	vld [tilespmem:$0xF30];
	_ =	sdelay $0x7  }
0x245: {  	[tilespmem:v30+s13+$0x0] =	vst.idx.add.s32.msk $0xffff, v0  }
0x246: {  	v30 =	vld [tilespmem:$0xF40];
	_ =	sdelay $0x7  }
0x247: {  	[tilespmem:v30+s13+$0x0] =	vst.idx.add.s32.msk $0xffff, v0  }
0x248: {  	v30 =	vld [tilespmem:$0xF50];
	_ =	sdelay $0x7  }
0x249: {  	[tilespmem:v30+s13+$0x0] =	vst.idx.add.s32.msk $0xffff, v0  }
0x24a: {  	v30 =	vld [tilespmem:$0xF60];
	_ =	sdelay $0x7  }
0x24b: {  	[tilespmem:v30+s13+$0x0] =	vst.idx.add.s32.msk $0xffff, v0  }
0x24c: {  	v30 =	vld [tilespmem:$0xF70];
	_ =	sdelay $0x1  }
0x24d: {  	v31 =	vadd.s32 v4, v5;
	v4 =	vsel vm14, $0x0, v4;
	v5 =	vnsel vm13, $0x0, v5  }
0x24e: {  	v31 =	vadd.s32 v3, v31;
	v4 =	vadd.s32 v4, v5;
	v3 =	vnsel vm12, $0x0, v3  }
0x24f: {  	v31 =	vadd.s32 v2, v31;
	v3 =	vadd.s32 v3, v4;
	v2 =	vnsel vm11, $0x0, v2  }
0x250: {  	v2 =	vadd.s32 v2, v3;
	v3 =	vnsel vm10, $0x0, v9  }
0x251: {  	v2 =	vadd.s32 v3, v2;
	v3 =	vnsel vm9, $0x0, v8  }
0x252: {  	v2 =	vadd.s32 v3, v2;
	v3 =	vnsel vm8, $0x0, v7  }
0x253: {  	v2 =	vadd.s32 v3, v2;
	v3 =	vnsel vm7, $0x0, v6;
	[tilespmem:v30+s13+$0x0] =	vst.idx.add.s32.msk $0xffff, v0  }
0x254: {  	v2 =	vadd.s32 v3, v2;
	v3 =	vnsel vm6, $0x0, v13;
	v30 =	vld [tilespmem:$0xF80]  }
0x255: {  	v2 =	vadd.s32 v3, v2;
	v3 =	vnsel vm5, $0x0, v12  }
0x256: {  	v2 =	vadd.s32 v3, v2;
	v3 =	vnsel vm4, $0x0, v11  }
0x257: {  	v2 =	vadd.s32 v3, v2;
	v3 =	vnsel vm3, $0x0, v10  }
0x258: {  	v2 =	vadd.s32 v3, v2;
	v3 =	vnsel vm2, $0x0, v17  }
0x259: {  	v2 =	vadd.s32 v3, v2;
	v3 =	vnsel vm1, $0x0, v16  }
0x25a: {  	v2 =	vadd.s32 v3, v2;
	v3 =	vnsel vm0, $0x0, v15  }
0x25b: {  	v2 =	vadd.s32 v3, v2;
	v3 =	vld [tilespmem:$0x1FFF0];
	[tilespmem:$0x1200] =	vst v1  }
0x25c: {  	[tilespmem:v30+s14+$0x0] =	vst.idx.add.s32.msk $0xffff, v0  }
0x25d: {  	v30 =	vld [tilespmem:$0xF90];
	_ =	sdelay $0x4  }
0x25e: {  	vm15 =	vnez.u8 v3  }
0x25f: {  	v3 =	vnsel vm15, $0x0, v14  }
0x260: {  	v2 =	vadd.s32 v3, v2;
	v3 =	vld [tilespmem:$0x1FFE0]  }
0x261: {  	[tilespmem:v30+s14+$0x0] =	vst.idx.add.s32.msk $0xffff, v0  }
0x262: {  	v30 =	vld [tilespmem:$0xFA0];
	_ =	sdelay $0x4  }
0x263: {  	vm15 =	vnez.u8 v3  }
0x264: {  	v3 =	vnsel vm15, $0x0, v21  }
0x265: {  	v2 =	vadd.s32 v3, v2;
	v3 =	vld [tilespmem:$0x1FFD0]  }
0x266: {  	[tilespmem:v30+s14+$0x0] =	vst.idx.add.s32.msk $0xffff, v0  }
0x267: {  	v30 =	vld [tilespmem:$0xFB0];
	_ =	sdelay $0x4  }
0x268: {  	vm15 =	vnez.u8 v3  }
0x269: {  	v3 =	vnsel vm15, $0x0, v20  }
0x26a: {  	v2 =	vadd.s32 v3, v2;
	v3 =	vld [tilespmem:$0x1FFC0]  }
0x26b: {  	[tilespmem:v30+s14+$0x0] =	vst.idx.add.s32.msk $0xffff, v0  }
0x26c: {  	v30 =	vld [tilespmem:$0xFC0];
	_ =	sdelay $0x4  }
0x26d: {  	vm15 =	vnez.u8 v3  }
0x26e: {  	v3 =	vnsel vm15, $0x0, v19  }
0x26f: {  	v2 =	vadd.s32 v3, v2;
	v3 =	vld [tilespmem:$0x1FFB0]  }
0x270: {  	[tilespmem:v30+s14+$0x0] =	vst.idx.add.s32.msk $0xffff, v0  }
0x271: {  	v30 =	vld [tilespmem:$0xFD0];
	_ =	sdelay $0x4  }
0x272: {  	vm15 =	vnez.u8 v3  }
0x273: {  	v3 =	vnsel vm15, $0x0, v18  }
0x274: {  	v2 =	vadd.s32 v3, v2;
	v3 =	vld [tilespmem:$0x1FFA0]  }
0x275: {  	v31 =	vadd.s32 v9, v31;
	[tilespmem:v30+s14+$0x0] =	vst.idx.add.s32.msk $0xffff, v0  }
0x276: {  	v39 =	vadd.s32 v8, v31;
	v40 =	vld [tilespmem:$0xFE0]  }
0x277: {  	v30 =	vadd.s32 v7, v39  }
0x278: {  	v30 =	vadd.s32 v6, v30  }
0x279: {  	v30 =	vadd.s32 v13, v30  }
0x27a: {  	v30 =	vadd.s32 v12, v30  }
0x27b: {  	vm15 =	vnez.u8 v3;
	v41 =	vadd.s32 v11, v30  }
0x27c: {  	v3 =	vnsel vm15, $0x0, v25;
	v42 =	vadd.s32 v10, v41  }
0x27d: {  	v2 =	vadd.s32 v3, v2;
	v3 =	vld [tilespmem:$0x1FF90];
	v4 =	vadd.s32 v17, v42  }
0x27e: {  	v4 =	vadd.s32 v16, v4;
	[tilespmem:v40+s14+$0x0] =	vst.idx.add.s32.msk $0xffff, v0  }
0x27f: {  	v4 =	vadd.s32 v15, v4;
	v43 =	vld [tilespmem:$0xFF0]  }
0x280: {  	v4 =	vadd.s32 v14, v4  }
0x281: {  	v4 =	vadd.s32 v21, v4  }
0x282: {  	v4 =	vadd.s32 v20, v4  }
0x283: {  	v4 =	vadd.s32 v19, v4  }
0x284: {  	v47 =	vld [tilespmem:$0x1FF70];
	vm15 =	vnez.u8 v3;
	v4 =	vadd.s32 v18, v4  }
0x285: {  	v48 =	vld [tilespmem:$0x1FF60];
	v3 =	vnsel vm15, $0x0, v24;
	v4 =	vadd.s32 v25, v4  }
0x286: {  	v2 =	vadd.s32 v3, v2;
	v3 =	vld [tilespmem:$0x1FF80];
	v4 =	vadd.s32 v24, v4  }
0x287: {  	v4 =	vadd.s32 v23, v4;
	[tilespmem:v43+s14+$0x0] =	vst.idx.add.s32.msk $0xffff, v0  }
0x288: {  	v4 =	vadd.s32 v22, v4;
	v5 =	vld [tilespmem:$0x1080]  }
0x289: {  	v4 =	vadd.s32 v29, v4;
	v44 =	vld [tilespmem:$0x1100]  }
0x28a: {  	v4 =	vadd.s32 v28, v4;
	v45 =	vld [tilespmem:$0x1180]  }
0x28b: {  	v46 =	vld [tilespmem:$0x1200];
	v4 =	vadd.s32 v27, v4  }
0x28c: {  	v49 =	vld [tilespmem:$0x1FF50];
	v4 =	vadd.s32 v26, v4  }
0x28d: {  	v50 =	vld [tilespmem:$0x1FF40];
	vm15 =	vnez.u8 v3;
	v4 =	vadd.s32 v5, v4  }
0x28e: {  	v51 =	vld [tilespmem:$0x1FF30];
	v3 =	vnsel vm15, $0x0, v23;
	v4 =	vadd.s32 v44, v4  }
0x28f: {  	v52 =	vld [tilespmem:$0x1FF20];
	vm15 =	vnez.u8 v47;
	v2 =	vadd.s32 v3, v2;
	v4 =	vadd.s32 v45, v4  }
0x290: {  	v53 =	vld [tilespmem:$0x1FF10];
	v3 =	vadd.s32 v46, v4;
	v4 =	vnsel vm15, $0x0, v22;
	vm15 =	vnez.u8 v48  }
0x291: {  	v54 =	vld [tilespmem:$0x1FF00];
	v2 =	vadd.s32 v4, v2;
	v4 =	vnsel vm15, $0x0, v29;
	(xrf0) =	vadd.scan.msk.s32 $0xffff, v3;
	vm15 =	vnez.u8 v49  }
0x292: {  	v2 =	vadd.s32 v4, v2;
	v4 =	vnsel vm15, $0x0, v28;
	vm15 =	vnez.u8 v50  }
0x293: {  	v2 =	vadd.s32 v4, v2;
	v4 =	vnsel vm15, $0x0, v27;
	vm15 =	vnez.u8 v51  }
0x294: {  	v2 =	vadd.s32 v4, v2;
	v4 =	vnsel vm15, $0x0, v26;
	vm15 =	vnez.u8 v52  }
0x295: {  	v2 =	vadd.s32 v4, v2;
	v4 =	vnsel vm15, $0x0, v5;
	vm15 =	vnez.u8 v53  }
0x296: {  	v2 =	vadd.s32 v4, v2;
	v4 =	vnsel vm15, $0x0, v44;
	vm15 =	vnez.u8 v54  }
0x297: {  	v2 =	vadd.s32 v4, v2;
	v4 =	vnsel vm15, $0x0, v45;
	v55, _, _ =	vpop (xrf0)  }
0x298: {  	v2 =	vadd.s32 v4, v2;
	v3 =	vsub.s32 v55, v3  }
0x299: {  	[tilespmem:$0x1280] =	vst v3;
	v2 =	vadd.s32 v3, v2  }
0x29a: {  	s19 =	simm.s32 @!p0 $0x0;
	s20 =	simm.s32 @!p0 $0x1280;
	[tilespmem:$0x1000] =	vst v2  }
0x29b: {  	[hbm4b:s4+s19] =	stream.linear.scatter @!p0 [tilespmem:s20], [sflag:$0x1], $0x80, $0x38;
	[tilespmem:$0x5380] =	vst v63  }
0x29c: {  	s19 =	simm.s32 @!p0 $0x1  }
0x29d: {  	_ =	swait.ge @!p0 [sflag:s19], $0x80  }
0x29e: {  	[sflag:s19] =	ssyncset.done @!p0 $0x0  }
0x29f: {  	[sflag:s19] =	ssyncadd.s32 @!p0 $0xFFFFFF80  }
0x2a0: {  	v2 =	vld [tilespmem:s6+$0x0];
	_ =	sdelay $0x4  }
0x2a1: {  	(xrf1) =	vunique.msk.u32 $0xffff, v2;
	_ =	sdelay $0x9  }
0x2a2: {  	v3 =	vld.idx.msk [tilespmem:v2+s15+$0x0], $0xffff;
	_ =	sdelay $0x3  }
0x2a3: {  	_, v56, _ =	vpop (xrf1)  }
0x2a4: {  	v3 =	vadd.s32 v56, v3  }
0x2a5: {  	v3 =	vadd.s32 $0xFFFFFFFF, v3  }
0x2a6: {  	[tilespmem:$0x1300] =	vst v3  }
0x2a7: {  	[tilespmem:v2+s15+$0x0] =	vst.idx.add.s32.msk $0xffff, v0  }
0x2a8: {  	v2 =	vld [tilespmem:s6+$0x10];
	_ =	sdelay $0x4  }
0x2a9: {  	(xrf1) =	vunique.msk.u32 $0xffff, v2;
	_ =	sdelay $0x9  }
0x2aa: {  	v3 =	vld.idx.msk [tilespmem:v2+s15+$0x0], $0xffff;
	_ =	sdelay $0x3  }
0x2ab: {  	_, v57, _ =	vpop (xrf1)  }
0x2ac: {  	v3 =	vadd.s32 v57, v3  }
0x2ad: {  	v3 =	vadd.s32 $0xFFFFFFFF, v3  }
0x2ae: {  	[tilespmem:$0x1310] =	vst v3  }
0x2af: {  	[tilespmem:v2+s15+$0x0] =	vst.idx.add.s32.msk $0xffff, v0  }
0x2b0: {  	v2 =	vld [tilespmem:s6+$0x20];
	_ =	sdelay $0x4  }
0x2b1: {  	(xrf1) =	vunique.msk.u32 $0xffff, v2;
	_ =	sdelay $0x9  }
0x2b2: {  	v3 =	vld.idx.msk [tilespmem:v2+s15+$0x0], $0xffff;
	_ =	sdelay $0x3  }
0x2b3: {  	_, v58, _ =	vpop (xrf1)  }
0x2b4: {  	v3 =	vadd.s32 v58, v3  }
0x2b5: {  	v3 =	vadd.s32 $0xFFFFFFFF, v3  }
0x2b6: {  	[tilespmem:$0x1320] =	vst v3  }
0x2b7: {  	[tilespmem:v2+s15+$0x0] =	vst.idx.add.s32.msk $0xffff, v0  }
0x2b8: {  	v2 =	vld [tilespmem:s6+$0x30];
	_ =	sdelay $0x4  }
0x2b9: {  	(xrf1) =	vunique.msk.u32 $0xffff, v2;
	_ =	sdelay $0x9  }
0x2ba: {  	v3 =	vld.idx.msk [tilespmem:v2+s15+$0x0], $0xffff;
	_ =	sdelay $0x3  }
0x2bb: {  	_, v59, _ =	vpop (xrf1)  }
0x2bc: {  	v3 =	vadd.s32 v59, v3  }
0x2bd: {  	v3 =	vadd.s32 $0xFFFFFFFF, v3  }
0x2be: {  	[tilespmem:$0x1330] =	vst v3  }
0x2bf: {  	[tilespmem:v2+s15+$0x0] =	vst.idx.add.s32.msk $0xffff, v0  }
0x2c0: {  	v2 =	vld [tilespmem:s6+$0x40];
	_ =	sdelay $0x4  }
0x2c1: {  	(xrf1) =	vunique.msk.u32 $0xffff, v2;
	_ =	sdelay $0x9  }
0x2c2: {  	v3 =	vld.idx.msk [tilespmem:v2+s15+$0x0], $0xffff;
	_ =	sdelay $0x3  }
0x2c3: {  	_, v60, _ =	vpop (xrf1)  }
0x2c4: {  	v3 =	vadd.s32 v60, v3  }
0x2c5: {  	v3 =	vadd.s32 $0xFFFFFFFF, v3  }
0x2c6: {  	[tilespmem:$0x1340] =	vst v3  }
0x2c7: {  	[tilespmem:v2+s15+$0x0] =	vst.idx.add.s32.msk $0xffff, v0  }
0x2c8: {  	v2 =	vld [tilespmem:s6+$0x50];
	_ =	sdelay $0x4  }
0x2c9: {  	(xrf1) =	vunique.msk.u32 $0xffff, v2;
	_ =	sdelay $0x9  }
0x2ca: {  	v3 =	vld.idx.msk [tilespmem:v2+s15+$0x0], $0xffff;
	_ =	sdelay $0x3  }
0x2cb: {  	_, v61, _ =	vpop (xrf1)  }
0x2cc: {  	v3 =	vadd.s32 v61, v3  }
0x2cd: {  	v3 =	vadd.s32 $0xFFFFFFFF, v3  }
0x2ce: {  	[tilespmem:$0x1350] =	vst v3  }
0x2cf: {  	[tilespmem:v2+s15+$0x0] =	vst.idx.add.s32.msk $0xffff, v0  }
0x2d0: {  	v2 =	vld [tilespmem:s6+$0x60];
	_ =	sdelay $0x4  }
0x2d1: {  	(xrf1) =	vunique.msk.u32 $0xffff, v2;
	_ =	sdelay $0x9  }
0x2d2: {  	v3 =	vld.idx.msk [tilespmem:v2+s15+$0x0], $0xffff;
	_ =	sdelay $0x3  }
0x2d3: {  	_, v62, _ =	vpop (xrf1)  }
0x2d4: {  	v3 =	vadd.s32 v62, v3  }
0x2d5: {  	v3 =	vadd.s32 $0xFFFFFFFF, v3  }
0x2d6: {  	[tilespmem:$0x1360] =	vst v3  }
0x2d7: {  	[tilespmem:v2+s15+$0x0] =	vst.idx.add.s32.msk $0xffff, v0  }
0x2d8: {  	v2 =	vld [tilespmem:s6+$0x70];
	_ =	sdelay $0x4  }
0x2d9: {  	(xrf1) =	vunique.msk.u32 $0xffff, v2;
	_ =	sdelay $0x9  }
0x2da: {  	v3 =	vld.idx.msk [tilespmem:v2+s15+$0x0], $0xffff;
	_ =	sdelay $0x3  }
0x2db: {  	_, v63, _ =	vpop (xrf1)  }
0x2dc: {  	v3 =	vadd.s32 v63, v3  }
0x2dd: {  	v3 =	vadd.s32 $0xFFFFFFFF, v3  }
0x2de: {  	[tilespmem:$0x1370] =	vst v3  }
0x2df: {  	[tilespmem:v2+s15+$0x0] =	vst.idx.add.s32.msk $0xffff, v0  }
0x2e0: {  	[tilespmem:s16], [sflag:$0x1] =	stream.linear.gather [hbm4b:s7+s5], $0x4000, $0x38;
	[tilespmem:$0x5380] =	vst v63  }
0x2e1: {  	_ =	swait.ge [sflag:s10], $0x4000  }
0x2e2: {  	[sflag:s10] =	ssyncset.done $0x0  }
0x2e3: {  	[sflag:s10] =	ssyncadd.s32 $0xFFFFC000  }
0x2e4: {  	[hbm4b:s2+s17] =	stream.indirect.scatter [tilespmem:s16], [sflag:$0x1], $0x80, s18, s17, $0xb8;
	[tilespmem:$0x5380] =	vst v63  }
0x2e5: {  	s9 =	sadd.s32 $0xFFFFFFFF, s9;
	_ =	swait.ge [sflag:s10], $0x4000  }
0x2e6: {  	p1 =	sne.s32 s9, $0x0;
	[sflag:s10] =	ssyncset.done $0x0  }
.Ltmp0:
0x2e7: {  	[sflag:s10] =	ssyncadd.s32 $0xFFFFC000;
	(pc) =	sbr.rel @p1 .LBB2_1-.Ltmp0, $4  }
0x2e8: {  	[hbm4b:s8+s5] =	stream.linear.scatter [tilespmem:s18], [sflag:$0x1], $0x80, $0x38;
	[tilespmem:$0x5380] =	vst v63  }
0x2e9: {  	_ =	swait.ge [sflag:s10], $0x80  }
0x2ea: {  	[sflag:s10] =	ssyncset.done $0x0  }
0x2eb: {  	[sflag:s10] =	ssyncadd.s32 $0xFFFFFF80  }
0x2ec: {  	_ =	sfence.sel $0x180000  }
0x2ed: {  	[bflag:$0x0] =	sbarrier.arrive $0xFFFF  }
0x2ee: {  	p0 =	sne.s32 s0, $0x0;
	_ =	strace $0x90000047  }
0x2ef: {  	s0 =	sadd.s32 @!p0 $0x100000, s3;
	[bflag:$0x2] =	sbarrier.arrive $0xFFFF  }
0x2f0: {  	[sflag:s0] =	ssyncadd.tile.s32 @!p0 $0x1;
	_ =	shalt  }
.Lfunc_end2:
_tile_overlayer_lowered:
.L_overlay_start_2:
0x2f1: {  	(tag) =	ssettag $0x2  }
0x2f2: {  	s0 =	rddreg [dreg:$0x0];
	s2 =	stileid.u32  }
0x2f3: {  	s1 =	rddreg [dreg:$0x1];
	p0 =	sne.s32 s2, $0x0  }
0x2f4: {  	s3 =	rddreg [dreg:$0x2];
	[bflag:$0x3] =	sbarrier.arrive $0xFFFF;
	s2 =	simm.s32 @!p0 $0x1C01  }
0x2f5: {  	[timem:s3], [sflag:s2] =	dma.local @!p0 [hbm:s0], s1  }
0x2f6: {  	s0 =	simm.s32 @!p0 $0x1  }
0x2f7: {  	_ =	swait.ge @!p0 [sflag:s0], s1  }
0x2f8: {  	s1 =	ssub.s32 @!p0 $0x0, s1;
	[sflag:s0] =	ssyncset.done @!p0 $0x0  }
0x2f9: {  	[sflag:s0] =	ssyncadd.s32 @!p0 s1  }
0x2fa: {  	[bflag:$0x3] =	sbarrier.arrive $0xFFFF  }
0x2fb: {  	_ =	shalt  }

// kernel: _run.8.cloned.1.call-start
scs
__scs_entry_jumppad:
0x0: {  	(pc) =	sbr.rel $0x88, $3  }
0x1: {  	(tag) =	ssettag $0x0;
	lr =	simm.s32 $0x1  }
0x2: {  	[smem:$0x3F97] =	sst lr;
	_ =	strace $0xD0000000  }
0x3: {  	_ = 	snop  }
0x4: {  	_ = 	snop  }
0x5: {  	_ = 	snop  }
0x6: {  	_ = 	snop  }
0x7: {  	_ = 	snop  }
__scs_overlays_trampoline_lowered:
0x8: {  	[smem:$0x3FA6] =	sst s0  }
0x9: {  	[smem:$0x3FA7] =	sst s1  }
0xa: {  	[smem:$0x3FA8] =	sst s2  }
0xb: {  	[smem:$0x3FA9] =	sst s3  }
0xc: {  	[smem:$0x3FAA] =	sst s4  }
0xd: {  	[smem:$0x3FAB] =	sst s5  }
0xe: {  	[smem:$0x3FAC] =	sst s6  }
0xf: {  	[smem:$0x3FAD] =	sst s7  }
0x10: {  	[smem:$0x3FAE] =	sst s8  }
0x11: {  	[smem:$0x3FAF] =	sst s9;
	s0 =	simm.s32 @!p0 $0x0  }
0x12: {  	s1 =	sld [smem:$0x3F95];
	s0 =	simm.s32 @p0 $0x1  }
0x13: {  	[smem:$0x3FB0] =	sst s0;
	s0 =	simm.s32 @!p1 $0x0  }
0x14: {  	s2 =	sld [smem:$0x3F94];
	s0 =	simm.s32 @p1 $0x1  }
0x15: {  	[smem:$0x3FB1] =	sst s0;
	s0 =	simm.s32 @!p2 $0x0  }
0x16: {  	s3 =	sld [smem:$0x3FDB];
	s0 =	simm.s32 @p2 $0x1  }
0x17: {  	s4 =	simm.s32 $0x1BF5;
	[smem:$0x3FB3] =	sst s0  }
0x18: {  	s0 =	sld [smem:$0x3F96];
	_ =	swait.ge [sflag:s4], $0x0  }
0x19: {  	s7 =	sld [smem:$0x3F97]  }
0x1a: {  	s8 =	sadd.s32 $0xFFFFE003, lr  }
0x1b: {  	s9 =	sadd.s32 $0xFFFFFEF7, lr;
	s5 =	simm.s32 $0xFFFFFFFF;
	p2 =	slt.u32 s8, $0xFFFFF086  }
0x1c: {  	p1 =	slt.u32 s9, $0xF7A;
	s5 =	simm.s32 @!p2 $0x0  }
0x1d: {  	s5 =	simm.s32 @p1 $0x1;
	p0 =	seq.s32 s7, s2  }
0x1e: {  	s7 =	smul.u32 @!p0 $0xF7A, s2;
	p2 =	seq.s32 @!p0 s5, $0x0  }
0x1f: {  	s9 =	smul.u32 $0xF7A, s1;
	s8 =	simm.s32 @!p0 $0x1BF5;
	p2 =	por !p2, p0  }
0x20: {  	[sflag:s8] =	ssyncset.s32 @!p0 $0xFFFFF086;
	s6 =	sadd.s32 @!p0 s3, s7;
	s7 =	simm.s32 @!p0 $0x108  }
0x21: {  	s3 =	sadd.s32 s3, s9;
	s6 =	sadd.s32 @!p0 $0x88, s6;
	s7 =	simm.s32 @p2 $0x1082  }
0x22: {  	[simem:s7], [sflag:s8] =	dma.local @!p0 [hbm:s6], $0xF7A  }
0x23: {  	s9 =	sor.u32 $0xD0000000, s2;
	s6 =	simm.s32 $0x108;
	_ =	swait.ge @!p0 [sflag:s8], $0x0  }
0x24: {  	s3 =	sadd.s32 $0x88, s3;
	s6 =	simm.s32 @!p1 $0x1082;
	[sflag:s4] =	ssyncset.s32 $0xFFFFF086  }
0x25: {  	[simem:s6], [sflag:s4] =	dma.local [hbm:s3], $0xF7A  }
0x26: {  	[smem:$0x3F97] =	sst s1;
	(tag) =	ssettag s2;
	_ =	strace s9  }
0x27: {  	s1 =	sld [smem:$0x3FA7]  }
0x28: {  	s2 =	sld [smem:$0x3FA8]  }
0x29: {  	s4 =	sld [smem:$0x3FAA]  }
0x2a: {  	p0 =	seq.s32 s5, $0x0;
	s5 =	sld [smem:$0x3FAB]  }
0x2b: {  	s6 =	sld [smem:$0x3FAC]  }
0x2c: {  	s7 =	sld [smem:$0x3FAD]  }
0x2d: {  	s3 =	simm.s32 $0x108;
	s8 =	sld [smem:$0x3FAE]  }
0x2e: {  	s3 =	simm.s32 @!p0 $0x1082;
	s9 =	sld [smem:$0x3FAF]  }
0x2f: {  	lr =	sadd.s32 s0, s3;
	s0 =	sld [smem:$0x3FA6]  }
0x30: {  	s3 =	sld [smem:$0x3FA9]  }
0x31: {  	[smem:$0x3FB2] =	sst s10  }
0x32: {  	s10 =	sld [smem:$0x3FB0];
	_ =	sdelay $0x3  }
0x33: {  	p0 =	seq.s32 s10, $0x1;
	s10 =	sld [smem:$0x3FB2];
	_ =	sdelay $0x3  }
0x34: {  	[smem:$0x3FB2] =	sst s10  }
0x35: {  	s10 =	sld [smem:$0x3FB1];
	_ =	sdelay $0x3  }
0x36: {  	p1 =	seq.s32 s10, $0x1;
	s10 =	sld [smem:$0x3FB2];
	_ =	sdelay $0x3  }
0x37: {  	[smem:$0x3FB2] =	sst s10  }
0x38: {  	s10 =	sld [smem:$0x3FB3]  }
0x39: {  	_ = 	snop;
	(pc) =	sbr.ind lr, $3  }
0x3a: {  	_ = 	snop  }
0x3b: {  	_ = 	snop  }
0x3c: {  	p2 =	seq.s32 s10, $0x1;
	s10 =	sld [smem:$0x3FB2]  }
0x3d: {  	_ =	shalt  }
0x3e: {  	_ =	shalt  }
0x3f: {  	_ =	shalt  }
0x40: {  	_ =	shalt  }
0x41: {  	_ =	shalt  }
0x42: {  	_ =	shalt  }
0x43: {  	_ =	shalt  }
0x44: {  	_ =	shalt  }
0x45: {  	_ =	shalt  }
0x46: {  	_ =	shalt  }
0x47: {  	_ =	shalt  }
0x48: {  	_ =	shalt  }
0x49: {  	_ =	shalt  }
0x4a: {  	_ =	shalt  }
0x4b: {  	_ =	shalt  }
0x4c: {  	_ =	shalt  }
0x4d: {  	_ =	shalt  }
0x4e: {  	_ =	shalt  }
0x4f: {  	_ =	shalt  }
0x50: {  	_ =	shalt  }
0x51: {  	_ =	shalt  }
0x52: {  	_ =	shalt  }
0x53: {  	_ =	shalt  }
0x54: {  	_ =	shalt  }
0x55: {  	_ =	shalt  }
0x56: {  	_ =	shalt  }
0x57: {  	_ =	shalt  }
0x58: {  	_ =	shalt  }
0x59: {  	_ =	shalt  }
0x5a: {  	_ =	shalt  }
0x5b: {  	_ =	shalt  }
0x5c: {  	_ =	shalt  }
0x5d: {  	_ =	shalt  }
0x5e: {  	_ =	shalt  }
0x5f: {  	_ =	shalt  }
0x60: {  	_ =	shalt  }
0x61: {  	_ =	shalt  }
0x62: {  	_ =	shalt  }
0x63: {  	_ =	shalt  }
0x64: {  	_ =	shalt  }
0x65: {  	_ =	shalt  }
0x66: {  	_ =	shalt  }
0x67: {  	_ =	shalt  }
0x68: {  	_ =	shalt  }
0x69: {  	_ =	shalt  }
0x6a: {  	_ =	shalt  }
0x6b: {  	_ =	shalt  }
0x6c: {  	_ =	shalt  }
0x6d: {  	_ =	shalt  }
0x6e: {  	_ =	shalt  }
0x6f: {  	_ =	shalt  }
0x70: {  	_ =	shalt  }
0x71: {  	_ =	shalt  }
0x72: {  	_ =	shalt  }
0x73: {  	_ =	shalt  }
0x74: {  	_ =	shalt  }
0x75: {  	_ =	shalt  }
0x76: {  	_ =	shalt  }
0x77: {  	_ =	shalt  }
0x78: {  	_ =	shalt  }
0x79: {  	_ =	shalt  }
0x7a: {  	_ =	shalt  }
0x7b: {  	_ =	shalt  }
0x7c: {  	_ =	shalt  }
0x7d: {  	_ =	shalt  }
0x7e: {  	_ =	shalt  }
0x7f: {  	_ =	shalt  }
0x80: {  	_ =	shalt  }
0x81: {  	_ =	shalt  }
0x82: {  	_ =	shalt  }
0x83: {  	_ =	shalt  }
0x84: {  	_ =	shalt  }
0x85: {  	_ =	shalt  }
0x86: {  	_ =	shalt  }
0x87: {  	_ =	shalt  }
.Lfunc_end0:
.L_simem_size_0:
called_computation.1_lowered:
.L_overlay_start_0:
0x88: {  	s2 =	sld [smem:$0x3FD9]  }
0x89: {  	s3 =	sld [smem:$0x3FFE];
	_ =	sdelay $0x1  }
0x8a: {  	s1 =	srdreg.scid  }
0x8b: {  	s0 =	sand.u32 $0x1, s1  }
0x8c: {  	s14 =	sshll.u32 s0, $0xA;
	s2 =	sadd.s32 s3, s2  }
0x8d: {  	s2 =	sadd.s32 s2, s14  }
0x8e: {  	[smem:$0x3FBE] =	sst s2  }
0x8f: {  	_ = 	snop  }
0x90: {  	s2 =	sld [smem:$0x3FD0];
	_ =	sdelay $0x2  }
0x91: {  	s15 =	simm.s32 $0xA;
	s4 =	simm.s32 $0x10  }
0x92: {  	[smem:s4], [sflag:s15] =	dma.local [hbm:s2], $0x1  }
0x93: {  	_ =	swait.eq [sflag:s15], $0x1  }
0x94: {  	[sflag:s15] =	ssyncset.done $0x0  }
0x95: {  	s16 =	sld [smem:$0x10];
	[sflag:s15] =	ssyncadd.s32 $0xFFFFFFFF  }
0x96: {  	s17 =	sld [smem:$0x11];
	(tm) =	ssettm $0x1  }
0x97: {  	s18 =	sld [smem:$0x3FFB];
	_ =	sdelay $0x3  }
0x98: {  	_ =	strace s18  }
0x99: {  	s4 =	sld [smem:$0x3FFC];
	_ =	sdelay $0x3  }
0x9a: {  	_ =	strace s4  }
0x9b: {  	s4 =	sld [smem:$0x3FFD];
	_ =	sdelay $0x3  }
0x9c: {  	_ =	strace s4  }
0x9d: {  	_ =	strace $0x8FFFFFFF  }
0x9e: {  	s19 =	sld [smem:$0x3FDB];
	_ =	sdelay $0x1  }
0x9f: {  	s5 =	simm.s32 $_scs_section_size  }
0xa0: {  	s6 =	simm.s32 $_size__tile_overlayer_lowered;
	s7 =	simm.s32 $_tile_overlayer_lowered  }
0xa1: {  	s22 =	simm.s32 $0x1BFF;
	s21 =	sshll.u32 s7, $0x1;
	s4 =	sadd.s32 s5, s19  }
0xa2: {  	s8 =	simm.s32 $0x0;
	s20 =	sshll.u32 s6, $0x1;
	s6 =	sadd.s32 s21, s4  }
0xa3: {  	[timem:s8], [sflag:s22] =	dma.local [hbm:s6], s20  }
0xa4: {  	_ =	swait.ge [sflag:s22], s20  }
0xa5: {  	s5 =	ssub.s32 $0x0, s20;
	[sflag:s22] =	ssyncset.done $0x0  }
0xa6: {  	[sflag:s22] =	ssyncadd.s32 s5;
	_ =	sdelay $0x1  }
0xa7: {  	s23 =	simm.s32 $0x1B8B  }
0xa8: {  	_ =	swait.ge [sflag:s23], $0x1  }
0xa9: {  	[sflag:s23] =	ssyncset.done $0x0  }
0xaa: {  	s25 =	simm.s32 $0x1B8E;
	s24 =	sld [smem:$0x3FFE];
	[sflag:s23] =	ssyncadd.s32 $0xFFFFFFFF  }
0xab: {  	s26 =	simm.s32 $execute0_lowered;
	[smem:$0x3FD2] =	sst s25  }
0xac: {  	s6 =	sshll.u32 s26, $0x1;
	_ =	strace $0x80000049;
	[dreg:$0x1] =	wrdreg $0xFFFFFFFF  }
0xad: {  	s28 =	simm.s32 $_size_execute0_lowered;
	s4 =	sadd.s32 s4, s6;
	[dreg:$0x0] =	wrdreg $0x0  }
0xae: {  	s6 =	sshll.u32 s28, $0x1;
	[dreg:$0x2] =	wrdreg s4  }
0xaf: {  	[dreg:$0x3] =	wrdreg s6  }
0xb0: {  	[dreg:$0x4] =	wrdreg $0xC0  }
0xb1: {  	_ =	task [dreg:s8], $0x5FFFF  }
0xb2: {  	[dreg:$0x1] =	wrdreg $0xFFFFFFFF  }
0xb3: {  	[dreg:$0x0] =	wrdreg $0x60  }
0xb4: {  	[dreg:$0x2] =	wrdreg s24  }
0xb5: {  	[dreg:$0x3] =	wrdreg s16  }
0xb6: {  	[dreg:$0x4] =	wrdreg s17  }
0xb7: {  	[dreg:$0x5] =	wrdreg $0x9  }
0xb8: {  	_ =	task.clear_ibuf [dreg:s8], $0x6FFFF;
	_ =	strace $0x90000049  }
0xb9: {  	s29 =	simm.s32 $0x9;
	_ =	strace $0x8000004B  }
0xba: {  	_ =	swait.ge [sflag:s29], $0x1  }
0xbb: {  	[sflag:s29] =	ssyncadd.s32 $0xFFFFFFFF  }
0xbc: {  	_ =	strace $0x9000004B  }
0xbd: {  	_ =	sfence  }
0xbe: {  	s30 =	sld [smem:$0x0];
	_ =	sdelay $0x2  }
0xbf: {  	s31 =	sshll.u32 s1, $0xD;
	s1 =	sshrl.u32 s1, $0x2  }
0xc0: {  	s3 =	sand.u32 $0x4000, s31;
	s1 =	sadd.s32 s1, s30  }
0xc1: {  	s0 =	sor.u32 s3, s0;
	s1 =	sshll.u32 s1, $0x11  }
0xc2: {  	s0 =	sor.u32 s1, s0  }
0xc3: {  	s0 =	sadd.s32 $0x8F2B, s0  }
0xc4: {  	[sflag:s0] =	ssyncadd.remote.s32 $0x1  }
0xc5: {  	_ =	sfence.sel $0xFFFF  }
0xc6: {  	[dreg:$0x0] =	wrdreg $0xFFFFFFFF;
	(pc) =	sbr.abs _section_cstart, $3  }
0xc7: {  	[dreg:$0x1] =	wrdreg $0xFFFFFFFF  }
0xc8: {  	_ =	task.clear_ibuf [dreg:s8], $0x2FFFF;
	_ =	strace $0x9FFFFFFF  }
0xc9: {  	(tm) =	ssettm $0x7FFFFFFF  }
tec
execute0_lowered:
.L_overlay_start_1:
0x0: {  	(tag) =	ssettag $0x1  }
0x1: {  	s1 =	srdreg.scid  }
0x2: {  	s7 =	rddreg [dreg:$0x0];
	s0 =	stileid.u32;
	s9 =	sand.u32 $0x1, s1  }
0x3: {  	s10 =	rddreg [dreg:$0x1];
	s29 =	sshll.u32 s0, $0x8;
	s2 =	sshll.u32 s9, $0x7  }
0x4: {  	s11 =	rddreg [dreg:$0x2];
	s12 =	sor.u32 s2, s29  }
0x5: {  	s1 =	rddreg [dreg:$0x3];
	s2 =	simm.s32 $0x0;
	s3 =	sshrl.u32 s12, $0x3  }
0x6: {  	[smem:$0x7FF] =	sst s2;
	s3 =	sadd.s32 s3, s7  }
0x7: {  	_ =	strace $0x8000004A;
	s4 =	sadd.s32 $0x2800, s3;
	s3 =	simm.s32 $0x1  }
0x8: {  	[tilespmem:s2], [sflag:$0x1] =	stream.linear.gather [hbm4b:s4+s2], $0x80, $0x38;
	[tilespmem:$0x8080] =	vst v63  }
0x9: {  	_ =	swait.ge [sflag:s3], $0x80  }
0xa: {  	[sflag:s3] =	ssyncset.done $0x0  }
0xb: {  	s6 =	simm.s32 $0x80;
	s5 =	sadd.s32 $0x2A00, s7;
	[sflag:s3] =	ssyncadd.s32 $0xFFFFFF80  }
0xc: {  	[tilespmem:s6], [sflag:$0x1] =	stream.indirect.gather [hbm4b:s5+s6], $0x80, s2, s6, $0xb8;
	[tilespmem:$0x8080] =	vst v63  }
0xd: {  	_ =	swait.ge [sflag:s3], $0x4000  }
0xe: {  	s8 =	simm.s32 $0x4080;
	[sflag:s3] =	ssyncset.done $0x0  }
0xf: {  	s13 =	ssub.s32 $0x2, s9;
	s7 =	sadd.s32 $0x12A00, s7;
	[sflag:s3] =	ssyncadd.s32 $0xFFFFC000  }
0x10: {  	[tilespmem:s8], [sflag:$0x1] =	stream.indirect.gather [hbm4b:s7+s6], $0x80, s2, s6, $0xb8;
	[tilespmem:$0x8080] =	vst v63  }
0x11: {  	s30 =	sshrl.u32 s13, $0x1;
	_ =	swait.ge [sflag:s3], $0x4000  }
0x12: {  	s12 =	sshll.u32 s12, $0x4;
	s13 =	ssub.s32 s13, s30;
	[sflag:s3] =	ssyncset.done $0x0  }
0x13: {  	s9 =	sadd.s32 s10, s12;
	s31 =	smax.u32 s13, $0x1;
	[sflag:s3] =	ssyncadd.s32 $0xFFFFC000  }
0x14: {  	[hbm4b:s9+s2] =	stream.linear.scatter [tilespmem:s6], [sflag:$0x1], $0x4000, $0x38;
	[tilespmem:$0x8080] =	vst v63  }
0x15: {  	p0 =	sne.s32 s31, $0x1;
	_ =	swait.ge [sflag:s3], $0x4000  }
.Ltmp0:
0x16: {  	[sflag:s3] =	ssyncset.done $0x0;
	(pc) =	sbr.rel @!p0 .LBB2_2-.Ltmp0, $4  }
0x17: {  	s10 =	sadd.s32 s11, s12;
	[sflag:s3] =	ssyncadd.s32 $0xFFFFC000  }
0x18: {  	[hbm4b:s10+s2] =	stream.linear.scatter [tilespmem:s8], [sflag:$0x1], $0x4000, $0x38;
	[tilespmem:$0x8080] =	vst v63  }
0x19: {  	_ =	swait.ge [sflag:s3], $0x4000  }
0x1a: {  	s11 =	sadd.s32 $0xFFFFFFFF, s31;
	[sflag:s3] =	ssyncset.done $0x0  }
.LBB2_1:
0x1b: {  	p0 =	sne.s32 s11, $0x1;
	s11 =	sadd.s32 $0xFFFFFFFF, s11;
	[sflag:s3] =	ssyncadd.s32 $0xFFFFC000  }
0x1c: {  	[tilespmem:s2], [sflag:$0x1] =	stream.linear.gather [hbm4b:s4+s2], $0x80, $0x38;
	[tilespmem:$0x8080] =	vst v63  }
0x1d: {  	_ =	swait.ge [sflag:s3], $0x80  }
0x1e: {  	[sflag:s3] =	ssyncset.done $0x0  }
0x1f: {  	[sflag:s3] =	ssyncadd.s32 $0xFFFFFF80  }
0x20: {  	[tilespmem:s6], [sflag:$0x1] =	stream.indirect.gather [hbm4b:s5+s6], $0x80, s2, s6, $0xb8;
	[tilespmem:$0x8080] =	vst v63  }
0x21: {  	_ =	swait.ge [sflag:s3], $0x4000  }
0x22: {  	[sflag:s3] =	ssyncset.done $0x0  }
0x23: {  	[sflag:s3] =	ssyncadd.s32 $0xFFFFC000  }
0x24: {  	[tilespmem:s8], [sflag:$0x1] =	stream.indirect.gather [hbm4b:s7+s6], $0x80, s2, s6, $0xb8;
	[tilespmem:$0x8080] =	vst v63  }
0x25: {  	_ =	swait.ge [sflag:s3], $0x4000  }
0x26: {  	[sflag:s3] =	ssyncset.done $0x0  }
0x27: {  	[sflag:s3] =	ssyncadd.s32 $0xFFFFC000  }
0x28: {  	[hbm4b:s9+s2] =	stream.linear.scatter [tilespmem:s6], [sflag:$0x1], $0x4000, $0x38;
	[tilespmem:$0x8080] =	vst v63  }
0x29: {  	_ =	swait.ge [sflag:s3], $0x4000  }
.Ltmp1:
0x2a: {  	[sflag:s3] =	ssyncset.done $0x0;
	(pc) =	sbr.rel @p0 .LBB2_1-.Ltmp1, $4  }
0x2b: {  	[sflag:s3] =	ssyncadd.s32 $0xFFFFC000  }
0x2c: {  	[hbm4b:s10+s2] =	stream.linear.scatter [tilespmem:s8], [sflag:$0x1], $0x4000, $0x38;
	[tilespmem:$0x8080] =	vst v63  }
0x2d: {  	_ =	swait.ge [sflag:s3], $0x4000  }
0x2e: {  	[sflag:s3] =	ssyncset.done $0x0  }
.LBB2_2:
0x2f: {  	[sflag:s3] =	ssyncadd.s32 $0xFFFFC000  }
0x30: {  	_ =	sfence.sel $0x180000  }
0x31: {  	[bflag:$0x0] =	sbarrier.arrive $0xFFFF  }
0x32: {  	p0 =	sne.s32 s0, $0x0;
	_ =	strace $0x9000004A  }
0x33: {  	s0 =	sadd.s32 @!p0 $0x100000, s1;
	[bflag:$0x2] =	sbarrier.arrive $0xFFFF  }
0x34: {  	[sflag:s0] =	ssyncadd.tile.s32 @!p0 $0x1;
	_ =	shalt  }
.Lfunc_end2:
_tile_overlayer_lowered:
.L_overlay_start_2:
0x35: {  	(tag) =	ssettag $0x2  }
0x36: {  	s0 =	rddreg [dreg:$0x0];
	s2 =	stileid.u32  }
0x37: {  	s1 =	rddreg [dreg:$0x1];
	p0 =	sne.s32 s2, $0x0  }
0x38: {  	s3 =	rddreg [dreg:$0x2];
	[bflag:$0x3] =	sbarrier.arrive $0xFFFF;
	s2 =	simm.s32 @!p0 $0x1C01  }
0x39: {  	[timem:s3], [sflag:s2] =	dma.local @!p0 [hbm:s0], s1  }
0x3a: {  	s0 =	simm.s32 @!p0 $0x1  }
0x3b: {  	_ =	swait.ge @!p0 [sflag:s0], s1  }
0x3c: {  	s1 =	ssub.s32 @!p0 $0x0, s1;
	[sflag:s0] =	ssyncset.done @!p0 $0x0  }
0x3d: {  	[sflag:s0] =	ssyncadd.s32 @!p0 s1  }
0x3e: {  	[bflag:$0x3] =	sbarrier.arrive $0xFFFF  }
0x3f: {  	_ =	shalt  }

</sc_bundles>
